<compile_context>
chip_gen: v7x
topology: tpu7x:2x2x1
jax: 0.10.2.dev20260603
libtpu: 0.0.44.dev20260713+nightly
codegen_flags: <defaults>
</compile_context>

<pallas_src>
import functools

import jax
import jax.numpy as jnp
from jax import lax
from jax.experimental import pallas as pl
from jax.experimental.pallas import tpu as pltpu
from jax.experimental.pallas import tpu_sc as plsc

_ANCHORS = ((42.0, 44.0), (88.0, 96.0), (145.0, 240.0), (282.0, 150.0), (350.0, 330.0))
_C = 20
_IMG = 512.0
_L_COORD, _L_NOOBJ, _L_OBJ, _L_CLASS = 5.0, 0.5, 1.0, 1.0
_B, _A, _H, _W = 32, 5, 32, 32
_NOBJ = 24
_NCH = _A * 25
_NC, _NS = 2, 16
_LN2 = 0.6931471805599453


def _ln(x):
    bits = plsc.bitcast(x, jnp.int32)
    e = ((bits >> 23) & 0xFF) - 127
    m = plsc.bitcast((bits & 0x007FFFFF) | 0x3F800000, jnp.float32)
    big = m > 1.4142135
    m = jnp.where(big, m * 0.5, m)
    e = e + jnp.where(big, 1, 0)
    s = (m - 1.0) / (m + 1.0)
    z = s * s
    t = 1.0 / 9.0
    t = 1.0 / 7.0 + z * t
    t = 1.0 / 5.0 + z * t
    t = 1.0 / 3.0 + z * t
    lnm = 2.0 * s * (1.0 + z * t)
    return e.astype(jnp.float32) * _LN2 + lnm


def _sigmoid(x):
    return 1.0 / (1.0 + jnp.exp(-x))


def _per_object(tgt_v, chunk):
    sl = pl.ds(chunk * 16, 16)
    t0 = tgt_v[0, sl]
    t1 = tgt_v[1, sl]
    t2 = tgt_v[2, sl]
    t3 = tgt_v[3, sl]
    t4 = tgt_v[4, sl]
    gx = t0 * float(_W)
    gy = t1 * float(_H)
    gw = t2 * float(_W)
    gh = t3 * float(_H)
    gi = jnp.clip(gx.astype(jnp.int32), 0, _W - 1)
    gj = jnp.clip(gy.astype(jnp.int32), 0, _H - 1)
    gtw = t2 * _IMG
    gth = t3 * _IMG
    best = jnp.zeros((16,), jnp.int32)
    bestiou = jnp.full((16,), -1.0, jnp.float32)
    for a, (aw, ah) in enumerate(_ANCHORS):
        inter = jnp.minimum(gtw, aw) * jnp.minimum(gth, ah)
        union = gtw * gth + (aw * ah) - inter
        iou = inter / union
        upd = iou > bestiou
        best = jnp.where(upd, a, best)
        bestiou = jnp.where(upd, iou, bestiou)
    stride = _IMG / _H
    pw = jnp.full((16,), _ANCHORS[0][0] / stride, jnp.float32)
    ph = jnp.full((16,), _ANCHORS[0][1] / stride, jnp.float32)
    for a, (aw, ah) in enumerate(_ANCHORS):
        if a == 0:
            continue
        pw = jnp.where(best == a, aw / stride, pw)
        ph = jnp.where(best == a, ah / stride, ph)
    return dict(
        tx=gx - gi.astype(jnp.float32),
        ty=gy - gj.astype(jnp.float32),
        tw=_ln(gw / pw + 1e-16),
        th=_ln(gh / ph + 1e-16),
        cls=jnp.clip(t4.astype(jnp.int32), 0, _C - 1),
        gi=gi,
        gj=gj,
        ch0=best * 25,
        key=best * (_H * _W) + gj * _W + gi,
    )


def _corrections(grp_v, obj, win, chunk):
    lanes = lax.iota(jnp.int32, 16)
    o_vec = lanes + chunk * 16
    sub = obj["gi"] & 7
    vals = [plsc.load_gather(grp_v, [o_vec, sub, obj["ch0"] + c])
            for c in range(25)]

    def _sq(d):
        return d * d

    sx = _sigmoid(vals[0])
    sy = _sigmoid(vals[1])
    sc = _sigmoid(vals[4])
    coord = (_sq(sx - obj["tx"]) + _sq(sy - obj["ty"])
             + _sq(vals[2] - obj["tw"]) + _sq(vals[3] - obj["th"]))
    m = vals[5]
    for c in range(6, 25):
        m = jnp.maximum(m, vals[c])
    ssum = jnp.zeros((16,), jnp.float32)
    picked = jnp.zeros((16,), jnp.float32)
    for c in range(20):
        ssum = ssum + jnp.exp(vals[5 + c] - m)
        picked = picked + jnp.where(obj["cls"] == c, vals[5 + c], 0.0)
    lse = m + _ln(ssum)
    corr = (_L_COORD * coord + _L_OBJ * _sq(sc - 1.0) - _L_NOOBJ * sc * sc
            + _L_CLASS * (lse - picked))
    return jnp.where(win, corr, 0.0)


def _make_kernel():
    mesh = plsc.VectorSubcoreMesh(core_axis_name="c", subcore_axis_name="s")

    @functools.partial(
        pl.kernel,
        mesh=mesh,
        compiler_params=pltpu.CompilerParams(needs_layout_passes=False),
        out_type=jax.ShapeDtypeStruct((_B, 16), jnp.float32),
        scratch_types=[
            pltpu.VMEM((5, 32), jnp.float32),
            pltpu.VMEM((_A * _H * _W,), jnp.int32),
            pltpu.VMEM((_NOBJ, 8, 125), jnp.float32),
            pltpu.VMEM((16,), jnp.float32),
            pltpu.SemaphoreType.DMA,
        ],
    )
    def yolo_loss_sc(rows2d, tpad, part_out, tgt_v, slot_v,
                     grp_v, res_v, semc):
        b = lax.axis_index("s") * _NC + lax.axis_index("c")
        lanes = lax.iota(jnp.int32, 16)

        pltpu.sync_copy(tpad.at[b], tgt_v)

        obj0 = _per_object(tgt_v, 0)
        obj1 = _per_object(tgt_v, 1)

        for o in range(16):
            plsc.store_scatter(slot_v, [obj0["key"]], lanes, mask=lanes == o)
        for o in range(_NOBJ - 16):
            plsc.store_scatter(slot_v, [obj1["key"]], lanes + 16, mask=lanes == o)
        win0 = plsc.load_gather(slot_v, [obj0["key"]]) == lanes
        win1 = ((plsc.load_gather(slot_v, [obj1["key"]]) == lanes + 16)
                & (lanes < _NOBJ - 16))

        row0 = (b * _H + obj0["gj"]) * _W + obj0["gi"]
        row1 = (b * _H + obj1["gj"]) * _W + obj1["gi"]
        cps = []
        for o in range(_NOBJ):
            rvec = row0 if o < 16 else row1
            base = pl.multiple_of((rvec[o % 16] >> 3) << 3, 8)
            cps.append(pltpu.async_copy(rows2d.at[pl.ds(base, 8)],
                                        grp_v.at[o], semc))
        for cp in cps:
            cp.wait()
        corr = (_corrections(grp_v, obj0, win0, 0)
                + _corrections(grp_v, obj1, win1, 1))

        res_v[...] = corr * (1.0 / _B)
        pltpu.sync_copy(res_v, part_out.at[b])

    return yolo_loss_sc


_kernel_fn = _make_kernel()

_TC_ROWS = 16384


def _conf_tc_body(rows_ref, out_ref):
    i = pl.program_id(0)

    @pl.when(i == 0)
    def _():
        out_ref[0, 0] = 0.0

    x = rows_ref[...]
    ch = lax.broadcasted_iota(jnp.int32, x.shape, 1)
    s = _sigmoid(x)
    y = jnp.where(lax.rem(ch, 25) == 4, s * s, 0.0)
    out_ref[0, 0] += jnp.sum(y)


_conf_tc = pl.pallas_call(
    _conf_tc_body,
    grid=(_B * _H * _W // _TC_ROWS,),
    in_specs=[pl.BlockSpec((_TC_ROWS, _NCH), lambda i: (i, 0))],
    out_specs=pl.BlockSpec(memory_space=pltpu.SMEM),
    out_shape=jax.ShapeDtypeStruct((1, 1), jnp.float32),
    compiler_params=pltpu.CompilerParams(
        dimension_semantics=("arbitrary",)),
)


def kernel(output, targets):
    outv = output.transpose(0, 2, 3, 1)
    rows2d = outv.reshape(_B * _H * _W, _NCH)
    tpad = jnp.pad(targets, ((0, 0), (0, 32 - _NOBJ), (0, 0))).transpose(0, 2, 1)
    parts = _kernel_fn(rows2d, tpad)
    dense = _conf_tc(rows2d)
    return jnp.sum(parts) + (_L_NOOBJ / _B) * dense[0, 0]

# --- scband reference (transcript-rebuilt; emitter-appended) ---
"""Pipeline reference for scband-yolov2-grid-loss-16269336118029 (READ-ONLY COPY).

The authoritative reference and input builder live on the scoring server;
editing this copy changes nothing except your own understanding.
"""

import jax, jax.numpy as jnp
import numpy as np

ANCHORS = jnp.array([[42.0, 44.0], [88.0, 96.0], [145.0, 240.0], [282.0, 150.0], [350.0, 330.0]], dtype=jnp.float32)
NUM_CLASSES = 20
IMG_SIZE = 512.0
L_COORD, L_NOOBJ, L_OBJ, L_CLASS = 5.0, 0.5, 1.0, 1.0


def setup_inputs(seed: int = 0):
    key = jax.random.key(seed)
    k1, k2 = jax.random.split(key)
    output = jax.random.normal(k1, (32, 125, 32, 32), dtype=jnp.float32)
    targets = jax.random.uniform(k2, (32, 24, 5), dtype=jnp.float32)
    return {"output": output, "targets": targets}


def _yolo_loss(output, targets):
    A = ANCHORS.shape[0]
    C = NUM_CLASSES
    B, _, H, W = output.shape
    out = output.reshape(B, A, 5 + C, H, W).transpose(0, 1, 3, 4, 2)
    pred_tx = jax.nn.sigmoid(out[..., 0])
    pred_ty = jax.nn.sigmoid(out[..., 1])
    pred_tw = out[..., 2]
    pred_th = out[..., 3]
    pred_conf = jax.nn.sigmoid(out[..., 4])
    pred_class = out[..., 5:]
    stride = IMG_SIZE / H
    scaled_anchors = ANCHORS / stride
    gx = targets[..., 0] * W
    gy = targets[..., 1] * H
    gw = targets[..., 2] * W
    gh = targets[..., 3] * H
    gi = jnp.clip(jax.lax.stop_gradient(gx).astype(jnp.int32), 0, W - 1)
    gj = jnp.clip(jax.lax.stop_gradient(gy).astype(jnp.int32), 0, H - 1)
    gt_wh = targets[..., 2:4] * IMG_SIZE
    inter_w = jnp.minimum(gt_wh[..., 0][..., None], ANCHORS[:, 0][None, None, :])
    inter_h = jnp.minimum(gt_wh[..., 1][..., None], ANCHORS[:, 1][None, None, :])
    inter_area = inter_w * inter_h
    union = gt_wh[..., 0][..., None] * gt_wh[..., 1][..., None] + (ANCHORS[:, 0] * ANCHORS[:, 1])[None, None, :] - inter_area
    ious = inter_area / union
    best_n = jnp.argmax(ious, axis=-1)
    Nobj = best_n.shape[1]
    b_idx = jnp.broadcast_to(jnp.arange(B)[:, None], (B, Nobj))
    idx = (b_idx, best_n, gj, gi)
    zeros = jnp.zeros((B, A, H, W), dtype=jnp.float32)
    obj_mask = zeros.at[idx].set(1.0)
    noobj_mask = jnp.ones((B, A, H, W), dtype=jnp.float32).at[idx].set(0.0)
    tx_t = zeros.at[idx].set(gx - gi.astype(jnp.float32))
    ty_t = zeros.at[idx].set(gy - gj.astype(jnp.float32))
    pw = scaled_anchors[best_n, 0]
    ph = scaled_anchors[best_n, 1]
    tw_t = zeros.at[idx].set(jnp.log(gw / pw + 1e-16))
    th_t = zeros.at[idx].set(jnp.log(gh / ph + 1e-16))
    tconf_t = zeros.at[idx].set(1.0)
    tcls_t = jnp.zeros((B, A, H, W), dtype=jnp.int32).at[idx].set(jax.lax.stop_gradient(targets[..., 4]).astype(jnp.int32))
    loss_x = jnp.sum(obj_mask * (pred_tx - tx_t) ** 2)
    loss_y = jnp.sum(obj_mask * (pred_ty - ty_t) ** 2)
    loss_w = jnp.sum(obj_mask * (pred_tw - tw_t) ** 2)
    loss_h = jnp.sum(obj_mask * (pred_th - th_t) ** 2)
    loss_coord = (loss_x + loss_y + loss_w + loss_h) * L_COORD
    loss_conf_obj = jnp.sum(obj_mask * (pred_conf - tconf_t) ** 2) * L_OBJ
    loss_conf_noobj = jnp.sum(noobj_mask * (pred_conf - tconf_t) ** 2) * L_NOOBJ
    logsm = jax.nn.log_softmax(pred_class, axis=-1)
    picked = jnp.take_along_axis(logsm, tcls_t[..., None], axis=-1)[..., 0]
    loss_cls = -jnp.sum(obj_mask * picked) * L_CLASS
    return (loss_coord + loss_conf_obj + loss_conf_noobj + loss_cls) / B


def reference(output, targets):
    return _yolo_loss(output, targets)

if __name__ == "__main__":
    import jax
    _d = setup_inputs()
    print(jax.jit(kernel)(*tuple(_d.values())))

</pallas_src>

<mosaic_0001>
#map = affine_map<(d0, d1) -> (0, 0)>
#map1 = affine_map<(d0, d1) -> (0, 0, 0)>
module attributes {stable_mosaic.version = 14 : i64} {
  func.func @yolo_loss_sc(%arg0: i32, %arg1: i32, %arg2: memref<32768x125xf32, #tpu.memory_space<hbm>>, %arg3: memref<32x5x32xf32, #tpu.memory_space<hbm>>, %arg4: memref<32x16xf32, #tpu.memory_space<hbm>>, %arg5: memref<5x32xf32, #tpu.memory_space<vmem>>, %arg6: memref<5120xi32, #tpu.memory_space<vmem>>, %arg7: memref<24x8x125xf32, #tpu.memory_space<vmem>>, %arg8: memref<16xf32, #tpu.memory_space<vmem>>, %arg9: memref<!tpu.dma_semaphore, #tpu.memory_space<semaphore_mem>>) attributes {dimension_semantics = [#tpu.dimension_semantics<core_parallel>, #tpu.dimension_semantics<subcore_parallel>], iteration_bounds = array<i64: 2, 16>, scalar_prefetch = 0 : i64, scratch_operands = 5 : i64, tpu.core_type = #tpu.core_type<sc_vector_subcore>, window_params = [{transform_indices = #map}, {transform_indices = #map1}, {transform_indices = #map}]} {
    %mul3A = arith.constant 2 : i32
    %mul3A_0 = arith.muli %arg1, %mul3A : i32
    %add3A = arith.addi %mul3A_0, %arg0 : i32
    %iota3A = tpu.iota {dimensions = array<i32: 0>} : vector<16xi32>
    "tpu.region"() ({
      %run_scoped3A = tpu.sem_alloc : memref<!tpu.dma_semaphore, #tpu.memory_space<semaphore_mem>>
      %dma_start3A_2534 = arith.constant 0 : i32
      %dma_start3A_2535 = arith.constant 0 : i32
      %dma_start3A_2536 = tpu.memref_slice %arg3[%add3A, %dma_start3A_2534, %dma_start3A_2535] : memref<32x5x32xf32, #tpu.memory_space<hbm>> -> memref<1x5x32xf32, #tpu.memory_space<hbm>>
      %dma_start3A_2537 = tpu.memref_squeeze %dma_start3A_2536 : memref<1x5x32xf32, #tpu.memory_space<hbm>> -> memref<5x32xf32, #tpu.memory_space<hbm>>
      %dma_start3A_2538 = arith.constant 0 : i32
      %dma_start3A_2539 = arith.constant 0 : i32
      %dma_start3A_2540 = tpu.memref_slice %arg3[%add3A, %dma_start3A_2538, %dma_start3A_2539] : memref<32x5x32xf32, #tpu.memory_space<hbm>> -> memref<1x5x32xf32, #tpu.memory_space<hbm>>
      %dma_start3A_2541 = tpu.memref_squeeze %dma_start3A_2540 : memref<1x5x32xf32, #tpu.memory_space<hbm>> -> memref<5x32xf32, #tpu.memory_space<hbm>>
      tpu.enqueue_dma source(%dma_start3A_2541 : memref<5x32xf32, #tpu.memory_space<hbm>>) target(%arg5 : memref<5x32xf32, #tpu.memory_space<vmem>>) target_semaphore(%run_scoped3A : memref<!tpu.dma_semaphore, #tpu.memory_space<semaphore_mem>>)
      %dma_wait3A_2542 = arith.constant 0 : i32
      %dma_wait3A_2543 = arith.constant 0 : i32
      %dma_wait3A_2544 = tpu.memref_slice %arg3[%add3A, %dma_wait3A_2542, %dma_wait3A_2543] : memref<32x5x32xf32, #tpu.memory_space<hbm>> -> memref<1x5x32xf32, #tpu.memory_space<hbm>>
      %dma_wait3A_2545 = tpu.memref_squeeze %dma_wait3A_2544 : memref<1x5x32xf32, #tpu.memory_space<hbm>> -> memref<5x32xf32, #tpu.memory_space<hbm>>
      %dma_wait3A_2546 = arith.constant 0 : i32
      %dma_wait3A_2547 = arith.constant 0 : i32
      %dma_wait3A_2548 = tpu.memref_slice %arg3[%add3A, %dma_wait3A_2546, %dma_wait3A_2547] : memref<32x5x32xf32, #tpu.memory_space<hbm>> -> memref<1x5x32xf32, #tpu.memory_space<hbm>>
      %dma_wait3A_2549 = tpu.memref_squeeze %dma_wait3A_2548 : memref<1x5x32xf32, #tpu.memory_space<hbm>> -> memref<5x32xf32, #tpu.memory_space<hbm>>
      tpu.wait_dma2 semaphore(%run_scoped3A : memref<!tpu.dma_semaphore, #tpu.memory_space<semaphore_mem>>) src(%dma_wait3A_2549 : memref<5x32xf32, #tpu.memory_space<hbm>>) dst(%arg5 : memref<5x32xf32, #tpu.memory_space<vmem>>)
      tpu.yield
    }) : () -> ()
    %get3A = arith.constant 0 : i32
    %get3A_1 = arith.index_cast %get3A : i32 to index
    %get3A_2 = arith.constant 0 : index
    %get3A_3 = tpu.vector_load %arg5[%get3A_1, %get3A_2] {strides = array<i32>} : memref<5x32xf32, #tpu.memory_space<vmem>>, vector<16xf32>,
    %get3A_4 = arith.constant 1 : i32
    %get3A_5 = arith.index_cast %get3A_4 : i32 to index
    %get3A_6 = arith.constant 0 : index
    %get3A_7 = tpu.vector_load %arg5[%get3A_5, %get3A_6] {strides = array<i32>} : memref<5x32xf32, #tpu.memory_space<vmem>>, vector<16xf32>,
    %get3A_8 = arith.constant 2 : i32
    %get3A_9 = arith.index_cast %get3A_8 : i32 to index
    %get3A_10 = arith.constant 0 : index
    %get3A_11 = tpu.vector_load %arg5[%get3A_9, %get3A_10] {strides = array<i32>} : memref<5x32xf32, #tpu.memory_space<vmem>>, vector<16xf32>,
    %get3A_12 = arith.constant 3 : i32
    %get3A_13 = arith.index_cast %get3A_12 : i32 to index
    %get3A_14 = arith.constant 0 : index
    %get3A_15 = tpu.vector_load %arg5[%get3A_13, %get3A_14] {strides = array<i32>} : memref<5x32xf32, #tpu.memory_space<vmem>>, vector<16xf32>,
    %get3A_16 = arith.constant 4 : i32
    %get3A_17 = arith.index_cast %get3A_16 : i32 to index
    %get3A_18 = arith.constant 0 : index
    %get3A_19 = tpu.vector_load %arg5[%get3A_17, %get3A_18] {strides = array<i32>} : memref<5x32xf32, #tpu.memory_space<vmem>>, vector<16xf32>,
    %mul3A_20 = arith.constant 3.200000e+01 : f32
    %mul3A_21 = vector.broadcast %mul3A_20 : f32 to vector<16xf32>
    %mul3A_22 = arith.mulf %get3A_3, %mul3A_21 : vector<16xf32>
    %mul3A_23 = arith.constant 3.200000e+01 : f32
    %mul3A_24 = vector.broadcast %mul3A_23 : f32 to vector<16xf32>
    %mul3A_25 = arith.mulf %get3A_7, %mul3A_24 : vector<16xf32>
    %mul3A_26 = arith.constant 3.200000e+01 : f32
    %mul3A_27 = vector.broadcast %mul3A_26 : f32 to vector<16xf32>
    %mul3A_28 = arith.mulf %get3A_11, %mul3A_27 : vector<16xf32>
    %mul3A_29 = arith.constant 3.200000e+01 : f32
    %mul3A_30 = vector.broadcast %mul3A_29 : f32 to vector<16xf32>
    %mul3A_31 = arith.mulf %get3A_15, %mul3A_30 : vector<16xf32>
    %convert_element_type3A = arith.fptosi %mul3A_22 : vector<16xf32> to vector<16xi32>
    %jit3A = arith.constant 0 : i32
    %jit3A_32 = arith.constant 31 : i32
    %max3A = vector.broadcast %jit3A : i32 to vector<16xi32>
    %max3A_33 = arith.maxsi %max3A, %convert_element_type3A : vector<16xi32>
    %min3A = vector.broadcast %jit3A_32 : i32 to vector<16xi32>
    %min3A_34 = arith.minsi %min3A, %max3A_33 : vector<16xi32>
    %convert_element_type3A_35 = arith.fptosi %mul3A_25 : vector<16xf32> to vector<16xi32>
    %jit3A_36 = arith.constant 0 : i32
    %jit3A_37 = arith.constant 31 : i32
    %max3A_38 = vector.broadcast %jit3A_36 : i32 to vector<16xi32>
    %max3A_39 = arith.maxsi %max3A_38, %convert_element_type3A_35 : vector<16xi32>
    %min3A_40 = vector.broadcast %jit3A_37 : i32 to vector<16xi32>
    %min3A_41 = arith.minsi %min3A_40, %max3A_39 : vector<16xi32>
    %mul3A_42 = arith.constant 5.120000e+02 : f32
    %mul3A_43 = vector.broadcast %mul3A_42 : f32 to vector<16xf32>
    %mul3A_44 = arith.mulf %get3A_11, %mul3A_43 : vector<16xf32>
    %mul3A_45 = arith.constant 5.120000e+02 : f32
    %mul3A_46 = vector.broadcast %mul3A_45 : f32 to vector<16xf32>
    %mul3A_47 = arith.mulf %get3A_15, %mul3A_46 : vector<16xf32>
    %broadcast_in_dim3A = arith.constant 0 : i32
    %broadcast_in_dim3A_48 = vector.broadcast %broadcast_in_dim3A : i32 to vector<16xi32>
    %broadcast_in_dim3A_49 = arith.constant -1.000000e+00 : f32
    %broadcast_in_dim3A_50 = vector.broadcast %broadcast_in_dim3A_49 : f32 to vector<16xf32>
    %min3A_51 = arith.constant 4.200000e+01 : f32
    %min3A_52 = vector.broadcast %min3A_51 : f32 to vector<16xf32>
    %min3A_53 = arith.minimumf %mul3A_44, %min3A_52 : vector<16xf32>
    %min3A_54 = arith.constant 4.400000e+01 : f32
    %min3A_55 = vector.broadcast %min3A_54 : f32 to vector<16xf32>
    %min3A_56 = arith.minimumf %mul3A_47, %min3A_55 : vector<16xf32>
    %mul3A_57 = arith.mulf %min3A_53, %min3A_56 : vector<16xf32>
    %mul3A_58 = arith.mulf %mul3A_44, %mul3A_47 : vector<16xf32>
    %add3A_59 = arith.constant 1.848000e+03 : f32
    %add3A_60 = vector.broadcast %add3A_59 : f32 to vector<16xf32>
    %add3A_61 = arith.addf %mul3A_58, %add3A_60 : vector<16xf32>
    %sub3A = arith.subf %add3A_61, %mul3A_57 : vector<16xf32>
    %div3A = arith.divf %mul3A_57, %sub3A : vector<16xf32>
    %gt3A = arith.cmpf ogt, %div3A, %broadcast_in_dim3A_50 : vector<16xf32>
    %jit3A_62 = arith.constant 0 : i32
    %broadcast_in_dim3A_63 = vector.broadcast %jit3A_62 : i32 to vector<16xi32>
    %select_n3A = arith.select %gt3A, %broadcast_in_dim3A_63, %broadcast_in_dim3A_48 : vector<16xi1>, vector<16xi32>
    %select_n3A_64 = arith.select %gt3A, %div3A, %broadcast_in_dim3A_50 : vector<16xi1>, vector<16xf32>
    %min3A_65 = arith.constant 8.800000e+01 : f32
    %min3A_66 = vector.broadcast %min3A_65 : f32 to vector<16xf32>
    %min3A_67 = arith.minimumf %mul3A_44, %min3A_66 : vector<16xf32>
    %min3A_68 = arith.constant 9.600000e+01 : f32
    %min3A_69 = vector.broadcast %min3A_68 : f32 to vector<16xf32>
    %min3A_70 = arith.minimumf %mul3A_47, %min3A_69 : vector<16xf32>
    %mul3A_71 = arith.mulf %min3A_67, %min3A_70 : vector<16xf32>
    %mul3A_72 = arith.mulf %mul3A_44, %mul3A_47 : vector<16xf32>
    %add3A_73 = arith.constant 8.448000e+03 : f32
    %add3A_74 = vector.broadcast %add3A_73 : f32 to vector<16xf32>
    %add3A_75 = arith.addf %mul3A_72, %add3A_74 : vector<16xf32>
    %sub3A_76 = arith.subf %add3A_75, %mul3A_71 : vector<16xf32>
    %div3A_77 = arith.divf %mul3A_71, %sub3A_76 : vector<16xf32>
    %gt3A_78 = arith.cmpf ogt, %div3A_77, %select_n3A_64 : vector<16xf32>
    %jit3A_79 = arith.constant 1 : i32
    %broadcast_in_dim3A_80 = vector.broadcast %jit3A_79 : i32 to vector<16xi32>
    %select_n3A_81 = arith.select %gt3A_78, %broadcast_in_dim3A_80, %select_n3A : vector<16xi1>, vector<16xi32>
    %select_n3A_82 = arith.select %gt3A_78, %div3A_77, %select_n3A_64 : vector<16xi1>, vector<16xf32>
    %min3A_83 = arith.constant 1.450000e+02 : f32
    %min3A_84 = vector.broadcast %min3A_83 : f32 to vector<16xf32>
    %min3A_85 = arith.minimumf %mul3A_44, %min3A_84 : vector<16xf32>
    %min3A_86 = arith.constant 2.400000e+02 : f32
    %min3A_87 = vector.broadcast %min3A_86 : f32 to vector<16xf32>
    %min3A_88 = arith.minimumf %mul3A_47, %min3A_87 : vector<16xf32>
    %mul3A_89 = arith.mulf %min3A_85, %min3A_88 : vector<16xf32>
    %mul3A_90 = arith.mulf %mul3A_44, %mul3A_47 : vector<16xf32>
    %add3A_91 = arith.constant 3.480000e+04 : f32
    %add3A_92 = vector.broadcast %add3A_91 : f32 to vector<16xf32>
    %add3A_93 = arith.addf %mul3A_90, %add3A_92 : vector<16xf32>
    %sub3A_94 = arith.subf %add3A_93, %mul3A_89 : vector<16xf32>
    %div3A_95 = arith.divf %mul3A_89, %sub3A_94 : vector<16xf32>
    %gt3A_96 = arith.cmpf ogt, %div3A_95, %select_n3A_82 : vector<16xf32>
    %jit3A_97 = arith.constant 2 : i32
    %broadcast_in_dim3A_98 = vector.broadcast %jit3A_97 : i32 to vector<16xi32>
    %select_n3A_99 = arith.select %gt3A_96, %broadcast_in_dim3A_98, %select_n3A_81 : vector<16xi1>, vector<16xi32>
    %select_n3A_100 = arith.select %gt3A_96, %div3A_95, %select_n3A_82 : vector<16xi1>, vector<16xf32>
    %min3A_101 = arith.constant 2.820000e+02 : f32
    %min3A_102 = vector.broadcast %min3A_101 : f32 to vector<16xf32>
    %min3A_103 = arith.minimumf %mul3A_44, %min3A_102 : vector<16xf32>
    %min3A_104 = arith.constant 1.500000e+02 : f32
    %min3A_105 = vector.broadcast %min3A_104 : f32 to vector<16xf32>
    %min3A_106 = arith.minimumf %mul3A_47, %min3A_105 : vector<16xf32>
    %mul3A_107 = arith.mulf %min3A_103, %min3A_106 : vector<16xf32>
    %mul3A_108 = arith.mulf %mul3A_44, %mul3A_47 : vector<16xf32>
    %add3A_109 = arith.constant 4.230000e+04 : f32
    %add3A_110 = vector.broadcast %add3A_109 : f32 to vector<16xf32>
    %add3A_111 = arith.addf %mul3A_108, %add3A_110 : vector<16xf32>
    %sub3A_112 = arith.subf %add3A_111, %mul3A_107 : vector<16xf32>
    %div3A_113 = arith.divf %mul3A_107, %sub3A_112 : vector<16xf32>
    %gt3A_114 = arith.cmpf ogt, %div3A_113, %select_n3A_100 : vector<16xf32>
    %jit3A_115 = arith.constant 3 : i32
    %broadcast_in_dim3A_116 = vector.broadcast %jit3A_115 : i32 to vector<16xi32>
    %select_n3A_117 = arith.select %gt3A_114, %broadcast_in_dim3A_116, %select_n3A_99 : vector<16xi1>, vector<16xi32>
    %select_n3A_118 = arith.select %gt3A_114, %div3A_113, %select_n3A_100 : vector<16xi1>, vector<16xf32>
    %min3A_119 = arith.constant 3.500000e+02 : f32
    %min3A_120 = vector.broadcast %min3A_119 : f32 to vector<16xf32>
    %min3A_121 = arith.minimumf %mul3A_44, %min3A_120 : vector<16xf32>
    %min3A_122 = arith.constant 3.300000e+02 : f32
    %min3A_123 = vector.broadcast %min3A_122 : f32 to vector<16xf32>
    %min3A_124 = arith.minimumf %mul3A_47, %min3A_123 : vector<16xf32>
    %mul3A_125 = arith.mulf %min3A_121, %min3A_124 : vector<16xf32>
    %mul3A_126 = arith.mulf %mul3A_44, %mul3A_47 : vector<16xf32>
    %add3A_127 = arith.constant 1.155000e+05 : f32
    %add3A_128 = vector.broadcast %add3A_127 : f32 to vector<16xf32>
    %add3A_129 = arith.addf %mul3A_126, %add3A_128 : vector<16xf32>
    %sub3A_130 = arith.subf %add3A_129, %mul3A_125 : vector<16xf32>
    %div3A_131 = arith.divf %mul3A_125, %sub3A_130 : vector<16xf32>
    %gt3A_132 = arith.cmpf ogt, %div3A_131, %select_n3A_118 : vector<16xf32>
    %jit3A_133 = arith.constant 4 : i32
    %broadcast_in_dim3A_134 = vector.broadcast %jit3A_133 : i32 to vector<16xi32>
    %select_n3A_135 = arith.select %gt3A_132, %broadcast_in_dim3A_134, %select_n3A_117 : vector<16xi1>, vector<16xi32>
    %select_n3A_136 = arith.select %gt3A_132, %div3A_131, %select_n3A_118 : vector<16xi1>, vector<16xf32>
    %broadcast_in_dim3A_137 = arith.constant 2.625000e+00 : f32
    %broadcast_in_dim3A_138 = vector.broadcast %broadcast_in_dim3A_137 : f32 to vector<16xf32>
    %broadcast_in_dim3A_139 = arith.constant 2.750000e+00 : f32
    %broadcast_in_dim3A_140 = vector.broadcast %broadcast_in_dim3A_139 : f32 to vector<16xf32>
    %eq3A = arith.constant 1 : i32
    %eq3A_141 = vector.broadcast %eq3A : i32 to vector<16xi32>
    %eq3A_142 = arith.cmpi eq, %select_n3A_135, %eq3A_141 : vector<16xi32>
    %jit3A_143 = arith.constant 5.500000e+00 : f32
    %broadcast_in_dim3A_144 = vector.broadcast %jit3A_143 : f32 to vector<16xf32>
    %select_n3A_145 = arith.select %eq3A_142, %broadcast_in_dim3A_144, %broadcast_in_dim3A_138 : vector<16xi1>, vector<16xf32>
    %eq3A_146 = arith.constant 1 : i32
    %eq3A_147 = vector.broadcast %eq3A_146 : i32 to vector<16xi32>
    %eq3A_148 = arith.cmpi eq, %select_n3A_135, %eq3A_147 : vector<16xi32>
    %jit3A_149 = arith.constant 6.000000e+00 : f32
    %broadcast_in_dim3A_150 = vector.broadcast %jit3A_149 : f32 to vector<16xf32>
    %select_n3A_151 = arith.select %eq3A_148, %broadcast_in_dim3A_150, %broadcast_in_dim3A_140 : vector<16xi1>, vector<16xf32>
    %eq3A_152 = arith.constant 2 : i32
    %eq3A_153 = vector.broadcast %eq3A_152 : i32 to vector<16xi32>
    %eq3A_154 = arith.cmpi eq, %select_n3A_135, %eq3A_153 : vector<16xi32>
    %jit3A_155 = arith.constant 9.062500e+00 : f32
    %broadcast_in_dim3A_156 = vector.broadcast %jit3A_155 : f32 to vector<16xf32>
    %select_n3A_157 = arith.select %eq3A_154, %broadcast_in_dim3A_156, %select_n3A_145 : vector<16xi1>, vector<16xf32>
    %eq3A_158 = arith.constant 2 : i32
    %eq3A_159 = vector.broadcast %eq3A_158 : i32 to vector<16xi32>
    %eq3A_160 = arith.cmpi eq, %select_n3A_135, %eq3A_159 : vector<16xi32>
    %jit3A_161 = arith.constant 1.500000e+01 : f32
    %broadcast_in_dim3A_162 = vector.broadcast %jit3A_161 : f32 to vector<16xf32>
    %select_n3A_163 = arith.select %eq3A_160, %broadcast_in_dim3A_162, %select_n3A_151 : vector<16xi1>, vector<16xf32>
    %eq3A_164 = arith.constant 3 : i32
    %eq3A_165 = vector.broadcast %eq3A_164 : i32 to vector<16xi32>
    %eq3A_166 = arith.cmpi eq, %select_n3A_135, %eq3A_165 : vector<16xi32>
    %jit3A_167 = arith.constant 1.762500e+01 : f32
    %broadcast_in_dim3A_168 = vector.broadcast %jit3A_167 : f32 to vector<16xf32>
    %select_n3A_169 = arith.select %eq3A_166, %broadcast_in_dim3A_168, %select_n3A_157 : vector<16xi1>, vector<16xf32>
    %eq3A_170 = arith.constant 3 : i32
    %eq3A_171 = vector.broadcast %eq3A_170 : i32 to vector<16xi32>
    %eq3A_172 = arith.cmpi eq, %select_n3A_135, %eq3A_171 : vector<16xi32>
    %jit3A_173 = arith.constant 9.375000e+00 : f32
    %broadcast_in_dim3A_174 = vector.broadcast %jit3A_173 : f32 to vector<16xf32>
    %select_n3A_175 = arith.select %eq3A_172, %broadcast_in_dim3A_174, %select_n3A_163 : vector<16xi1>, vector<16xf32>
    %eq3A_176 = arith.constant 4 : i32
    %eq3A_177 = vector.broadcast %eq3A_176 : i32 to vector<16xi32>
    %eq3A_178 = arith.cmpi eq, %select_n3A_135, %eq3A_177 : vector<16xi32>
    %jit3A_179 = arith.constant 2.187500e+01 : f32
    %broadcast_in_dim3A_180 = vector.broadcast %jit3A_179 : f32 to vector<16xf32>
    %select_n3A_181 = arith.select %eq3A_178, %broadcast_in_dim3A_180, %select_n3A_169 : vector<16xi1>, vector<16xf32>
    %eq3A_182 = arith.constant 4 : i32
    %eq3A_183 = vector.broadcast %eq3A_182 : i32 to vector<16xi32>
    %eq3A_184 = arith.cmpi eq, %select_n3A_135, %eq3A_183 : vector<16xi32>
    %jit3A_185 = arith.constant 2.062500e+01 : f32
    %broadcast_in_dim3A_186 = vector.broadcast %jit3A_185 : f32 to vector<16xf32>
    %select_n3A_187 = arith.select %eq3A_184, %broadcast_in_dim3A_186, %select_n3A_175 : vector<16xi1>, vector<16xf32>
    %convert_element_type3A_188 = arith.sitofp %min3A_34 : vector<16xi32> to vector<16xf32>
    %sub3A_189 = arith.subf %mul3A_22, %convert_element_type3A_188 : vector<16xf32>
    %convert_element_type3A_190 = arith.sitofp %min3A_41 : vector<16xi32> to vector<16xf32>
    %sub3A_191 = arith.subf %mul3A_25, %convert_element_type3A_190 : vector<16xf32>
    %div3A_192 = arith.divf %mul3A_28, %select_n3A_181 : vector<16xf32>
    %add3A_193 = arith.constant 1.000000e-16 : f32
    %add3A_194 = vector.broadcast %add3A_193 : f32 to vector<16xf32>
    %add3A_195 = arith.addf %div3A_192, %add3A_194 : vector<16xf32>
    %bitcast3A = vector.bitcast %add3A_195 : vector<16xf32> to vector<16xi32>
    %shift_right_arithmetic3A = arith.constant 23 : i32
    %shift_right_arithmetic3A_196 = vector.broadcast %shift_right_arithmetic3A : i32 to vector<16xi32>
    %shift_right_arithmetic3A_197 = arith.shrsi %bitcast3A, %shift_right_arithmetic3A_196 : vector<16xi32>
    %and3A = arith.constant 255 : i32
    %and3A_198 = vector.broadcast %and3A : i32 to vector<16xi32>
    %and3A_199 = arith.andi %shift_right_arithmetic3A_197, %and3A_198 : vector<16xi32>
    %sub3A_200 = arith.constant 127 : i32
    %sub3A_201 = vector.broadcast %sub3A_200 : i32 to vector<16xi32>
    %sub3A_202 = arith.subi %and3A_199, %sub3A_201 : vector<16xi32>
    %and3A_203 = arith.constant 8388607 : i32
    %and3A_204 = vector.broadcast %and3A_203 : i32 to vector<16xi32>
    %and3A_205 = arith.andi %bitcast3A, %and3A_204 : vector<16xi32>
    %or3A = arith.constant 1065353216 : i32
    %or3A_206 = vector.broadcast %or3A : i32 to vector<16xi32>
    %or3A_207 = arith.ori %and3A_205, %or3A_206 : vector<16xi32>
    %bitcast3A_208 = vector.bitcast %or3A_207 : vector<16xi32> to vector<16xf32>
    %gt3A_209 = arith.constant 1.41421354 : f32
    %gt3A_210 = vector.broadcast %gt3A_209 : f32 to vector<16xf32>
    %gt3A_211 = arith.cmpf ogt, %bitcast3A_208, %gt3A_210 : vector<16xf32>
    %mul3A_212 = arith.constant 5.000000e-01 : f32
    %mul3A_213 = vector.broadcast %mul3A_212 : f32 to vector<16xf32>
    %mul3A_214 = arith.mulf %bitcast3A_208, %mul3A_213 : vector<16xf32>
    %select_n3A_215 = arith.select %gt3A_211, %mul3A_214, %bitcast3A_208 : vector<16xi1>, vector<16xf32>
    %jit3A_216 = arith.constant 1 : i32
    %jit3A_217 = arith.constant 0 : i32
    %broadcast_in_dim3A_218 = vector.broadcast %jit3A_216 : i32 to vector<16xi32>
    %broadcast_in_dim3A_219 = vector.broadcast %jit3A_217 : i32 to vector<16xi32>
    %select_n3A_220 = arith.select %gt3A_211, %broadcast_in_dim3A_218, %broadcast_in_dim3A_219 : vector<16xi1>, vector<16xi32>
    %add3A_221 = arith.addi %sub3A_202, %select_n3A_220 : vector<16xi32>
    %sub3A_222 = arith.constant 1.000000e+00 : f32
    %sub3A_223 = vector.broadcast %sub3A_222 : f32 to vector<16xf32>
    %sub3A_224 = arith.subf %select_n3A_215, %sub3A_223 : vector<16xf32>
    %add3A_225 = arith.constant 1.000000e+00 : f32
    %add3A_226 = vector.broadcast %add3A_225 : f32 to vector<16xf32>
    %add3A_227 = arith.addf %select_n3A_215, %add3A_226 : vector<16xf32>
    %div3A_228 = arith.divf %sub3A_224, %add3A_227 : vector<16xf32>
    %mul3A_229 = arith.mulf %div3A_228, %div3A_228 : vector<16xf32>
    %mul3A_230 = arith.constant 0.111111112 : f32
    %mul3A_231 = vector.broadcast %mul3A_230 : f32 to vector<16xf32>
    %mul3A_232 = arith.mulf %mul3A_229, %mul3A_231 : vector<16xf32>
    %add3A_233 = arith.constant 0.142857149 : f32
    %add3A_234 = vector.broadcast %add3A_233 : f32 to vector<16xf32>
    %add3A_235 = arith.addf %add3A_234, %mul3A_232 : vector<16xf32>
    %mul3A_236 = arith.mulf %mul3A_229, %add3A_235 : vector<16xf32>
    %add3A_237 = arith.constant 2.000000e-01 : f32
    %add3A_238 = vector.broadcast %add3A_237 : f32 to vector<16xf32>
    %add3A_239 = arith.addf %add3A_238, %mul3A_236 : vector<16xf32>
    %mul3A_240 = arith.mulf %mul3A_229, %add3A_239 : vector<16xf32>
    %add3A_241 = arith.constant 0.333333343 : f32
    %add3A_242 = vector.broadcast %add3A_241 : f32 to vector<16xf32>
    %add3A_243 = arith.addf %add3A_242, %mul3A_240 : vector<16xf32>
    %mul3A_244 = arith.constant 2.000000e+00 : f32
    %mul3A_245 = vector.broadcast %mul3A_244 : f32 to vector<16xf32>
    %mul3A_246 = arith.mulf %mul3A_245, %div3A_228 : vector<16xf32>
    %mul3A_247 = arith.mulf %mul3A_229, %add3A_243 : vector<16xf32>
    %add3A_248 = arith.constant 1.000000e+00 : f32
    %add3A_249 = vector.broadcast %add3A_248 : f32 to vector<16xf32>
    %add3A_250 = arith.addf %add3A_249, %mul3A_247 : vector<16xf32>
    %mul3A_251 = arith.mulf %mul3A_246, %add3A_250 : vector<16xf32>
    %convert_element_type3A_252 = arith.sitofp %add3A_221 : vector<16xi32> to vector<16xf32>
    %mul3A_253 = arith.constant 0.693147182 : f32
    %mul3A_254 = vector.broadcast %mul3A_253 : f32 to vector<16xf32>
    %mul3A_255 = arith.mulf %convert_element_type3A_252, %mul3A_254 : vector<16xf32>
    %add3A_256 = arith.addf %mul3A_255, %mul3A_251 : vector<16xf32>
    %div3A_257 = arith.divf %mul3A_31, %select_n3A_187 : vector<16xf32>
    %add3A_258 = arith.constant 1.000000e-16 : f32
    %add3A_259 = vector.broadcast %add3A_258 : f32 to vector<16xf32>
    %add3A_260 = arith.addf %div3A_257, %add3A_259 : vector<16xf32>
    %bitcast3A_261 = vector.bitcast %add3A_260 : vector<16xf32> to vector<16xi32>
    %shift_right_arithmetic3A_262 = arith.constant 23 : i32
    %shift_right_arithmetic3A_263 = vector.broadcast %shift_right_arithmetic3A_262 : i32 to vector<16xi32>
    %shift_right_arithmetic3A_264 = arith.shrsi %bitcast3A_261, %shift_right_arithmetic3A_263 : vector<16xi32>
    %and3A_265 = arith.constant 255 : i32
    %and3A_266 = vector.broadcast %and3A_265 : i32 to vector<16xi32>
    %and3A_267 = arith.andi %shift_right_arithmetic3A_264, %and3A_266 : vector<16xi32>
    %sub3A_268 = arith.constant 127 : i32
    %sub3A_269 = vector.broadcast %sub3A_268 : i32 to vector<16xi32>
    %sub3A_270 = arith.subi %and3A_267, %sub3A_269 : vector<16xi32>
    %and3A_271 = arith.constant 8388607 : i32
    %and3A_272 = vector.broadcast %and3A_271 : i32 to vector<16xi32>
    %and3A_273 = arith.andi %bitcast3A_261, %and3A_272 : vector<16xi32>
    %or3A_274 = arith.constant 1065353216 : i32
    %or3A_275 = vector.broadcast %or3A_274 : i32 to vector<16xi32>
    %or3A_276 = arith.ori %and3A_273, %or3A_275 : vector<16xi32>
    %bitcast3A_277 = vector.bitcast %or3A_276 : vector<16xi32> to vector<16xf32>
    %gt3A_278 = arith.constant 1.41421354 : f32
    %gt3A_279 = vector.broadcast %gt3A_278 : f32 to vector<16xf32>
    %gt3A_280 = arith.cmpf ogt, %bitcast3A_277, %gt3A_279 : vector<16xf32>
    %mul3A_281 = arith.constant 5.000000e-01 : f32
    %mul3A_282 = vector.broadcast %mul3A_281 : f32 to vector<16xf32>
    %mul3A_283 = arith.mulf %bitcast3A_277, %mul3A_282 : vector<16xf32>
    %select_n3A_284 = arith.select %gt3A_280, %mul3A_283, %bitcast3A_277 : vector<16xi1>, vector<16xf32>
    %jit3A_285 = arith.constant 1 : i32
    %jit3A_286 = arith.constant 0 : i32
    %broadcast_in_dim3A_287 = vector.broadcast %jit3A_285 : i32 to vector<16xi32>
    %broadcast_in_dim3A_288 = vector.broadcast %jit3A_286 : i32 to vector<16xi32>
    %select_n3A_289 = arith.select %gt3A_280, %broadcast_in_dim3A_287, %broadcast_in_dim3A_288 : vector<16xi1>, vector<16xi32>
    %add3A_290 = arith.addi %sub3A_270, %select_n3A_289 : vector<16xi32>
    %sub3A_291 = arith.constant 1.000000e+00 : f32
    %sub3A_292 = vector.broadcast %sub3A_291 : f32 to vector<16xf32>
    %sub3A_293 = arith.subf %select_n3A_284, %sub3A_292 : vector<16xf32>
    %add3A_294 = arith.constant 1.000000e+00 : f32
    %add3A_295 = vector.broadcast %add3A_294 : f32 to vector<16xf32>
    %add3A_296 = arith.addf %select_n3A_284, %add3A_295 : vector<16xf32>
    %div3A_297 = arith.divf %sub3A_293, %add3A_296 : vector<16xf32>
    %mul3A_298 = arith.mulf %div3A_297, %div3A_297 : vector<16xf32>
    %mul3A_299 = arith.constant 0.111111112 : f32
    %mul3A_300 = vector.broadcast %mul3A_299 : f32 to vector<16xf32>
    %mul3A_301 = arith.mulf %mul3A_298, %mul3A_300 : vector<16xf32>
    %add3A_302 = arith.constant 0.142857149 : f32
    %add3A_303 = vector.broadcast %add3A_302 : f32 to vector<16xf32>
    %add3A_304 = arith.addf %add3A_303, %mul3A_301 : vector<16xf32>
    %mul3A_305 = arith.mulf %mul3A_298, %add3A_304 : vector<16xf32>
    %add3A_306 = arith.constant 2.000000e-01 : f32
    %add3A_307 = vector.broadcast %add3A_306 : f32 to vector<16xf32>
    %add3A_308 = arith.addf %add3A_307, %mul3A_305 : vector<16xf32>
    %mul3A_309 = arith.mulf %mul3A_298, %add3A_308 : vector<16xf32>
    %add3A_310 = arith.constant 0.333333343 : f32
    %add3A_311 = vector.broadcast %add3A_310 : f32 to vector<16xf32>
    %add3A_312 = arith.addf %add3A_311, %mul3A_309 : vector<16xf32>
    %mul3A_313 = arith.constant 2.000000e+00 : f32
    %mul3A_314 = vector.broadcast %mul3A_313 : f32 to vector<16xf32>
    %mul3A_315 = arith.mulf %mul3A_314, %div3A_297 : vector<16xf32>
    %mul3A_316 = arith.mulf %mul3A_298, %add3A_312 : vector<16xf32>
    %add3A_317 = arith.constant 1.000000e+00 : f32
    %add3A_318 = vector.broadcast %add3A_317 : f32 to vector<16xf32>
    %add3A_319 = arith.addf %add3A_318, %mul3A_316 : vector<16xf32>
    %mul3A_320 = arith.mulf %mul3A_315, %add3A_319 : vector<16xf32>
    %convert_element_type3A_321 = arith.sitofp %add3A_290 : vector<16xi32> to vector<16xf32>
    %mul3A_322 = arith.constant 0.693147182 : f32
    %mul3A_323 = vector.broadcast %mul3A_322 : f32 to vector<16xf32>
    %mul3A_324 = arith.mulf %convert_element_type3A_321, %mul3A_323 : vector<16xf32>
    %add3A_325 = arith.addf %mul3A_324, %mul3A_320 : vector<16xf32>
    %convert_element_type3A_326 = arith.fptosi %get3A_19 : vector<16xf32> to vector<16xi32>
    %jit3A_327 = arith.constant 0 : i32
    %jit3A_328 = arith.constant 19 : i32
    %max3A_329 = vector.broadcast %jit3A_327 : i32 to vector<16xi32>
    %max3A_330 = arith.maxsi %max3A_329, %convert_element_type3A_326 : vector<16xi32>
    %min3A_331 = vector.broadcast %jit3A_328 : i32 to vector<16xi32>
    %min3A_332 = arith.minsi %min3A_331, %max3A_330 : vector<16xi32>
    %mul3A_333 = arith.constant 25 : i32
    %mul3A_334 = vector.broadcast %mul3A_333 : i32 to vector<16xi32>
    %mul3A_335 = arith.muli %select_n3A_135, %mul3A_334 : vector<16xi32>
    %mul3A_336 = arith.constant 1024 : i32
    %mul3A_337 = vector.broadcast %mul3A_336 : i32 to vector<16xi32>
    %mul3A_338 = arith.muli %select_n3A_135, %mul3A_337 : vector<16xi32>
    %mul3A_339 = arith.constant 32 : i32
    %mul3A_340 = vector.broadcast %mul3A_339 : i32 to vector<16xi32>
    %mul3A_341 = arith.muli %min3A_41, %mul3A_340 : vector<16xi32>
    %add3A_342 = arith.addi %mul3A_338, %mul3A_341 : vector<16xi32>
    %add3A_343 = arith.addi %add3A_342, %min3A_34 : vector<16xi32>
    %get3A_344 = arith.constant 0 : i32
    %get3A_345 = arith.index_cast %get3A_344 : i32 to index
    %get3A_346 = arith.constant 16 : index
    %get3A_347 = tpu.vector_load %arg5[%get3A_345, %get3A_346] {strides = array<i32>} : memref<5x32xf32, #tpu.memory_space<vmem>>, vector<16xf32>,
    %get3A_348 = arith.constant 1 : i32
    %get3A_349 = arith.index_cast %get3A_348 : i32 to index
    %get3A_350 = arith.constant 16 : index
    %get3A_351 = tpu.vector_load %arg5[%get3A_349, %get3A_350] {strides = array<i32>} : memref<5x32xf32, #tpu.memory_space<vmem>>, vector<16xf32>,
    %get3A_352 = arith.constant 2 : i32
    %get3A_353 = arith.index_cast %get3A_352 : i32 to index
    %get3A_354 = arith.constant 16 : index
    %get3A_355 = tpu.vector_load %arg5[%get3A_353, %get3A_354] {strides = array<i32>} : memref<5x32xf32, #tpu.memory_space<vmem>>, vector<16xf32>,
    %get3A_356 = arith.constant 3 : i32
    %get3A_357 = arith.index_cast %get3A_356 : i32 to index
    %get3A_358 = arith.constant 16 : index
    %get3A_359 = tpu.vector_load %arg5[%get3A_357, %get3A_358] {strides = array<i32>} : memref<5x32xf32, #tpu.memory_space<vmem>>, vector<16xf32>,
    %get3A_360 = arith.constant 4 : i32
    %get3A_361 = arith.index_cast %get3A_360 : i32 to index
    %get3A_362 = arith.constant 16 : index
    %get3A_363 = tpu.vector_load %arg5[%get3A_361, %get3A_362] {strides = array<i32>} : memref<5x32xf32, #tpu.memory_space<vmem>>, vector<16xf32>,
    %mul3A_364 = arith.constant 3.200000e+01 : f32
    %mul3A_365 = vector.broadcast %mul3A_364 : f32 to vector<16xf32>
    %mul3A_366 = arith.mulf %get3A_347, %mul3A_365 : vector<16xf32>
    %mul3A_367 = arith.constant 3.200000e+01 : f32
    %mul3A_368 = vector.broadcast %mul3A_367 : f32 to vector<16xf32>
    %mul3A_369 = arith.mulf %get3A_351, %mul3A_368 : vector<16xf32>
    %mul3A_370 = arith.constant 3.200000e+01 : f32
    %mul3A_371 = vector.broadcast %mul3A_370 : f32 to vector<16xf32>
    %mul3A_372 = arith.mulf %get3A_355, %mul3A_371 : vector<16xf32>
    %mul3A_373 = arith.constant 3.200000e+01 : f32
    %mul3A_374 = vector.broadcast %mul3A_373 : f32 to vector<16xf32>
    %mul3A_375 = arith.mulf %get3A_359, %mul3A_374 : vector<16xf32>
    %convert_element_type3A_376 = arith.fptosi %mul3A_366 : vector<16xf32> to vector<16xi32>
    %jit3A_377 = arith.constant 0 : i32
    %jit3A_378 = arith.constant 31 : i32
    %max3A_379 = vector.broadcast %jit3A_377 : i32 to vector<16xi32>
    %max3A_380 = arith.maxsi %max3A_379, %convert_element_type3A_376 : vector<16xi32>
    %min3A_381 = vector.broadcast %jit3A_378 : i32 to vector<16xi32>
    %min3A_382 = arith.minsi %min3A_381, %max3A_380 : vector<16xi32>
    %convert_element_type3A_383 = arith.fptosi %mul3A_369 : vector<16xf32> to vector<16xi32>
    %jit3A_384 = arith.constant 0 : i32
    %jit3A_385 = arith.constant 31 : i32
    %max3A_386 = vector.broadcast %jit3A_384 : i32 to vector<16xi32>
    %max3A_387 = arith.maxsi %max3A_386, %convert_element_type3A_383 : vector<16xi32>
    %min3A_388 = vector.broadcast %jit3A_385 : i32 to vector<16xi32>
    %min3A_389 = arith.minsi %min3A_388, %max3A_387 : vector<16xi32>
    %mul3A_390 = arith.constant 5.120000e+02 : f32
    %mul3A_391 = vector.broadcast %mul3A_390 : f32 to vector<16xf32>
    %mul3A_392 = arith.mulf %get3A_355, %mul3A_391 : vector<16xf32>
    %mul3A_393 = arith.constant 5.120000e+02 : f32
    %mul3A_394 = vector.broadcast %mul3A_393 : f32 to vector<16xf32>
    %mul3A_395 = arith.mulf %get3A_359, %mul3A_394 : vector<16xf32>
    %broadcast_in_dim3A_396 = arith.constant 0 : i32
    %broadcast_in_dim3A_397 = vector.broadcast %broadcast_in_dim3A_396 : i32 to vector<16xi32>
    %broadcast_in_dim3A_398 = arith.constant -1.000000e+00 : f32
    %broadcast_in_dim3A_399 = vector.broadcast %broadcast_in_dim3A_398 : f32 to vector<16xf32>
    %min3A_400 = arith.constant 4.200000e+01 : f32
    %min3A_401 = vector.broadcast %min3A_400 : f32 to vector<16xf32>
    %min3A_402 = arith.minimumf %mul3A_392, %min3A_401 : vector<16xf32>
    %min3A_403 = arith.constant 4.400000e+01 : f32
    %min3A_404 = vector.broadcast %min3A_403 : f32 to vector<16xf32>
    %min3A_405 = arith.minimumf %mul3A_395, %min3A_404 : vector<16xf32>
    %mul3A_406 = arith.mulf %min3A_402, %min3A_405 : vector<16xf32>
    %mul3A_407 = arith.mulf %mul3A_392, %mul3A_395 : vector<16xf32>
    %add3A_408 = arith.constant 1.848000e+03 : f32
    %add3A_409 = vector.broadcast %add3A_408 : f32 to vector<16xf32>
    %add3A_410 = arith.addf %mul3A_407, %add3A_409 : vector<16xf32>
    %sub3A_411 = arith.subf %add3A_410, %mul3A_406 : vector<16xf32>
    %div3A_412 = arith.divf %mul3A_406, %sub3A_411 : vector<16xf32>
    %gt3A_413 = arith.cmpf ogt, %div3A_412, %broadcast_in_dim3A_399 : vector<16xf32>
    %jit3A_414 = arith.constant 0 : i32
    %broadcast_in_dim3A_415 = vector.broadcast %jit3A_414 : i32 to vector<16xi32>
    %select_n3A_416 = arith.select %gt3A_413, %broadcast_in_dim3A_415, %broadcast_in_dim3A_397 : vector<16xi1>, vector<16xi32>
    %select_n3A_417 = arith.select %gt3A_413, %div3A_412, %broadcast_in_dim3A_399 : vector<16xi1>, vector<16xf32>
    %min3A_418 = arith.constant 8.800000e+01 : f32
    %min3A_419 = vector.broadcast %min3A_418 : f32 to vector<16xf32>
    %min3A_420 = arith.minimumf %mul3A_392, %min3A_419 : vector<16xf32>
    %min3A_421 = arith.constant 9.600000e+01 : f32
    %min3A_422 = vector.broadcast %min3A_421 : f32 to vector<16xf32>
    %min3A_423 = arith.minimumf %mul3A_395, %min3A_422 : vector<16xf32>
    %mul3A_424 = arith.mulf %min3A_420, %min3A_423 : vector<16xf32>
    %mul3A_425 = arith.mulf %mul3A_392, %mul3A_395 : vector<16xf32>
    %add3A_426 = arith.constant 8.448000e+03 : f32
    %add3A_427 = vector.broadcast %add3A_426 : f32 to vector<16xf32>
    %add3A_428 = arith.addf %mul3A_425, %add3A_427 : vector<16xf32>
    %sub3A_429 = arith.subf %add3A_428, %mul3A_424 : vector<16xf32>
    %div3A_430 = arith.divf %mul3A_424, %sub3A_429 : vector<16xf32>
    %gt3A_431 = arith.cmpf ogt, %div3A_430, %select_n3A_417 : vector<16xf32>
    %jit3A_432 = arith.constant 1 : i32
    %broadcast_in_dim3A_433 = vector.broadcast %jit3A_432 : i32 to vector<16xi32>
    %select_n3A_434 = arith.select %gt3A_431, %broadcast_in_dim3A_433, %select_n3A_416 : vector<16xi1>, vector<16xi32>
    %select_n3A_435 = arith.select %gt3A_431, %div3A_430, %select_n3A_417 : vector<16xi1>, vector<16xf32>
    %min3A_436 = arith.constant 1.450000e+02 : f32
    %min3A_437 = vector.broadcast %min3A_436 : f32 to vector<16xf32>
    %min3A_438 = arith.minimumf %mul3A_392, %min3A_437 : vector<16xf32>
    %min3A_439 = arith.constant 2.400000e+02 : f32
    %min3A_440 = vector.broadcast %min3A_439 : f32 to vector<16xf32>
    %min3A_441 = arith.minimumf %mul3A_395, %min3A_440 : vector<16xf32>
    %mul3A_442 = arith.mulf %min3A_438, %min3A_441 : vector<16xf32>
    %mul3A_443 = arith.mulf %mul3A_392, %mul3A_395 : vector<16xf32>
    %add3A_444 = arith.constant 3.480000e+04 : f32
    %add3A_445 = vector.broadcast %add3A_444 : f32 to vector<16xf32>
    %add3A_446 = arith.addf %mul3A_443, %add3A_445 : vector<16xf32>
    %sub3A_447 = arith.subf %add3A_446, %mul3A_442 : vector<16xf32>
    %div3A_448 = arith.divf %mul3A_442, %sub3A_447 : vector<16xf32>
    %gt3A_449 = arith.cmpf ogt, %div3A_448, %select_n3A_435 : vector<16xf32>
    %jit3A_450 = arith.constant 2 : i32
    %broadcast_in_dim3A_451 = vector.broadcast %jit3A_450 : i32 to vector<16xi32>
    %select_n3A_452 = arith.select %gt3A_449, %broadcast_in_dim3A_451, %select_n3A_434 : vector<16xi1>, vector<16xi32>
    %select_n3A_453 = arith.select %gt3A_449, %div3A_448, %select_n3A_435 : vector<16xi1>, vector<16xf32>
    %min3A_454 = arith.constant 2.820000e+02 : f32
    %min3A_455 = vector.broadcast %min3A_454 : f32 to vector<16xf32>
    %min3A_456 = arith.minimumf %mul3A_392, %min3A_455 : vector<16xf32>
    %min3A_457 = arith.constant 1.500000e+02 : f32
    %min3A_458 = vector.broadcast %min3A_457 : f32 to vector<16xf32>
    %min3A_459 = arith.minimumf %mul3A_395, %min3A_458 : vector<16xf32>
    %mul3A_460 = arith.mulf %min3A_456, %min3A_459 : vector<16xf32>
    %mul3A_461 = arith.mulf %mul3A_392, %mul3A_395 : vector<16xf32>
    %add3A_462 = arith.constant 4.230000e+04 : f32
    %add3A_463 = vector.broadcast %add3A_462 : f32 to vector<16xf32>
    %add3A_464 = arith.addf %mul3A_461, %add3A_463 : vector<16xf32>
    %sub3A_465 = arith.subf %add3A_464, %mul3A_460 : vector<16xf32>
    %div3A_466 = arith.divf %mul3A_460, %sub3A_465 : vector<16xf32>
    %gt3A_467 = arith.cmpf ogt, %div3A_466, %select_n3A_453 : vector<16xf32>
    %jit3A_468 = arith.constant 3 : i32
    %broadcast_in_dim3A_469 = vector.broadcast %jit3A_468 : i32 to vector<16xi32>
    %select_n3A_470 = arith.select %gt3A_467, %broadcast_in_dim3A_469, %select_n3A_452 : vector<16xi1>, vector<16xi32>
    %select_n3A_471 = arith.select %gt3A_467, %div3A_466, %select_n3A_453 : vector<16xi1>, vector<16xf32>
    %min3A_472 = arith.constant 3.500000e+02 : f32
    %min3A_473 = vector.broadcast %min3A_472 : f32 to vector<16xf32>
    %min3A_474 = arith.minimumf %mul3A_392, %min3A_473 : vector<16xf32>
    %min3A_475 = arith.constant 3.300000e+02 : f32
    %min3A_476 = vector.broadcast %min3A_475 : f32 to vector<16xf32>
    %min3A_477 = arith.minimumf %mul3A_395, %min3A_476 : vector<16xf32>
    %mul3A_478 = arith.mulf %min3A_474, %min3A_477 : vector<16xf32>
    %mul3A_479 = arith.mulf %mul3A_392, %mul3A_395 : vector<16xf32>
    %add3A_480 = arith.constant 1.155000e+05 : f32
    %add3A_481 = vector.broadcast %add3A_480 : f32 to vector<16xf32>
    %add3A_482 = arith.addf %mul3A_479, %add3A_481 : vector<16xf32>
    %sub3A_483 = arith.subf %add3A_482, %mul3A_478 : vector<16xf32>
    %div3A_484 = arith.divf %mul3A_478, %sub3A_483 : vector<16xf32>
    %gt3A_485 = arith.cmpf ogt, %div3A_484, %select_n3A_471 : vector<16xf32>
    %jit3A_486 = arith.constant 4 : i32
    %broadcast_in_dim3A_487 = vector.broadcast %jit3A_486 : i32 to vector<16xi32>
    %select_n3A_488 = arith.select %gt3A_485, %broadcast_in_dim3A_487, %select_n3A_470 : vector<16xi1>, vector<16xi32>
    %select_n3A_489 = arith.select %gt3A_485, %div3A_484, %select_n3A_471 : vector<16xi1>, vector<16xf32>
    %broadcast_in_dim3A_490 = arith.constant 2.625000e+00 : f32
    %broadcast_in_dim3A_491 = vector.broadcast %broadcast_in_dim3A_490 : f32 to vector<16xf32>
    %broadcast_in_dim3A_492 = arith.constant 2.750000e+00 : f32
    %broadcast_in_dim3A_493 = vector.broadcast %broadcast_in_dim3A_492 : f32 to vector<16xf32>
    %eq3A_494 = arith.constant 1 : i32
    %eq3A_495 = vector.broadcast %eq3A_494 : i32 to vector<16xi32>
    %eq3A_496 = arith.cmpi eq, %select_n3A_488, %eq3A_495 : vector<16xi32>
    %jit3A_497 = arith.constant 5.500000e+00 : f32
    %broadcast_in_dim3A_498 = vector.broadcast %jit3A_497 : f32 to vector<16xf32>
    %select_n3A_499 = arith.select %eq3A_496, %broadcast_in_dim3A_498, %broadcast_in_dim3A_491 : vector<16xi1>, vector<16xf32>
    %eq3A_500 = arith.constant 1 : i32
    %eq3A_501 = vector.broadcast %eq3A_500 : i32 to vector<16xi32>
    %eq3A_502 = arith.cmpi eq, %select_n3A_488, %eq3A_501 : vector<16xi32>
    %jit3A_503 = arith.constant 6.000000e+00 : f32
    %broadcast_in_dim3A_504 = vector.broadcast %jit3A_503 : f32 to vector<16xf32>
    %select_n3A_505 = arith.select %eq3A_502, %broadcast_in_dim3A_504, %broadcast_in_dim3A_493 : vector<16xi1>, vector<16xf32>
    %eq3A_506 = arith.constant 2 : i32
    %eq3A_507 = vector.broadcast %eq3A_506 : i32 to vector<16xi32>
    %eq3A_508 = arith.cmpi eq, %select_n3A_488, %eq3A_507 : vector<16xi32>
    %jit3A_509 = arith.constant 9.062500e+00 : f32
    %broadcast_in_dim3A_510 = vector.broadcast %jit3A_509 : f32 to vector<16xf32>
    %select_n3A_511 = arith.select %eq3A_508, %broadcast_in_dim3A_510, %select_n3A_499 : vector<16xi1>, vector<16xf32>
    %eq3A_512 = arith.constant 2 : i32
    %eq3A_513 = vector.broadcast %eq3A_512 : i32 to vector<16xi32>
    %eq3A_514 = arith.cmpi eq, %select_n3A_488, %eq3A_513 : vector<16xi32>
    %jit3A_515 = arith.constant 1.500000e+01 : f32
    %broadcast_in_dim3A_516 = vector.broadcast %jit3A_515 : f32 to vector<16xf32>
    %select_n3A_517 = arith.select %eq3A_514, %broadcast_in_dim3A_516, %select_n3A_505 : vector<16xi1>, vector<16xf32>
    %eq3A_518 = arith.constant 3 : i32
    %eq3A_519 = vector.broadcast %eq3A_518 : i32 to vector<16xi32>
    %eq3A_520 = arith.cmpi eq, %select_n3A_488, %eq3A_519 : vector<16xi32>
    %jit3A_521 = arith.constant 1.762500e+01 : f32
    %broadcast_in_dim3A_522 = vector.broadcast %jit3A_521 : f32 to vector<16xf32>
    %select_n3A_523 = arith.select %eq3A_520, %broadcast_in_dim3A_522, %select_n3A_511 : vector<16xi1>, vector<16xf32>
    %eq3A_524 = arith.constant 3 : i32
    %eq3A_525 = vector.broadcast %eq3A_524 : i32 to vector<16xi32>
    %eq3A_526 = arith.cmpi eq, %select_n3A_488, %eq3A_525 : vector<16xi32>
    %jit3A_527 = arith.constant 9.375000e+00 : f32
    %broadcast_in_dim3A_528 = vector.broadcast %jit3A_527 : f32 to vector<16xf32>
    %select_n3A_529 = arith.select %eq3A_526, %broadcast_in_dim3A_528, %select_n3A_517 : vector<16xi1>, vector<16xf32>
    %eq3A_530 = arith.constant 4 : i32
    %eq3A_531 = vector.broadcast %eq3A_530 : i32 to vector<16xi32>
    %eq3A_532 = arith.cmpi eq, %select_n3A_488, %eq3A_531 : vector<16xi32>
    %jit3A_533 = arith.constant 2.187500e+01 : f32
    %broadcast_in_dim3A_534 = vector.broadcast %jit3A_533 : f32 to vector<16xf32>
    %select_n3A_535 = arith.select %eq3A_532, %broadcast_in_dim3A_534, %select_n3A_523 : vector<16xi1>, vector<16xf32>
    %eq3A_536 = arith.constant 4 : i32
    %eq3A_537 = vector.broadcast %eq3A_536 : i32 to vector<16xi32>
    %eq3A_538 = arith.cmpi eq, %select_n3A_488, %eq3A_537 : vector<16xi32>
    %jit3A_539 = arith.constant 2.062500e+01 : f32
    %broadcast_in_dim3A_540 = vector.broadcast %jit3A_539 : f32 to vector<16xf32>
    %select_n3A_541 = arith.select %eq3A_538, %broadcast_in_dim3A_540, %select_n3A_529 : vector<16xi1>, vector<16xf32>
    %convert_element_type3A_542 = arith.sitofp %min3A_382 : vector<16xi32> to vector<16xf32>
    %sub3A_543 = arith.subf %mul3A_366, %convert_element_type3A_542 : vector<16xf32>
    %convert_element_type3A_544 = arith.sitofp %min3A_389 : vector<16xi32> to vector<16xf32>
    %sub3A_545 = arith.subf %mul3A_369, %convert_element_type3A_544 : vector<16xf32>
    %div3A_546 = arith.divf %mul3A_372, %select_n3A_535 : vector<16xf32>
    %add3A_547 = arith.constant 1.000000e-16 : f32
    %add3A_548 = vector.broadcast %add3A_547 : f32 to vector<16xf32>
    %add3A_549 = arith.addf %div3A_546, %add3A_548 : vector<16xf32>
    %bitcast3A_550 = vector.bitcast %add3A_549 : vector<16xf32> to vector<16xi32>
    %shift_right_arithmetic3A_551 = arith.constant 23 : i32
    %shift_right_arithmetic3A_552 = vector.broadcast %shift_right_arithmetic3A_551 : i32 to vector<16xi32>
    %shift_right_arithmetic3A_553 = arith.shrsi %bitcast3A_550, %shift_right_arithmetic3A_552 : vector<16xi32>
    %and3A_554 = arith.constant 255 : i32
    %and3A_555 = vector.broadcast %and3A_554 : i32 to vector<16xi32>
    %and3A_556 = arith.andi %shift_right_arithmetic3A_553, %and3A_555 : vector<16xi32>
    %sub3A_557 = arith.constant 127 : i32
    %sub3A_558 = vector.broadcast %sub3A_557 : i32 to vector<16xi32>
    %sub3A_559 = arith.subi %and3A_556, %sub3A_558 : vector<16xi32>
    %and3A_560 = arith.constant 8388607 : i32
    %and3A_561 = vector.broadcast %and3A_560 : i32 to vector<16xi32>
    %and3A_562 = arith.andi %bitcast3A_550, %and3A_561 : vector<16xi32>
    %or3A_563 = arith.constant 1065353216 : i32
    %or3A_564 = vector.broadcast %or3A_563 : i32 to vector<16xi32>
    %or3A_565 = arith.ori %and3A_562, %or3A_564 : vector<16xi32>
    %bitcast3A_566 = vector.bitcast %or3A_565 : vector<16xi32> to vector<16xf32>
    %gt3A_567 = arith.constant 1.41421354 : f32
    %gt3A_568 = vector.broadcast %gt3A_567 : f32 to vector<16xf32>
    %gt3A_569 = arith.cmpf ogt, %bitcast3A_566, %gt3A_568 : vector<16xf32>
    %mul3A_570 = arith.constant 5.000000e-01 : f32
    %mul3A_571 = vector.broadcast %mul3A_570 : f32 to vector<16xf32>
    %mul3A_572 = arith.mulf %bitcast3A_566, %mul3A_571 : vector<16xf32>
    %select_n3A_573 = arith.select %gt3A_569, %mul3A_572, %bitcast3A_566 : vector<16xi1>, vector<16xf32>
    %jit3A_574 = arith.constant 1 : i32
    %jit3A_575 = arith.constant 0 : i32
    %broadcast_in_dim3A_576 = vector.broadcast %jit3A_574 : i32 to vector<16xi32>
    %broadcast_in_dim3A_577 = vector.broadcast %jit3A_575 : i32 to vector<16xi32>
    %select_n3A_578 = arith.select %gt3A_569, %broadcast_in_dim3A_576, %broadcast_in_dim3A_577 : vector<16xi1>, vector<16xi32>
    %add3A_579 = arith.addi %sub3A_559, %select_n3A_578 : vector<16xi32>
    %sub3A_580 = arith.constant 1.000000e+00 : f32
    %sub3A_581 = vector.broadcast %sub3A_580 : f32 to vector<16xf32>
    %sub3A_582 = arith.subf %select_n3A_573, %sub3A_581 : vector<16xf32>
    %add3A_583 = arith.constant 1.000000e+00 : f32
    %add3A_584 = vector.broadcast %add3A_583 : f32 to vector<16xf32>
    %add3A_585 = arith.addf %select_n3A_573, %add3A_584 : vector<16xf32>
    %div3A_586 = arith.divf %sub3A_582, %add3A_585 : vector<16xf32>
    %mul3A_587 = arith.mulf %div3A_586, %div3A_586 : vector<16xf32>
    %mul3A_588 = arith.constant 0.111111112 : f32
    %mul3A_589 = vector.broadcast %mul3A_588 : f32 to vector<16xf32>
    %mul3A_590 = arith.mulf %mul3A_587, %mul3A_589 : vector<16xf32>
    %add3A_591 = arith.constant 0.142857149 : f32
    %add3A_592 = vector.broadcast %add3A_591 : f32 to vector<16xf32>
    %add3A_593 = arith.addf %add3A_592, %mul3A_590 : vector<16xf32>
    %mul3A_594 = arith.mulf %mul3A_587, %add3A_593 : vector<16xf32>
    %add3A_595 = arith.constant 2.000000e-01 : f32
    %add3A_596 = vector.broadcast %add3A_595 : f32 to vector<16xf32>
    %add3A_597 = arith.addf %add3A_596, %mul3A_594 : vector<16xf32>
    %mul3A_598 = arith.mulf %mul3A_587, %add3A_597 : vector<16xf32>
    %add3A_599 = arith.constant 0.333333343 : f32
    %add3A_600 = vector.broadcast %add3A_599 : f32 to vector<16xf32>
    %add3A_601 = arith.addf %add3A_600, %mul3A_598 : vector<16xf32>
    %mul3A_602 = arith.constant 2.000000e+00 : f32
    %mul3A_603 = vector.broadcast %mul3A_602 : f32 to vector<16xf32>
    %mul3A_604 = arith.mulf %mul3A_603, %div3A_586 : vector<16xf32>
    %mul3A_605 = arith.mulf %mul3A_587, %add3A_601 : vector<16xf32>
    %add3A_606 = arith.constant 1.000000e+00 : f32
    %add3A_607 = vector.broadcast %add3A_606 : f32 to vector<16xf32>
    %add3A_608 = arith.addf %add3A_607, %mul3A_605 : vector<16xf32>
    %mul3A_609 = arith.mulf %mul3A_604, %add3A_608 : vector<16xf32>
    %convert_element_type3A_610 = arith.sitofp %add3A_579 : vector<16xi32> to vector<16xf32>
    %mul3A_611 = arith.constant 0.693147182 : f32
    %mul3A_612 = vector.broadcast %mul3A_611 : f32 to vector<16xf32>
    %mul3A_613 = arith.mulf %convert_element_type3A_610, %mul3A_612 : vector<16xf32>
    %add3A_614 = arith.addf %mul3A_613, %mul3A_609 : vector<16xf32>
    %div3A_615 = arith.divf %mul3A_375, %select_n3A_541 : vector<16xf32>
    %add3A_616 = arith.constant 1.000000e-16 : f32
    %add3A_617 = vector.broadcast %add3A_616 : f32 to vector<16xf32>
    %add3A_618 = arith.addf %div3A_615, %add3A_617 : vector<16xf32>
    %bitcast3A_619 = vector.bitcast %add3A_618 : vector<16xf32> to vector<16xi32>
    %shift_right_arithmetic3A_620 = arith.constant 23 : i32
    %shift_right_arithmetic3A_621 = vector.broadcast %shift_right_arithmetic3A_620 : i32 to vector<16xi32>
    %shift_right_arithmetic3A_622 = arith.shrsi %bitcast3A_619, %shift_right_arithmetic3A_621 : vector<16xi32>
    %and3A_623 = arith.constant 255 : i32
    %and3A_624 = vector.broadcast %and3A_623 : i32 to vector<16xi32>
    %and3A_625 = arith.andi %shift_right_arithmetic3A_622, %and3A_624 : vector<16xi32>
    %sub3A_626 = arith.constant 127 : i32
    %sub3A_627 = vector.broadcast %sub3A_626 : i32 to vector<16xi32>
    %sub3A_628 = arith.subi %and3A_625, %sub3A_627 : vector<16xi32>
    %and3A_629 = arith.constant 8388607 : i32
    %and3A_630 = vector.broadcast %and3A_629 : i32 to vector<16xi32>
    %and3A_631 = arith.andi %bitcast3A_619, %and3A_630 : vector<16xi32>
    %or3A_632 = arith.constant 1065353216 : i32
    %or3A_633 = vector.broadcast %or3A_632 : i32 to vector<16xi32>
    %or3A_634 = arith.ori %and3A_631, %or3A_633 : vector<16xi32>
    %bitcast3A_635 = vector.bitcast %or3A_634 : vector<16xi32> to vector<16xf32>
    %gt3A_636 = arith.constant 1.41421354 : f32
    %gt3A_637 = vector.broadcast %gt3A_636 : f32 to vector<16xf32>
    %gt3A_638 = arith.cmpf ogt, %bitcast3A_635, %gt3A_637 : vector<16xf32>
    %mul3A_639 = arith.constant 5.000000e-01 : f32
    %mul3A_640 = vector.broadcast %mul3A_639 : f32 to vector<16xf32>
    %mul3A_641 = arith.mulf %bitcast3A_635, %mul3A_640 : vector<16xf32>
    %select_n3A_642 = arith.select %gt3A_638, %mul3A_641, %bitcast3A_635 : vector<16xi1>, vector<16xf32>
    %jit3A_643 = arith.constant 1 : i32
    %jit3A_644 = arith.constant 0 : i32
    %broadcast_in_dim3A_645 = vector.broadcast %jit3A_643 : i32 to vector<16xi32>
    %broadcast_in_dim3A_646 = vector.broadcast %jit3A_644 : i32 to vector<16xi32>
    %select_n3A_647 = arith.select %gt3A_638, %broadcast_in_dim3A_645, %broadcast_in_dim3A_646 : vector<16xi1>, vector<16xi32>
    %add3A_648 = arith.addi %sub3A_628, %select_n3A_647 : vector<16xi32>
    %sub3A_649 = arith.constant 1.000000e+00 : f32
    %sub3A_650 = vector.broadcast %sub3A_649 : f32 to vector<16xf32>
    %sub3A_651 = arith.subf %select_n3A_642, %sub3A_650 : vector<16xf32>
    %add3A_652 = arith.constant 1.000000e+00 : f32
    %add3A_653 = vector.broadcast %add3A_652 : f32 to vector<16xf32>
    %add3A_654 = arith.addf %select_n3A_642, %add3A_653 : vector<16xf32>
    %div3A_655 = arith.divf %sub3A_651, %add3A_654 : vector<16xf32>
    %mul3A_656 = arith.mulf %div3A_655, %div3A_655 : vector<16xf32>
    %mul3A_657 = arith.constant 0.111111112 : f32
    %mul3A_658 = vector.broadcast %mul3A_657 : f32 to vector<16xf32>
    %mul3A_659 = arith.mulf %mul3A_656, %mul3A_658 : vector<16xf32>
    %add3A_660 = arith.constant 0.142857149 : f32
    %add3A_661 = vector.broadcast %add3A_660 : f32 to vector<16xf32>
    %add3A_662 = arith.addf %add3A_661, %mul3A_659 : vector<16xf32>
    %mul3A_663 = arith.mulf %mul3A_656, %add3A_662 : vector<16xf32>
    %add3A_664 = arith.constant 2.000000e-01 : f32
    %add3A_665 = vector.broadcast %add3A_664 : f32 to vector<16xf32>
    %add3A_666 = arith.addf %add3A_665, %mul3A_663 : vector<16xf32>
    %mul3A_667 = arith.mulf %mul3A_656, %add3A_666 : vector<16xf32>
    %add3A_668 = arith.constant 0.333333343 : f32
    %add3A_669 = vector.broadcast %add3A_668 : f32 to vector<16xf32>
    %add3A_670 = arith.addf %add3A_669, %mul3A_667 : vector<16xf32>
    %mul3A_671 = arith.constant 2.000000e+00 : f32
    %mul3A_672 = vector.broadcast %mul3A_671 : f32 to vector<16xf32>
    %mul3A_673 = arith.mulf %mul3A_672, %div3A_655 : vector<16xf32>
    %mul3A_674 = arith.mulf %mul3A_656, %add3A_670 : vector<16xf32>
    %add3A_675 = arith.constant 1.000000e+00 : f32
    %add3A_676 = vector.broadcast %add3A_675 : f32 to vector<16xf32>
    %add3A_677 = arith.addf %add3A_676, %mul3A_674 : vector<16xf32>
    %mul3A_678 = arith.mulf %mul3A_673, %add3A_677 : vector<16xf32>
    %convert_element_type3A_679 = arith.sitofp %add3A_648 : vector<16xi32> to vector<16xf32>
    %mul3A_680 = arith.constant 0.693147182 : f32
    %mul3A_681 = vector.broadcast %mul3A_680 : f32 to vector<16xf32>
    %mul3A_682 = arith.mulf %convert_element_type3A_679, %mul3A_681 : vector<16xf32>
    %add3A_683 = arith.addf %mul3A_682, %mul3A_678 : vector<16xf32>
    %convert_element_type3A_684 = arith.fptosi %get3A_363 : vector<16xf32> to vector<16xi32>
    %jit3A_685 = arith.constant 0 : i32
    %jit3A_686 = arith.constant 19 : i32
    %max3A_687 = vector.broadcast %jit3A_685 : i32 to vector<16xi32>
    %max3A_688 = arith.maxsi %max3A_687, %convert_element_type3A_684 : vector<16xi32>
    %min3A_689 = vector.broadcast %jit3A_686 : i32 to vector<16xi32>
    %min3A_690 = arith.minsi %min3A_689, %max3A_688 : vector<16xi32>
    %mul3A_691 = arith.constant 25 : i32
    %mul3A_692 = vector.broadcast %mul3A_691 : i32 to vector<16xi32>
    %mul3A_693 = arith.muli %select_n3A_488, %mul3A_692 : vector<16xi32>
    %mul3A_694 = arith.constant 1024 : i32
    %mul3A_695 = vector.broadcast %mul3A_694 : i32 to vector<16xi32>
    %mul3A_696 = arith.muli %select_n3A_488, %mul3A_695 : vector<16xi32>
    %mul3A_697 = arith.constant 32 : i32
    %mul3A_698 = vector.broadcast %mul3A_697 : i32 to vector<16xi32>
    %mul3A_699 = arith.muli %min3A_389, %mul3A_698 : vector<16xi32>
    %add3A_700 = arith.addi %mul3A_696, %mul3A_699 : vector<16xi32>
    %add3A_701 = arith.addi %add3A_700, %min3A_382 : vector<16xi32>
    %eq3A_702 = arith.constant 0 : i32
    %eq3A_703 = vector.broadcast %eq3A_702 : i32 to vector<16xi32>
    %eq3A_704 = arith.cmpi eq, %iota3A, %eq3A_703 : vector<16xi32>
    tpu.vector_store_idx %arg6[%add3A_343], %iota3A masked %eq3A_704 : memref<5120xi32, #tpu.memory_space<vmem>>[vector<16xi32>], vector<16xi32>, vector<16xi1>
    %eq3A_705 = arith.constant 1 : i32
    %eq3A_706 = vector.broadcast %eq3A_705 : i32 to vector<16xi32>
    %eq3A_707 = arith.cmpi eq, %iota3A, %eq3A_706 : vector<16xi32>
    tpu.vector_store_idx %arg6[%add3A_343], %iota3A masked %eq3A_707 : memref<5120xi32, #tpu.memory_space<vmem>>[vector<16xi32>], vector<16xi32>, vector<16xi1>
    %eq3A_708 = arith.constant 2 : i32
    %eq3A_709 = vector.broadcast %eq3A_708 : i32 to vector<16xi32>
    %eq3A_710 = arith.cmpi eq, %iota3A, %eq3A_709 : vector<16xi32>
    tpu.vector_store_idx %arg6[%add3A_343], %iota3A masked %eq3A_710 : memref<5120xi32, #tpu.memory_space<vmem>>[vector<16xi32>], vector<16xi32>, vector<16xi1>
    %eq3A_711 = arith.constant 3 : i32
    %eq3A_712 = vector.broadcast %eq3A_711 : i32 to vector<16xi32>
    %eq3A_713 = arith.cmpi eq, %iota3A, %eq3A_712 : vector<16xi32>
    tpu.vector_store_idx %arg6[%add3A_343], %iota3A masked %eq3A_713 : memref<5120xi32, #tpu.memory_space<vmem>>[vector<16xi32>], vector<16xi32>, vector<16xi1>
    %eq3A_714 = arith.constant 4 : i32
    %eq3A_715 = vector.broadcast %eq3A_714 : i32 to vector<16xi32>
    %eq3A_716 = arith.cmpi eq, %iota3A, %eq3A_715 : vector<16xi32>
    tpu.vector_store_idx %arg6[%add3A_343], %iota3A masked %eq3A_716 : memref<5120xi32, #tpu.memory_space<vmem>>[vector<16xi32>], vector<16xi32>, vector<16xi1>
    %eq3A_717 = arith.constant 5 : i32
    %eq3A_718 = vector.broadcast %eq3A_717 : i32 to vector<16xi32>
    %eq3A_719 = arith.cmpi eq, %iota3A, %eq3A_718 : vector<16xi32>
    tpu.vector_store_idx %arg6[%add3A_343], %iota3A masked %eq3A_719 : memref<5120xi32, #tpu.memory_space<vmem>>[vector<16xi32>], vector<16xi32>, vector<16xi1>
    %eq3A_720 = arith.constant 6 : i32
    %eq3A_721 = vector.broadcast %eq3A_720 : i32 to vector<16xi32>
    %eq3A_722 = arith.cmpi eq, %iota3A, %eq3A_721 : vector<16xi32>
    tpu.vector_store_idx %arg6[%add3A_343], %iota3A masked %eq3A_722 : memref<5120xi32, #tpu.memory_space<vmem>>[vector<16xi32>], vector<16xi32>, vector<16xi1>
    %eq3A_723 = arith.constant 7 : i32
    %eq3A_724 = vector.broadcast %eq3A_723 : i32 to vector<16xi32>
    %eq3A_725 = arith.cmpi eq, %iota3A, %eq3A_724 : vector<16xi32>
    tpu.vector_store_idx %arg6[%add3A_343], %iota3A masked %eq3A_725 : memref<5120xi32, #tpu.memory_space<vmem>>[vector<16xi32>], vector<16xi32>, vector<16xi1>
    %eq3A_726 = arith.constant 8 : i32
    %eq3A_727 = vector.broadcast %eq3A_726 : i32 to vector<16xi32>
    %eq3A_728 = arith.cmpi eq, %iota3A, %eq3A_727 : vector<16xi32>
    tpu.vector_store_idx %arg6[%add3A_343], %iota3A masked %eq3A_728 : memref<5120xi32, #tpu.memory_space<vmem>>[vector<16xi32>], vector<16xi32>, vector<16xi1>
    %eq3A_729 = arith.constant 9 : i32
    %eq3A_730 = vector.broadcast %eq3A_729 : i32 to vector<16xi32>
    %eq3A_731 = arith.cmpi eq, %iota3A, %eq3A_730 : vector<16xi32>
    tpu.vector_store_idx %arg6[%add3A_343], %iota3A masked %eq3A_731 : memref<5120xi32, #tpu.memory_space<vmem>>[vector<16xi32>], vector<16xi32>, vector<16xi1>
    %eq3A_732 = arith.constant 10 : i32
    %eq3A_733 = vector.broadcast %eq3A_732 : i32 to vector<16xi32>
    %eq3A_734 = arith.cmpi eq, %iota3A, %eq3A_733 : vector<16xi32>
    tpu.vector_store_idx %arg6[%add3A_343], %iota3A masked %eq3A_734 : memref<5120xi32, #tpu.memory_space<vmem>>[vector<16xi32>], vector<16xi32>, vector<16xi1>
    %eq3A_735 = arith.constant 11 : i32
    %eq3A_736 = vector.broadcast %eq3A_735 : i32 to vector<16xi32>
    %eq3A_737 = arith.cmpi eq, %iota3A, %eq3A_736 : vector<16xi32>
    tpu.vector_store_idx %arg6[%add3A_343], %iota3A masked %eq3A_737 : memref<5120xi32, #tpu.memory_space<vmem>>[vector<16xi32>], vector<16xi32>, vector<16xi1>
    %eq3A_738 = arith.constant 12 : i32
    %eq3A_739 = vector.broadcast %eq3A_738 : i32 to vector<16xi32>
    %eq3A_740 = arith.cmpi eq, %iota3A, %eq3A_739 : vector<16xi32>
    tpu.vector_store_idx %arg6[%add3A_343], %iota3A masked %eq3A_740 : memref<5120xi32, #tpu.memory_space<vmem>>[vector<16xi32>], vector<16xi32>, vector<16xi1>
    %eq3A_741 = arith.constant 13 : i32
    %eq3A_742 = vector.broadcast %eq3A_741 : i32 to vector<16xi32>
    %eq3A_743 = arith.cmpi eq, %iota3A, %eq3A_742 : vector<16xi32>
    tpu.vector_store_idx %arg6[%add3A_343], %iota3A masked %eq3A_743 : memref<5120xi32, #tpu.memory_space<vmem>>[vector<16xi32>], vector<16xi32>, vector<16xi1>
    %eq3A_744 = arith.constant 14 : i32
    %eq3A_745 = vector.broadcast %eq3A_744 : i32 to vector<16xi32>
    %eq3A_746 = arith.cmpi eq, %iota3A, %eq3A_745 : vector<16xi32>
    tpu.vector_store_idx %arg6[%add3A_343], %iota3A masked %eq3A_746 : memref<5120xi32, #tpu.memory_space<vmem>>[vector<16xi32>], vector<16xi32>, vector<16xi1>
    %eq3A_747 = arith.constant 15 : i32
    %eq3A_748 = vector.broadcast %eq3A_747 : i32 to vector<16xi32>
    %eq3A_749 = arith.cmpi eq, %iota3A, %eq3A_748 : vector<16xi32>
    tpu.vector_store_idx %arg6[%add3A_343], %iota3A masked %eq3A_749 : memref<5120xi32, #tpu.memory_space<vmem>>[vector<16xi32>], vector<16xi32>, vector<16xi1>
    %add3A_750 = arith.constant 16 : i32
    %add3A_751 = vector.broadcast %add3A_750 : i32 to vector<16xi32>
    %add3A_752 = arith.addi %iota3A, %add3A_751 : vector<16xi32>
    %eq3A_753 = arith.constant 0 : i32
    %eq3A_754 = vector.broadcast %eq3A_753 : i32 to vector<16xi32>
    %eq3A_755 = arith.cmpi eq, %iota3A, %eq3A_754 : vector<16xi32>
    tpu.vector_store_idx %arg6[%add3A_701], %add3A_752 masked %eq3A_755 : memref<5120xi32, #tpu.memory_space<vmem>>[vector<16xi32>], vector<16xi32>, vector<16xi1>
    %add3A_756 = arith.constant 16 : i32
    %add3A_757 = vector.broadcast %add3A_756 : i32 to vector<16xi32>
    %add3A_758 = arith.addi %iota3A, %add3A_757 : vector<16xi32>
    %eq3A_759 = arith.constant 1 : i32
    %eq3A_760 = vector.broadcast %eq3A_759 : i32 to vector<16xi32>
    %eq3A_761 = arith.cmpi eq, %iota3A, %eq3A_760 : vector<16xi32>
    tpu.vector_store_idx %arg6[%add3A_701], %add3A_758 masked %eq3A_761 : memref<5120xi32, #tpu.memory_space<vmem>>[vector<16xi32>], vector<16xi32>, vector<16xi1>
    %add3A_762 = arith.constant 16 : i32
    %add3A_763 = vector.broadcast %add3A_762 : i32 to vector<16xi32>
    %add3A_764 = arith.addi %iota3A, %add3A_763 : vector<16xi32>
    %eq3A_765 = arith.constant 2 : i32
    %eq3A_766 = vector.broadcast %eq3A_765 : i32 to vector<16xi32>
    %eq3A_767 = arith.cmpi eq, %iota3A, %eq3A_766 : vector<16xi32>
    tpu.vector_store_idx %arg6[%add3A_701], %add3A_764 masked %eq3A_767 : memref<5120xi32, #tpu.memory_space<vmem>>[vector<16xi32>], vector<16xi32>, vector<16xi1>
    %add3A_768 = arith.constant 16 : i32
    %add3A_769 = vector.broadcast %add3A_768 : i32 to vector<16xi32>
    %add3A_770 = arith.addi %iota3A, %add3A_769 : vector<16xi32>
    %eq3A_771 = arith.constant 3 : i32
    %eq3A_772 = vector.broadcast %eq3A_771 : i32 to vector<16xi32>
    %eq3A_773 = arith.cmpi eq, %iota3A, %eq3A_772 : vector<16xi32>
    tpu.vector_store_idx %arg6[%add3A_701], %add3A_770 masked %eq3A_773 : memref<5120xi32, #tpu.memory_space<vmem>>[vector<16xi32>], vector<16xi32>, vector<16xi1>
    %add3A_774 = arith.constant 16 : i32
    %add3A_775 = vector.broadcast %add3A_774 : i32 to vector<16xi32>
    %add3A_776 = arith.addi %iota3A, %add3A_775 : vector<16xi32>
    %eq3A_777 = arith.constant 4 : i32
    %eq3A_778 = vector.broadcast %eq3A_777 : i32 to vector<16xi32>
    %eq3A_779 = arith.cmpi eq, %iota3A, %eq3A_778 : vector<16xi32>
    tpu.vector_store_idx %arg6[%add3A_701], %add3A_776 masked %eq3A_779 : memref<5120xi32, #tpu.memory_space<vmem>>[vector<16xi32>], vector<16xi32>, vector<16xi1>
    %add3A_780 = arith.constant 16 : i32
    %add3A_781 = vector.broadcast %add3A_780 : i32 to vector<16xi32>
    %add3A_782 = arith.addi %iota3A, %add3A_781 : vector<16xi32>
    %eq3A_783 = arith.constant 5 : i32
    %eq3A_784 = vector.broadcast %eq3A_783 : i32 to vector<16xi32>
    %eq3A_785 = arith.cmpi eq, %iota3A, %eq3A_784 : vector<16xi32>
    tpu.vector_store_idx %arg6[%add3A_701], %add3A_782 masked %eq3A_785 : memref<5120xi32, #tpu.memory_space<vmem>>[vector<16xi32>], vector<16xi32>, vector<16xi1>
    %add3A_786 = arith.constant 16 : i32
    %add3A_787 = vector.broadcast %add3A_786 : i32 to vector<16xi32>
    %add3A_788 = arith.addi %iota3A, %add3A_787 : vector<16xi32>
    %eq3A_789 = arith.constant 6 : i32
    %eq3A_790 = vector.broadcast %eq3A_789 : i32 to vector<16xi32>
    %eq3A_791 = arith.cmpi eq, %iota3A, %eq3A_790 : vector<16xi32>
    tpu.vector_store_idx %arg6[%add3A_701], %add3A_788 masked %eq3A_791 : memref<5120xi32, #tpu.memory_space<vmem>>[vector<16xi32>], vector<16xi32>, vector<16xi1>
    %add3A_792 = arith.constant 16 : i32
    %add3A_793 = vector.broadcast %add3A_792 : i32 to vector<16xi32>
    %add3A_794 = arith.addi %iota3A, %add3A_793 : vector<16xi32>
    %eq3A_795 = arith.constant 7 : i32
    %eq3A_796 = vector.broadcast %eq3A_795 : i32 to vector<16xi32>
    %eq3A_797 = arith.cmpi eq, %iota3A, %eq3A_796 : vector<16xi32>
    tpu.vector_store_idx %arg6[%add3A_701], %add3A_794 masked %eq3A_797 : memref<5120xi32, #tpu.memory_space<vmem>>[vector<16xi32>], vector<16xi32>, vector<16xi1>
    %gather3A = tpu.vector_load_idx %arg6[%add3A_343] : memref<5120xi32, #tpu.memory_space<vmem>>[vector<16xi32>], vector<16xi32>,
    %eq3A_798 = arith.cmpi eq, %gather3A, %iota3A : vector<16xi32>
    %gather3A_799 = tpu.vector_load_idx %arg6[%add3A_701] : memref<5120xi32, #tpu.memory_space<vmem>>[vector<16xi32>], vector<16xi32>,
    %add3A_800 = arith.constant 16 : i32
    %add3A_801 = vector.broadcast %add3A_800 : i32 to vector<16xi32>
    %add3A_802 = arith.addi %iota3A, %add3A_801 : vector<16xi32>
    %eq3A_803 = arith.cmpi eq, %gather3A_799, %add3A_802 : vector<16xi32>
    %lt3A = arith.constant 8 : i32
    %lt3A_804 = vector.broadcast %lt3A : i32 to vector<16xi32>
    %lt3A_805 = arith.cmpi slt, %iota3A, %lt3A_804 : vector<16xi32>
    %and3A_806 = arith.andi %eq3A_803, %lt3A_805 : vector<16xi1>
    %mul3A_807 = arith.constant 32 : i32
    %mul3A_808 = arith.muli %add3A, %mul3A_807 : i32
    %add3A_809 = vector.broadcast %mul3A_808 : i32 to vector<16xi32>
    %add3A_810 = arith.addi %add3A_809, %min3A_41 : vector<16xi32>
    %mul3A_811 = arith.constant 32 : i32
    %mul3A_812 = vector.broadcast %mul3A_811 : i32 to vector<16xi32>
    %mul3A_813 = arith.muli %add3A_810, %mul3A_812 : vector<16xi32>
    %add3A_814 = arith.addi %mul3A_813, %min3A_34 : vector<16xi32>
    %mul3A_815 = arith.constant 32 : i32
    %mul3A_816 = arith.muli %add3A, %mul3A_815 : i32
    %add3A_817 = vector.broadcast %mul3A_816 : i32 to vector<16xi32>
    %add3A_818 = arith.addi %add3A_817, %min3A_389 : vector<16xi32>
    %mul3A_819 = arith.constant 32 : i32
    %mul3A_820 = vector.broadcast %mul3A_819 : i32 to vector<16xi32>
    %mul3A_821 = arith.muli %add3A_818, %mul3A_820 : vector<16xi32>
    %add3A_822 = arith.addi %mul3A_821, %min3A_382 : vector<16xi32>
    %slice3A = vector.extract_strided_slice %add3A_814 {offsets = [0], sizes = [1], strides = [1]} : vector<16xi32> to vector<1xi32>
    %squeeze3A = vector.extract %slice3A[0] : i32 from vector<1xi32>
    %shift_right_arithmetic3A_823 = arith.constant 3 : i32
    %shift_right_arithmetic3A_824 = arith.shrsi %squeeze3A, %shift_right_arithmetic3A_823 : i32
    %shift_left3A = arith.constant 3 : i32
    %shift_left3A_825 = arith.shli %shift_right_arithmetic3A_824, %shift_left3A : i32
    %multiple_of3A = tpu.assume_multiple %shift_left3A_825, 8 : i32
    %dma_start3A = arith.constant 0 : i32
    %dma_start3A_826 = arith.constant 0 : i32
    %dma_start3A_827 = arith.constant 0 : i32
    %dma_start3A_828 = tpu.memref_slice %arg7[%dma_start3A, %dma_start3A_826, %dma_start3A_827] : memref<24x8x125xf32, #tpu.memory_space<vmem>> -> memref<1x8x125xf32, #tpu.memory_space<vmem>>
    %dma_start3A_829 = tpu.memref_squeeze %dma_start3A_828 : memref<1x8x125xf32, #tpu.memory_space<vmem>> -> memref<8x125xf32, #tpu.memory_space<vmem>>
    %dma_start3A_830 = arith.constant 0 : i32
    %dma_start3A_831 = tpu.memref_slice %arg2[%multiple_of3A, %dma_start3A_830] : memref<32768x125xf32, #tpu.memory_space<hbm>> -> memref<8x125xf32, #tpu.memory_space<hbm>>
    %dma_start3A_832 = arith.constant 0 : i32
    %dma_start3A_833 = arith.constant 0 : i32
    %dma_start3A_834 = tpu.memref_slice %arg7[%dma_start3A, %dma_start3A_832, %dma_start3A_833] : memref<24x8x125xf32, #tpu.memory_space<vmem>> -> memref<1x8x125xf32, #tpu.memory_space<vmem>>
    %dma_start3A_835 = tpu.memref_squeeze %dma_start3A_834 : memref<1x8x125xf32, #tpu.memory_space<vmem>> -> memref<8x125xf32, #tpu.memory_space<vmem>>
    %dma_start3A_836 = arith.constant 0 : i32
    %dma_start3A_837 = tpu.memref_slice %arg2[%multiple_of3A, %dma_start3A_836] : memref<32768x125xf32, #tpu.memory_space<hbm>> -> memref<8x125xf32, #tpu.memory_space<hbm>>
    tpu.enqueue_dma source(%dma_start3A_837 : memref<8x125xf32, #tpu.memory_space<hbm>>) target(%dma_start3A_835 : memref<8x125xf32, #tpu.memory_space<vmem>>) target_semaphore(%arg9 : memref<!tpu.dma_semaphore, #tpu.memory_space<semaphore_mem>>)
    %slice3A_838 = vector.extract_strided_slice %add3A_814 {offsets = [1], sizes = [1], strides = [1]} : vector<16xi32> to vector<1xi32>
    %squeeze3A_839 = vector.extract %slice3A_838[0] : i32 from vector<1xi32>
    %shift_right_arithmetic3A_840 = arith.constant 3 : i32
    %shift_right_arithmetic3A_841 = arith.shrsi %squeeze3A_839, %shift_right_arithmetic3A_840 : i32
    %shift_left3A_842 = arith.constant 3 : i32
    %shift_left3A_843 = arith.shli %shift_right_arithmetic3A_841, %shift_left3A_842 : i32
    %multiple_of3A_844 = tpu.assume_multiple %shift_left3A_843, 8 : i32
    %dma_start3A_845 = arith.constant 1 : i32
    %dma_start3A_846 = arith.constant 0 : i32
    %dma_start3A_847 = arith.constant 0 : i32
    %dma_start3A_848 = tpu.memref_slice %arg7[%dma_start3A_845, %dma_start3A_846, %dma_start3A_847] : memref<24x8x125xf32, #tpu.memory_space<vmem>> -> memref<1x8x125xf32, #tpu.memory_space<vmem>>
    %dma_start3A_849 = tpu.memref_squeeze %dma_start3A_848 : memref<1x8x125xf32, #tpu.memory_space<vmem>> -> memref<8x125xf32, #tpu.memory_space<vmem>>
    %dma_start3A_850 = arith.constant 0 : i32
    %dma_start3A_851 = tpu.memref_slice %arg2[%multiple_of3A_844, %dma_start3A_850] : memref<32768x125xf32, #tpu.memory_space<hbm>> -> memref<8x125xf32, #tpu.memory_space<hbm>>
    %dma_start3A_852 = arith.constant 0 : i32
    %dma_start3A_853 = arith.constant 0 : i32
    %dma_start3A_854 = tpu.memref_slice %arg7[%dma_start3A_845, %dma_start3A_852, %dma_start3A_853] : memref<24x8x125xf32, #tpu.memory_space<vmem>> -> memref<1x8x125xf32, #tpu.memory_space<vmem>>
    %dma_start3A_855 = tpu.memref_squeeze %dma_start3A_854 : memref<1x8x125xf32, #tpu.memory_space<vmem>> -> memref<8x125xf32, #tpu.memory_space<vmem>>
    %dma_start3A_856 = arith.constant 0 : i32
    %dma_start3A_857 = tpu.memref_slice %arg2[%multiple_of3A_844, %dma_start3A_856] : memref<32768x125xf32, #tpu.memory_space<hbm>> -> memref<8x125xf32, #tpu.memory_space<hbm>>
    tpu.enqueue_dma source(%dma_start3A_857 : memref<8x125xf32, #tpu.memory_space<hbm>>) target(%dma_start3A_855 : memref<8x125xf32, #tpu.memory_space<vmem>>) target_semaphore(%arg9 : memref<!tpu.dma_semaphore, #tpu.memory_space<semaphore_mem>>)
    %slice3A_858 = vector.extract_strided_slice %add3A_814 {offsets = [2], sizes = [1], strides = [1]} : vector<16xi32> to vector<1xi32>
    %squeeze3A_859 = vector.extract %slice3A_858[0] : i32 from vector<1xi32>
    %shift_right_arithmetic3A_860 = arith.constant 3 : i32
    %shift_right_arithmetic3A_861 = arith.shrsi %squeeze3A_859, %shift_right_arithmetic3A_860 : i32
    %shift_left3A_862 = arith.constant 3 : i32
    %shift_left3A_863 = arith.shli %shift_right_arithmetic3A_861, %shift_left3A_862 : i32
    %multiple_of3A_864 = tpu.assume_multiple %shift_left3A_863, 8 : i32
    %dma_start3A_865 = arith.constant 2 : i32
    %dma_start3A_866 = arith.constant 0 : i32
    %dma_start3A_867 = arith.constant 0 : i32
    %dma_start3A_868 = tpu.memref_slice %arg7[%dma_start3A_865, %dma_start3A_866, %dma_start3A_867] : memref<24x8x125xf32, #tpu.memory_space<vmem>> -> memref<1x8x125xf32, #tpu.memory_space<vmem>>
    %dma_start3A_869 = tpu.memref_squeeze %dma_start3A_868 : memref<1x8x125xf32, #tpu.memory_space<vmem>> -> memref<8x125xf32, #tpu.memory_space<vmem>>
    %dma_start3A_870 = arith.constant 0 : i32
    %dma_start3A_871 = tpu.memref_slice %arg2[%multiple_of3A_864, %dma_start3A_870] : memref<32768x125xf32, #tpu.memory_space<hbm>> -> memref<8x125xf32, #tpu.memory_space<hbm>>
    %dma_start3A_872 = arith.constant 0 : i32
    %dma_start3A_873 = arith.constant 0 : i32
    %dma_start3A_874 = tpu.memref_slice %arg7[%dma_start3A_865, %dma_start3A_872, %dma_start3A_873] : memref<24x8x125xf32, #tpu.memory_space<vmem>> -> memref<1x8x125xf32, #tpu.memory_space<vmem>>
    %dma_start3A_875 = tpu.memref_squeeze %dma_start3A_874 : memref<1x8x125xf32, #tpu.memory_space<vmem>> -> memref<8x125xf32, #tpu.memory_space<vmem>>
    %dma_start3A_876 = arith.constant 0 : i32
    %dma_start3A_877 = tpu.memref_slice %arg2[%multiple_of3A_864, %dma_start3A_876] : memref<32768x125xf32, #tpu.memory_space<hbm>> -> memref<8x125xf32, #tpu.memory_space<hbm>>
    tpu.enqueue_dma source(%dma_start3A_877 : memref<8x125xf32, #tpu.memory_space<hbm>>) target(%dma_start3A_875 : memref<8x125xf32, #tpu.memory_space<vmem>>) target_semaphore(%arg9 : memref<!tpu.dma_semaphore, #tpu.memory_space<semaphore_mem>>)
    %slice3A_878 = vector.extract_strided_slice %add3A_814 {offsets = [3], sizes = [1], strides = [1]} : vector<16xi32> to vector<1xi32>
    %squeeze3A_879 = vector.extract %slice3A_878[0] : i32 from vector<1xi32>
    %shift_right_arithmetic3A_880 = arith.constant 3 : i32
    %shift_right_arithmetic3A_881 = arith.shrsi %squeeze3A_879, %shift_right_arithmetic3A_880 : i32
    %shift_left3A_882 = arith.constant 3 : i32
    %shift_left3A_883 = arith.shli %shift_right_arithmetic3A_881, %shift_left3A_882 : i32
    %multiple_of3A_884 = tpu.assume_multiple %shift_left3A_883, 8 : i32
    %dma_start3A_885 = arith.constant 3 : i32
    %dma_start3A_886 = arith.constant 0 : i32
    %dma_start3A_887 = arith.constant 0 : i32
    %dma_start3A_888 = tpu.memref_slice %arg7[%dma_start3A_885, %dma_start3A_886, %dma_start3A_887] : memref<24x8x125xf32, #tpu.memory_space<vmem>> -> memref<1x8x125xf32, #tpu.memory_space<vmem>>
    %dma_start3A_889 = tpu.memref_squeeze %dma_start3A_888 : memref<1x8x125xf32, #tpu.memory_space<vmem>> -> memref<8x125xf32, #tpu.memory_space<vmem>>
    %dma_start3A_890 = arith.constant 0 : i32
    %dma_start3A_891 = tpu.memref_slice %arg2[%multiple_of3A_884, %dma_start3A_890] : memref<32768x125xf32, #tpu.memory_space<hbm>> -> memref<8x125xf32, #tpu.memory_space<hbm>>
    %dma_start3A_892 = arith.constant 0 : i32
    %dma_start3A_893 = arith.constant 0 : i32
    %dma_start3A_894 = tpu.memref_slice %arg7[%dma_start3A_885, %dma_start3A_892, %dma_start3A_893] : memref<24x8x125xf32, #tpu.memory_space<vmem>> -> memref<1x8x125xf32, #tpu.memory_space<vmem>>
    %dma_start3A_895 = tpu.memref_squeeze %dma_start3A_894 : memref<1x8x125xf32, #tpu.memory_space<vmem>> -> memref<8x125xf32, #tpu.memory_space<vmem>>
    %dma_start3A_896 = arith.constant 0 : i32
    %dma_start3A_897 = tpu.memref_slice %arg2[%multiple_of3A_884, %dma_start3A_896] : memref<32768x125xf32, #tpu.memory_space<hbm>> -> memref<8x125xf32, #tpu.memory_space<hbm>>
    tpu.enqueue_dma source(%dma_start3A_897 : memref<8x125xf32, #tpu.memory_space<hbm>>) target(%dma_start3A_895 : memref<8x125xf32, #tpu.memory_space<vmem>>) target_semaphore(%arg9 : memref<!tpu.dma_semaphore, #tpu.memory_space<semaphore_mem>>)
    %slice3A_898 = vector.extract_strided_slice %add3A_814 {offsets = [4], sizes = [1], strides = [1]} : vector<16xi32> to vector<1xi32>
    %squeeze3A_899 = vector.extract %slice3A_898[0] : i32 from vector<1xi32>
    %shift_right_arithmetic3A_900 = arith.constant 3 : i32
    %shift_right_arithmetic3A_901 = arith.shrsi %squeeze3A_899, %shift_right_arithmetic3A_900 : i32
    %shift_left3A_902 = arith.constant 3 : i32
    %shift_left3A_903 = arith.shli %shift_right_arithmetic3A_901, %shift_left3A_902 : i32
    %multiple_of3A_904 = tpu.assume_multiple %shift_left3A_903, 8 : i32
    %dma_start3A_905 = arith.constant 4 : i32
    %dma_start3A_906 = arith.constant 0 : i32
    %dma_start3A_907 = arith.constant 0 : i32
    %dma_start3A_908 = tpu.memref_slice %arg7[%dma_start3A_905, %dma_start3A_906, %dma_start3A_907] : memref<24x8x125xf32, #tpu.memory_space<vmem>> -> memref<1x8x125xf32, #tpu.memory_space<vmem>>
    %dma_start3A_909 = tpu.memref_squeeze %dma_start3A_908 : memref<1x8x125xf32, #tpu.memory_space<vmem>> -> memref<8x125xf32, #tpu.memory_space<vmem>>
    %dma_start3A_910 = arith.constant 0 : i32
    %dma_start3A_911 = tpu.memref_slice %arg2[%multiple_of3A_904, %dma_start3A_910] : memref<32768x125xf32, #tpu.memory_space<hbm>> -> memref<8x125xf32, #tpu.memory_space<hbm>>
    %dma_start3A_912 = arith.constant 0 : i32
    %dma_start3A_913 = arith.constant 0 : i32
    %dma_start3A_914 = tpu.memref_slice %arg7[%dma_start3A_905, %dma_start3A_912, %dma_start3A_913] : memref<24x8x125xf32, #tpu.memory_space<vmem>> -> memref<1x8x125xf32, #tpu.memory_space<vmem>>
    %dma_start3A_915 = tpu.memref_squeeze %dma_start3A_914 : memref<1x8x125xf32, #tpu.memory_space<vmem>> -> memref<8x125xf32, #tpu.memory_space<vmem>>
    %dma_start3A_916 = arith.constant 0 : i32
    %dma_start3A_917 = tpu.memref_slice %arg2[%multiple_of3A_904, %dma_start3A_916] : memref<32768x125xf32, #tpu.memory_space<hbm>> -> memref<8x125xf32, #tpu.memory_space<hbm>>
    tpu.enqueue_dma source(%dma_start3A_917 : memref<8x125xf32, #tpu.memory_space<hbm>>) target(%dma_start3A_915 : memref<8x125xf32, #tpu.memory_space<vmem>>) target_semaphore(%arg9 : memref<!tpu.dma_semaphore, #tpu.memory_space<semaphore_mem>>)
    %slice3A_918 = vector.extract_strided_slice %add3A_814 {offsets = [5], sizes = [1], strides = [1]} : vector<16xi32> to vector<1xi32>
    %squeeze3A_919 = vector.extract %slice3A_918[0] : i32 from vector<1xi32>
    %shift_right_arithmetic3A_920 = arith.constant 3 : i32
    %shift_right_arithmetic3A_921 = arith.shrsi %squeeze3A_919, %shift_right_arithmetic3A_920 : i32
    %shift_left3A_922 = arith.constant 3 : i32
    %shift_left3A_923 = arith.shli %shift_right_arithmetic3A_921, %shift_left3A_922 : i32
    %multiple_of3A_924 = tpu.assume_multiple %shift_left3A_923, 8 : i32
    %dma_start3A_925 = arith.constant 5 : i32
    %dma_start3A_926 = arith.constant 0 : i32
    %dma_start3A_927 = arith.constant 0 : i32
    %dma_start3A_928 = tpu.memref_slice %arg7[%dma_start3A_925, %dma_start3A_926, %dma_start3A_927] : memref<24x8x125xf32, #tpu.memory_space<vmem>> -> memref<1x8x125xf32, #tpu.memory_space<vmem>>
    %dma_start3A_929 = tpu.memref_squeeze %dma_start3A_928 : memref<1x8x125xf32, #tpu.memory_space<vmem>> -> memref<8x125xf32, #tpu.memory_space<vmem>>
    %dma_start3A_930 = arith.constant 0 : i32
    %dma_start3A_931 = tpu.memref_slice %arg2[%multiple_of3A_924, %dma_start3A_930] : memref<32768x125xf32, #tpu.memory_space<hbm>> -> memref<8x125xf32, #tpu.memory_space<hbm>>
    %dma_start3A_932 = arith.constant 0 : i32
    %dma_start3A_933 = arith.constant 0 : i32
    %dma_start3A_934 = tpu.memref_slice %arg7[%dma_start3A_925, %dma_start3A_932, %dma_start3A_933] : memref<24x8x125xf32, #tpu.memory_space<vmem>> -> memref<1x8x125xf32, #tpu.memory_space<vmem>>
    %dma_start3A_935 = tpu.memref_squeeze %dma_start3A_934 : memref<1x8x125xf32, #tpu.memory_space<vmem>> -> memref<8x125xf32, #tpu.memory_space<vmem>>
    %dma_start3A_936 = arith.constant 0 : i32
    %dma_start3A_937 = tpu.memref_slice %arg2[%multiple_of3A_924, %dma_start3A_936] : memref<32768x125xf32, #tpu.memory_space<hbm>> -> memref<8x125xf32, #tpu.memory_space<hbm>>
    tpu.enqueue_dma source(%dma_start3A_937 : memref<8x125xf32, #tpu.memory_space<hbm>>) target(%dma_start3A_935 : memref<8x125xf32, #tpu.memory_space<vmem>>) target_semaphore(%arg9 : memref<!tpu.dma_semaphore, #tpu.memory_space<semaphore_mem>>)
    %slice3A_938 = vector.extract_strided_slice %add3A_814 {offsets = [6], sizes = [1], strides = [1]} : vector<16xi32> to vector<1xi32>
    %squeeze3A_939 = vector.extract %slice3A_938[0] : i32 from vector<1xi32>
    %shift_right_arithmetic3A_940 = arith.constant 3 : i32
    %shift_right_arithmetic3A_941 = arith.shrsi %squeeze3A_939, %shift_right_arithmetic3A_940 : i32
    %shift_left3A_942 = arith.constant 3 : i32
    %shift_left3A_943 = arith.shli %shift_right_arithmetic3A_941, %shift_left3A_942 : i32
    %multiple_of3A_944 = tpu.assume_multiple %shift_left3A_943, 8 : i32
    %dma_start3A_945 = arith.constant 6 : i32
    %dma_start3A_946 = arith.constant 0 : i32
    %dma_start3A_947 = arith.constant 0 : i32
    %dma_start3A_948 = tpu.memref_slice %arg7[%dma_start3A_945, %dma_start3A_946, %dma_start3A_947] : memref<24x8x125xf32, #tpu.memory_space<vmem>> -> memref<1x8x125xf32, #tpu.memory_space<vmem>>
    %dma_start3A_949 = tpu.memref_squeeze %dma_start3A_948 : memref<1x8x125xf32, #tpu.memory_space<vmem>> -> memref<8x125xf32, #tpu.memory_space<vmem>>
    %dma_start3A_950 = arith.constant 0 : i32
    %dma_start3A_951 = tpu.memref_slice %arg2[%multiple_of3A_944, %dma_start3A_950] : memref<32768x125xf32, #tpu.memory_space<hbm>> -> memref<8x125xf32, #tpu.memory_space<hbm>>
    %dma_start3A_952 = arith.constant 0 : i32
    %dma_start3A_953 = arith.constant 0 : i32
    %dma_start3A_954 = tpu.memref_slice %arg7[%dma_start3A_945, %dma_start3A_952, %dma_start3A_953] : memref<24x8x125xf32, #tpu.memory_space<vmem>> -> memref<1x8x125xf32, #tpu.memory_space<vmem>>
    %dma_start3A_955 = tpu.memref_squeeze %dma_start3A_954 : memref<1x8x125xf32, #tpu.memory_space<vmem>> -> memref<8x125xf32, #tpu.memory_space<vmem>>
    %dma_start3A_956 = arith.constant 0 : i32
    %dma_start3A_957 = tpu.memref_slice %arg2[%multiple_of3A_944, %dma_start3A_956] : memref<32768x125xf32, #tpu.memory_space<hbm>> -> memref<8x125xf32, #tpu.memory_space<hbm>>
    tpu.enqueue_dma source(%dma_start3A_957 : memref<8x125xf32, #tpu.memory_space<hbm>>) target(%dma_start3A_955 : memref<8x125xf32, #tpu.memory_space<vmem>>) target_semaphore(%arg9 : memref<!tpu.dma_semaphore, #tpu.memory_space<semaphore_mem>>)
    %slice3A_958 = vector.extract_strided_slice %add3A_814 {offsets = [7], sizes = [1], strides = [1]} : vector<16xi32> to vector<1xi32>
    %squeeze3A_959 = vector.extract %slice3A_958[0] : i32 from vector<1xi32>
    %shift_right_arithmetic3A_960 = arith.constant 3 : i32
    %shift_right_arithmetic3A_961 = arith.shrsi %squeeze3A_959, %shift_right_arithmetic3A_960 : i32
    %shift_left3A_962 = arith.constant 3 : i32
    %shift_left3A_963 = arith.shli %shift_right_arithmetic3A_961, %shift_left3A_962 : i32
    %multiple_of3A_964 = tpu.assume_multiple %shift_left3A_963, 8 : i32
    %dma_start3A_965 = arith.constant 7 : i32
    %dma_start3A_966 = arith.constant 0 : i32
    %dma_start3A_967 = arith.constant 0 : i32
    %dma_start3A_968 = tpu.memref_slice %arg7[%dma_start3A_965, %dma_start3A_966, %dma_start3A_967] : memref<24x8x125xf32, #tpu.memory_space<vmem>> -> memref<1x8x125xf32, #tpu.memory_space<vmem>>
    %dma_start3A_969 = tpu.memref_squeeze %dma_start3A_968 : memref<1x8x125xf32, #tpu.memory_space<vmem>> -> memref<8x125xf32, #tpu.memory_space<vmem>>
    %dma_start3A_970 = arith.constant 0 : i32
    %dma_start3A_971 = tpu.memref_slice %arg2[%multiple_of3A_964, %dma_start3A_970] : memref<32768x125xf32, #tpu.memory_space<hbm>> -> memref<8x125xf32, #tpu.memory_space<hbm>>
    %dma_start3A_972 = arith.constant 0 : i32
    %dma_start3A_973 = arith.constant 0 : i32
    %dma_start3A_974 = tpu.memref_slice %arg7[%dma_start3A_965, %dma_start3A_972, %dma_start3A_973] : memref<24x8x125xf32, #tpu.memory_space<vmem>> -> memref<1x8x125xf32, #tpu.memory_space<vmem>>
    %dma_start3A_975 = tpu.memref_squeeze %dma_start3A_974 : memref<1x8x125xf32, #tpu.memory_space<vmem>> -> memref<8x125xf32, #tpu.memory_space<vmem>>
    %dma_start3A_976 = arith.constant 0 : i32
    %dma_start3A_977 = tpu.memref_slice %arg2[%multiple_of3A_964, %dma_start3A_976] : memref<32768x125xf32, #tpu.memory_space<hbm>> -> memref<8x125xf32, #tpu.memory_space<hbm>>
    tpu.enqueue_dma source(%dma_start3A_977 : memref<8x125xf32, #tpu.memory_space<hbm>>) target(%dma_start3A_975 : memref<8x125xf32, #tpu.memory_space<vmem>>) target_semaphore(%arg9 : memref<!tpu.dma_semaphore, #tpu.memory_space<semaphore_mem>>)
    %slice3A_978 = vector.extract_strided_slice %add3A_814 {offsets = [8], sizes = [1], strides = [1]} : vector<16xi32> to vector<1xi32>
    %squeeze3A_979 = vector.extract %slice3A_978[0] : i32 from vector<1xi32>
    %shift_right_arithmetic3A_980 = arith.constant 3 : i32
    %shift_right_arithmetic3A_981 = arith.shrsi %squeeze3A_979, %shift_right_arithmetic3A_980 : i32
    %shift_left3A_982 = arith.constant 3 : i32
    %shift_left3A_983 = arith.shli %shift_right_arithmetic3A_981, %shift_left3A_982 : i32
    %multiple_of3A_984 = tpu.assume_multiple %shift_left3A_983, 8 : i32
    %dma_start3A_985 = arith.constant 8 : i32
    %dma_start3A_986 = arith.constant 0 : i32
    %dma_start3A_987 = arith.constant 0 : i32
    %dma_start3A_988 = tpu.memref_slice %arg7[%dma_start3A_985, %dma_start3A_986, %dma_start3A_987] : memref<24x8x125xf32, #tpu.memory_space<vmem>> -> memref<1x8x125xf32, #tpu.memory_space<vmem>>
    %dma_start3A_989 = tpu.memref_squeeze %dma_start3A_988 : memref<1x8x125xf32, #tpu.memory_space<vmem>> -> memref<8x125xf32, #tpu.memory_space<vmem>>
    %dma_start3A_990 = arith.constant 0 : i32
    %dma_start3A_991 = tpu.memref_slice %arg2[%multiple_of3A_984, %dma_start3A_990] : memref<32768x125xf32, #tpu.memory_space<hbm>> -> memref<8x125xf32, #tpu.memory_space<hbm>>
    %dma_start3A_992 = arith.constant 0 : i32
    %dma_start3A_993 = arith.constant 0 : i32
    %dma_start3A_994 = tpu.memref_slice %arg7[%dma_start3A_985, %dma_start3A_992, %dma_start3A_993] : memref<24x8x125xf32, #tpu.memory_space<vmem>> -> memref<1x8x125xf32, #tpu.memory_space<vmem>>
    %dma_start3A_995 = tpu.memref_squeeze %dma_start3A_994 : memref<1x8x125xf32, #tpu.memory_space<vmem>> -> memref<8x125xf32, #tpu.memory_space<vmem>>
    %dma_start3A_996 = arith.constant 0 : i32
    %dma_start3A_997 = tpu.memref_slice %arg2[%multiple_of3A_984, %dma_start3A_996] : memref<32768x125xf32, #tpu.memory_space<hbm>> -> memref<8x125xf32, #tpu.memory_space<hbm>>
    tpu.enqueue_dma source(%dma_start3A_997 : memref<8x125xf32, #tpu.memory_space<hbm>>) target(%dma_start3A_995 : memref<8x125xf32, #tpu.memory_space<vmem>>) target_semaphore(%arg9 : memref<!tpu.dma_semaphore, #tpu.memory_space<semaphore_mem>>)
    %slice3A_998 = vector.extract_strided_slice %add3A_814 {offsets = [9], sizes = [1], strides = [1]} : vector<16xi32> to vector<1xi32>
    %squeeze3A_999 = vector.extract %slice3A_998[0] : i32 from vector<1xi32>
    %shift_right_arithmetic3A_1000 = arith.constant 3 : i32
    %shift_right_arithmetic3A_1001 = arith.shrsi %squeeze3A_999, %shift_right_arithmetic3A_1000 : i32
    %shift_left3A_1002 = arith.constant 3 : i32
    %shift_left3A_1003 = arith.shli %shift_right_arithmetic3A_1001, %shift_left3A_1002 : i32
    %multiple_of3A_1004 = tpu.assume_multiple %shift_left3A_1003, 8 : i32
    %dma_start3A_1005 = arith.constant 9 : i32
    %dma_start3A_1006 = arith.constant 0 : i32
    %dma_start3A_1007 = arith.constant 0 : i32
    %dma_start3A_1008 = tpu.memref_slice %arg7[%dma_start3A_1005, %dma_start3A_1006, %dma_start3A_1007] : memref<24x8x125xf32, #tpu.memory_space<vmem>> -> memref<1x8x125xf32, #tpu.memory_space<vmem>>
    %dma_start3A_1009 = tpu.memref_squeeze %dma_start3A_1008 : memref<1x8x125xf32, #tpu.memory_space<vmem>> -> memref<8x125xf32, #tpu.memory_space<vmem>>
    %dma_start3A_1010 = arith.constant 0 : i32
    %dma_start3A_1011 = tpu.memref_slice %arg2[%multiple_of3A_1004, %dma_start3A_1010] : memref<32768x125xf32, #tpu.memory_space<hbm>> -> memref<8x125xf32, #tpu.memory_space<hbm>>
    %dma_start3A_1012 = arith.constant 0 : i32
    %dma_start3A_1013 = arith.constant 0 : i32
    %dma_start3A_1014 = tpu.memref_slice %arg7[%dma_start3A_1005, %dma_start3A_1012, %dma_start3A_1013] : memref<24x8x125xf32, #tpu.memory_space<vmem>> -> memref<1x8x125xf32, #tpu.memory_space<vmem>>
    %dma_start3A_1015 = tpu.memref_squeeze %dma_start3A_1014 : memref<1x8x125xf32, #tpu.memory_space<vmem>> -> memref<8x125xf32, #tpu.memory_space<vmem>>
    %dma_start3A_1016 = arith.constant 0 : i32
    %dma_start3A_1017 = tpu.memref_slice %arg2[%multiple_of3A_1004, %dma_start3A_1016] : memref<32768x125xf32, #tpu.memory_space<hbm>> -> memref<8x125xf32, #tpu.memory_space<hbm>>
    tpu.enqueue_dma source(%dma_start3A_1017 : memref<8x125xf32, #tpu.memory_space<hbm>>) target(%dma_start3A_1015 : memref<8x125xf32, #tpu.memory_space<vmem>>) target_semaphore(%arg9 : memref<!tpu.dma_semaphore, #tpu.memory_space<semaphore_mem>>)
    %slice3A_1018 = vector.extract_strided_slice %add3A_814 {offsets = [10], sizes = [1], strides = [1]} : vector<16xi32> to vector<1xi32>
    %squeeze3A_1019 = vector.extract %slice3A_1018[0] : i32 from vector<1xi32>
    %shift_right_arithmetic3A_1020 = arith.constant 3 : i32
    %shift_right_arithmetic3A_1021 = arith.shrsi %squeeze3A_1019, %shift_right_arithmetic3A_1020 : i32
    %shift_left3A_1022 = arith.constant 3 : i32
    %shift_left3A_1023 = arith.shli %shift_right_arithmetic3A_1021, %shift_left3A_1022 : i32
    %multiple_of3A_1024 = tpu.assume_multiple %shift_left3A_1023, 8 : i32
    %dma_start3A_1025 = arith.constant 10 : i32
    %dma_start3A_1026 = arith.constant 0 : i32
    %dma_start3A_1027 = arith.constant 0 : i32
    %dma_start3A_1028 = tpu.memref_slice %arg7[%dma_start3A_1025, %dma_start3A_1026, %dma_start3A_1027] : memref<24x8x125xf32, #tpu.memory_space<vmem>> -> memref<1x8x125xf32, #tpu.memory_space<vmem>>
    %dma_start3A_1029 = tpu.memref_squeeze %dma_start3A_1028 : memref<1x8x125xf32, #tpu.memory_space<vmem>> -> memref<8x125xf32, #tpu.memory_space<vmem>>
    %dma_start3A_1030 = arith.constant 0 : i32
    %dma_start3A_1031 = tpu.memref_slice %arg2[%multiple_of3A_1024, %dma_start3A_1030] : memref<32768x125xf32, #tpu.memory_space<hbm>> -> memref<8x125xf32, #tpu.memory_space<hbm>>
    %dma_start3A_1032 = arith.constant 0 : i32
    %dma_start3A_1033 = arith.constant 0 : i32
    %dma_start3A_1034 = tpu.memref_slice %arg7[%dma_start3A_1025, %dma_start3A_1032, %dma_start3A_1033] : memref<24x8x125xf32, #tpu.memory_space<vmem>> -> memref<1x8x125xf32, #tpu.memory_space<vmem>>
    %dma_start3A_1035 = tpu.memref_squeeze %dma_start3A_1034 : memref<1x8x125xf32, #tpu.memory_space<vmem>> -> memref<8x125xf32, #tpu.memory_space<vmem>>
    %dma_start3A_1036 = arith.constant 0 : i32
    %dma_start3A_1037 = tpu.memref_slice %arg2[%multiple_of3A_1024, %dma_start3A_1036] : memref<32768x125xf32, #tpu.memory_space<hbm>> -> memref<8x125xf32, #tpu.memory_space<hbm>>
    tpu.enqueue_dma source(%dma_start3A_1037 : memref<8x125xf32, #tpu.memory_space<hbm>>) target(%dma_start3A_1035 : memref<8x125xf32, #tpu.memory_space<vmem>>) target_semaphore(%arg9 : memref<!tpu.dma_semaphore, #tpu.memory_space<semaphore_mem>>)
    %slice3A_1038 = vector.extract_strided_slice %add3A_814 {offsets = [11], sizes = [1], strides = [1]} : vector<16xi32> to vector<1xi32>
    %squeeze3A_1039 = vector.extract %slice3A_1038[0] : i32 from vector<1xi32>
    %shift_right_arithmetic3A_1040 = arith.constant 3 : i32
    %shift_right_arithmetic3A_1041 = arith.shrsi %squeeze3A_1039, %shift_right_arithmetic3A_1040 : i32
    %shift_left3A_1042 = arith.constant 3 : i32
    %shift_left3A_1043 = arith.shli %shift_right_arithmetic3A_1041, %shift_left3A_1042 : i32
    %multiple_of3A_1044 = tpu.assume_multiple %shift_left3A_1043, 8 : i32
    %dma_start3A_1045 = arith.constant 11 : i32
    %dma_start3A_1046 = arith.constant 0 : i32
    %dma_start3A_1047 = arith.constant 0 : i32
    %dma_start3A_1048 = tpu.memref_slice %arg7[%dma_start3A_1045, %dma_start3A_1046, %dma_start3A_1047] : memref<24x8x125xf32, #tpu.memory_space<vmem>> -> memref<1x8x125xf32, #tpu.memory_space<vmem>>
    %dma_start3A_1049 = tpu.memref_squeeze %dma_start3A_1048 : memref<1x8x125xf32, #tpu.memory_space<vmem>> -> memref<8x125xf32, #tpu.memory_space<vmem>>
    %dma_start3A_1050 = arith.constant 0 : i32
    %dma_start3A_1051 = tpu.memref_slice %arg2[%multiple_of3A_1044, %dma_start3A_1050] : memref<32768x125xf32, #tpu.memory_space<hbm>> -> memref<8x125xf32, #tpu.memory_space<hbm>>
    %dma_start3A_1052 = arith.constant 0 : i32
    %dma_start3A_1053 = arith.constant 0 : i32
    %dma_start3A_1054 = tpu.memref_slice %arg7[%dma_start3A_1045, %dma_start3A_1052, %dma_start3A_1053] : memref<24x8x125xf32, #tpu.memory_space<vmem>> -> memref<1x8x125xf32, #tpu.memory_space<vmem>>
    %dma_start3A_1055 = tpu.memref_squeeze %dma_start3A_1054 : memref<1x8x125xf32, #tpu.memory_space<vmem>> -> memref<8x125xf32, #tpu.memory_space<vmem>>
    %dma_start3A_1056 = arith.constant 0 : i32
    %dma_start3A_1057 = tpu.memref_slice %arg2[%multiple_of3A_1044, %dma_start3A_1056] : memref<32768x125xf32, #tpu.memory_space<hbm>> -> memref<8x125xf32, #tpu.memory_space<hbm>>
    tpu.enqueue_dma source(%dma_start3A_1057 : memref<8x125xf32, #tpu.memory_space<hbm>>) target(%dma_start3A_1055 : memref<8x125xf32, #tpu.memory_space<vmem>>) target_semaphore(%arg9 : memref<!tpu.dma_semaphore, #tpu.memory_space<semaphore_mem>>)
    %slice3A_1058 = vector.extract_strided_slice %add3A_814 {offsets = [12], sizes = [1], strides = [1]} : vector<16xi32> to vector<1xi32>
    %squeeze3A_1059 = vector.extract %slice3A_1058[0] : i32 from vector<1xi32>
    %shift_right_arithmetic3A_1060 = arith.constant 3 : i32
    %shift_right_arithmetic3A_1061 = arith.shrsi %squeeze3A_1059, %shift_right_arithmetic3A_1060 : i32
    %shift_left3A_1062 = arith.constant 3 : i32
    %shift_left3A_1063 = arith.shli %shift_right_arithmetic3A_1061, %shift_left3A_1062 : i32
    %multiple_of3A_1064 = tpu.assume_multiple %shift_left3A_1063, 8 : i32
    %dma_start3A_1065 = arith.constant 12 : i32
    %dma_start3A_1066 = arith.constant 0 : i32
    %dma_start3A_1067 = arith.constant 0 : i32
    %dma_start3A_1068 = tpu.memref_slice %arg7[%dma_start3A_1065, %dma_start3A_1066, %dma_start3A_1067] : memref<24x8x125xf32, #tpu.memory_space<vmem>> -> memref<1x8x125xf32, #tpu.memory_space<vmem>>
    %dma_start3A_1069 = tpu.memref_squeeze %dma_start3A_1068 : memref<1x8x125xf32, #tpu.memory_space<vmem>> -> memref<8x125xf32, #tpu.memory_space<vmem>>
    %dma_start3A_1070 = arith.constant 0 : i32
    %dma_start3A_1071 = tpu.memref_slice %arg2[%multiple_of3A_1064, %dma_start3A_1070] : memref<32768x125xf32, #tpu.memory_space<hbm>> -> memref<8x125xf32, #tpu.memory_space<hbm>>
    %dma_start3A_1072 = arith.constant 0 : i32
    %dma_start3A_1073 = arith.constant 0 : i32
    %dma_start3A_1074 = tpu.memref_slice %arg7[%dma_start3A_1065, %dma_start3A_1072, %dma_start3A_1073] : memref<24x8x125xf32, #tpu.memory_space<vmem>> -> memref<1x8x125xf32, #tpu.memory_space<vmem>>
    %dma_start3A_1075 = tpu.memref_squeeze %dma_start3A_1074 : memref<1x8x125xf32, #tpu.memory_space<vmem>> -> memref<8x125xf32, #tpu.memory_space<vmem>>
    %dma_start3A_1076 = arith.constant 0 : i32
    %dma_start3A_1077 = tpu.memref_slice %arg2[%multiple_of3A_1064, %dma_start3A_1076] : memref<32768x125xf32, #tpu.memory_space<hbm>> -> memref<8x125xf32, #tpu.memory_space<hbm>>
    tpu.enqueue_dma source(%dma_start3A_1077 : memref<8x125xf32, #tpu.memory_space<hbm>>) target(%dma_start3A_1075 : memref<8x125xf32, #tpu.memory_space<vmem>>) target_semaphore(%arg9 : memref<!tpu.dma_semaphore, #tpu.memory_space<semaphore_mem>>)
    %slice3A_1078 = vector.extract_strided_slice %add3A_814 {offsets = [13], sizes = [1], strides = [1]} : vector<16xi32> to vector<1xi32>
    %squeeze3A_1079 = vector.extract %slice3A_1078[0] : i32 from vector<1xi32>
    %shift_right_arithmetic3A_1080 = arith.constant 3 : i32
    %shift_right_arithmetic3A_1081 = arith.shrsi %squeeze3A_1079, %shift_right_arithmetic3A_1080 : i32
    %shift_left3A_1082 = arith.constant 3 : i32
    %shift_left3A_1083 = arith.shli %shift_right_arithmetic3A_1081, %shift_left3A_1082 : i32
    %multiple_of3A_1084 = tpu.assume_multiple %shift_left3A_1083, 8 : i32
    %dma_start3A_1085 = arith.constant 13 : i32
    %dma_start3A_1086 = arith.constant 0 : i32
    %dma_start3A_1087 = arith.constant 0 : i32
    %dma_start3A_1088 = tpu.memref_slice %arg7[%dma_start3A_1085, %dma_start3A_1086, %dma_start3A_1087] : memref<24x8x125xf32, #tpu.memory_space<vmem>> -> memref<1x8x125xf32, #tpu.memory_space<vmem>>
    %dma_start3A_1089 = tpu.memref_squeeze %dma_start3A_1088 : memref<1x8x125xf32, #tpu.memory_space<vmem>> -> memref<8x125xf32, #tpu.memory_space<vmem>>
    %dma_start3A_1090 = arith.constant 0 : i32
    %dma_start3A_1091 = tpu.memref_slice %arg2[%multiple_of3A_1084, %dma_start3A_1090] : memref<32768x125xf32, #tpu.memory_space<hbm>> -> memref<8x125xf32, #tpu.memory_space<hbm>>
    %dma_start3A_1092 = arith.constant 0 : i32
    %dma_start3A_1093 = arith.constant 0 : i32
    %dma_start3A_1094 = tpu.memref_slice %arg7[%dma_start3A_1085, %dma_start3A_1092, %dma_start3A_1093] : memref<24x8x125xf32, #tpu.memory_space<vmem>> -> memref<1x8x125xf32, #tpu.memory_space<vmem>>
    %dma_start3A_1095 = tpu.memref_squeeze %dma_start3A_1094 : memref<1x8x125xf32, #tpu.memory_space<vmem>> -> memref<8x125xf32, #tpu.memory_space<vmem>>
    %dma_start3A_1096 = arith.constant 0 : i32
    %dma_start3A_1097 = tpu.memref_slice %arg2[%multiple_of3A_1084, %dma_start3A_1096] : memref<32768x125xf32, #tpu.memory_space<hbm>> -> memref<8x125xf32, #tpu.memory_space<hbm>>
    tpu.enqueue_dma source(%dma_start3A_1097 : memref<8x125xf32, #tpu.memory_space<hbm>>) target(%dma_start3A_1095 : memref<8x125xf32, #tpu.memory_space<vmem>>) target_semaphore(%arg9 : memref<!tpu.dma_semaphore, #tpu.memory_space<semaphore_mem>>)
    %slice3A_1098 = vector.extract_strided_slice %add3A_814 {offsets = [14], sizes = [1], strides = [1]} : vector<16xi32> to vector<1xi32>
    %squeeze3A_1099 = vector.extract %slice3A_1098[0] : i32 from vector<1xi32>
    %shift_right_arithmetic3A_1100 = arith.constant 3 : i32
    %shift_right_arithmetic3A_1101 = arith.shrsi %squeeze3A_1099, %shift_right_arithmetic3A_1100 : i32
    %shift_left3A_1102 = arith.constant 3 : i32
    %shift_left3A_1103 = arith.shli %shift_right_arithmetic3A_1101, %shift_left3A_1102 : i32
    %multiple_of3A_1104 = tpu.assume_multiple %shift_left3A_1103, 8 : i32
    %dma_start3A_1105 = arith.constant 14 : i32
    %dma_start3A_1106 = arith.constant 0 : i32
    %dma_start3A_1107 = arith.constant 0 : i32
    %dma_start3A_1108 = tpu.memref_slice %arg7[%dma_start3A_1105, %dma_start3A_1106, %dma_start3A_1107] : memref<24x8x125xf32, #tpu.memory_space<vmem>> -> memref<1x8x125xf32, #tpu.memory_space<vmem>>
    %dma_start3A_1109 = tpu.memref_squeeze %dma_start3A_1108 : memref<1x8x125xf32, #tpu.memory_space<vmem>> -> memref<8x125xf32, #tpu.memory_space<vmem>>
    %dma_start3A_1110 = arith.constant 0 : i32
    %dma_start3A_1111 = tpu.memref_slice %arg2[%multiple_of3A_1104, %dma_start3A_1110] : memref<32768x125xf32, #tpu.memory_space<hbm>> -> memref<8x125xf32, #tpu.memory_space<hbm>>
    %dma_start3A_1112 = arith.constant 0 : i32
    %dma_start3A_1113 = arith.constant 0 : i32
    %dma_start3A_1114 = tpu.memref_slice %arg7[%dma_start3A_1105, %dma_start3A_1112, %dma_start3A_1113] : memref<24x8x125xf32, #tpu.memory_space<vmem>> -> memref<1x8x125xf32, #tpu.memory_space<vmem>>
    %dma_start3A_1115 = tpu.memref_squeeze %dma_start3A_1114 : memref<1x8x125xf32, #tpu.memory_space<vmem>> -> memref<8x125xf32, #tpu.memory_space<vmem>>
    %dma_start3A_1116 = arith.constant 0 : i32
    %dma_start3A_1117 = tpu.memref_slice %arg2[%multiple_of3A_1104, %dma_start3A_1116] : memref<32768x125xf32, #tpu.memory_space<hbm>> -> memref<8x125xf32, #tpu.memory_space<hbm>>
    tpu.enqueue_dma source(%dma_start3A_1117 : memref<8x125xf32, #tpu.memory_space<hbm>>) target(%dma_start3A_1115 : memref<8x125xf32, #tpu.memory_space<vmem>>) target_semaphore(%arg9 : memref<!tpu.dma_semaphore, #tpu.memory_space<semaphore_mem>>)
    %slice3A_1118 = vector.extract_strided_slice %add3A_814 {offsets = [15], sizes = [1], strides = [1]} : vector<16xi32> to vector<1xi32>
    %squeeze3A_1119 = vector.extract %slice3A_1118[0] : i32 from vector<1xi32>
    %shift_right_arithmetic3A_1120 = arith.constant 3 : i32
    %shift_right_arithmetic3A_1121 = arith.shrsi %squeeze3A_1119, %shift_right_arithmetic3A_1120 : i32
    %shift_left3A_1122 = arith.constant 3 : i32
    %shift_left3A_1123 = arith.shli %shift_right_arithmetic3A_1121, %shift_left3A_1122 : i32
    %multiple_of3A_1124 = tpu.assume_multiple %shift_left3A_1123, 8 : i32
    %dma_start3A_1125 = arith.constant 15 : i32
    %dma_start3A_1126 = arith.constant 0 : i32
    %dma_start3A_1127 = arith.constant 0 : i32
    %dma_start3A_1128 = tpu.memref_slice %arg7[%dma_start3A_1125, %dma_start3A_1126, %dma_start3A_1127] : memref<24x8x125xf32, #tpu.memory_space<vmem>> -> memref<1x8x125xf32, #tpu.memory_space<vmem>>
    %dma_start3A_1129 = tpu.memref_squeeze %dma_start3A_1128 : memref<1x8x125xf32, #tpu.memory_space<vmem>> -> memref<8x125xf32, #tpu.memory_space<vmem>>
    %dma_start3A_1130 = arith.constant 0 : i32
    %dma_start3A_1131 = tpu.memref_slice %arg2[%multiple_of3A_1124, %dma_start3A_1130] : memref<32768x125xf32, #tpu.memory_space<hbm>> -> memref<8x125xf32, #tpu.memory_space<hbm>>
    %dma_start3A_1132 = arith.constant 0 : i32
    %dma_start3A_1133 = arith.constant 0 : i32
    %dma_start3A_1134 = tpu.memref_slice %arg7[%dma_start3A_1125, %dma_start3A_1132, %dma_start3A_1133] : memref<24x8x125xf32, #tpu.memory_space<vmem>> -> memref<1x8x125xf32, #tpu.memory_space<vmem>>
    %dma_start3A_1135 = tpu.memref_squeeze %dma_start3A_1134 : memref<1x8x125xf32, #tpu.memory_space<vmem>> -> memref<8x125xf32, #tpu.memory_space<vmem>>
    %dma_start3A_1136 = arith.constant 0 : i32
    %dma_start3A_1137 = tpu.memref_slice %arg2[%multiple_of3A_1124, %dma_start3A_1136] : memref<32768x125xf32, #tpu.memory_space<hbm>> -> memref<8x125xf32, #tpu.memory_space<hbm>>
    tpu.enqueue_dma source(%dma_start3A_1137 : memref<8x125xf32, #tpu.memory_space<hbm>>) target(%dma_start3A_1135 : memref<8x125xf32, #tpu.memory_space<vmem>>) target_semaphore(%arg9 : memref<!tpu.dma_semaphore, #tpu.memory_space<semaphore_mem>>)
    %slice3A_1138 = vector.extract_strided_slice %add3A_822 {offsets = [0], sizes = [1], strides = [1]} : vector<16xi32> to vector<1xi32>
    %squeeze3A_1139 = vector.extract %slice3A_1138[0] : i32 from vector<1xi32>
    %shift_right_arithmetic3A_1140 = arith.constant 3 : i32
    %shift_right_arithmetic3A_1141 = arith.shrsi %squeeze3A_1139, %shift_right_arithmetic3A_1140 : i32
    %shift_left3A_1142 = arith.constant 3 : i32
    %shift_left3A_1143 = arith.shli %shift_right_arithmetic3A_1141, %shift_left3A_1142 : i32
    %multiple_of3A_1144 = tpu.assume_multiple %shift_left3A_1143, 8 : i32
    %dma_start3A_1145 = arith.constant 16 : i32
    %dma_start3A_1146 = arith.constant 0 : i32
    %dma_start3A_1147 = arith.constant 0 : i32
    %dma_start3A_1148 = tpu.memref_slice %arg7[%dma_start3A_1145, %dma_start3A_1146, %dma_start3A_1147] : memref<24x8x125xf32, #tpu.memory_space<vmem>> -> memref<1x8x125xf32, #tpu.memory_space<vmem>>
    %dma_start3A_1149 = tpu.memref_squeeze %dma_start3A_1148 : memref<1x8x125xf32, #tpu.memory_space<vmem>> -> memref<8x125xf32, #tpu.memory_space<vmem>>
    %dma_start3A_1150 = arith.constant 0 : i32
    %dma_start3A_1151 = tpu.memref_slice %arg2[%multiple_of3A_1144, %dma_start3A_1150] : memref<32768x125xf32, #tpu.memory_space<hbm>> -> memref<8x125xf32, #tpu.memory_space<hbm>>
    %dma_start3A_1152 = arith.constant 0 : i32
    %dma_start3A_1153 = arith.constant 0 : i32
    %dma_start3A_1154 = tpu.memref_slice %arg7[%dma_start3A_1145, %dma_start3A_1152, %dma_start3A_1153] : memref<24x8x125xf32, #tpu.memory_space<vmem>> -> memref<1x8x125xf32, #tpu.memory_space<vmem>>
    %dma_start3A_1155 = tpu.memref_squeeze %dma_start3A_1154 : memref<1x8x125xf32, #tpu.memory_space<vmem>> -> memref<8x125xf32, #tpu.memory_space<vmem>>
    %dma_start3A_1156 = arith.constant 0 : i32
    %dma_start3A_1157 = tpu.memref_slice %arg2[%multiple_of3A_1144, %dma_start3A_1156] : memref<32768x125xf32, #tpu.memory_space<hbm>> -> memref<8x125xf32, #tpu.memory_space<hbm>>
    tpu.enqueue_dma source(%dma_start3A_1157 : memref<8x125xf32, #tpu.memory_space<hbm>>) target(%dma_start3A_1155 : memref<8x125xf32, #tpu.memory_space<vmem>>) target_semaphore(%arg9 : memref<!tpu.dma_semaphore, #tpu.memory_space<semaphore_mem>>)
    %slice3A_1158 = vector.extract_strided_slice %add3A_822 {offsets = [1], sizes = [1], strides = [1]} : vector<16xi32> to vector<1xi32>
    %squeeze3A_1159 = vector.extract %slice3A_1158[0] : i32 from vector<1xi32>
    %shift_right_arithmetic3A_1160 = arith.constant 3 : i32
    %shift_right_arithmetic3A_1161 = arith.shrsi %squeeze3A_1159, %shift_right_arithmetic3A_1160 : i32
    %shift_left3A_1162 = arith.constant 3 : i32
    %shift_left3A_1163 = arith.shli %shift_right_arithmetic3A_1161, %shift_left3A_1162 : i32
    %multiple_of3A_1164 = tpu.assume_multiple %shift_left3A_1163, 8 : i32
    %dma_start3A_1165 = arith.constant 17 : i32
    %dma_start3A_1166 = arith.constant 0 : i32
    %dma_start3A_1167 = arith.constant 0 : i32
    %dma_start3A_1168 = tpu.memref_slice %arg7[%dma_start3A_1165, %dma_start3A_1166, %dma_start3A_1167] : memref<24x8x125xf32, #tpu.memory_space<vmem>> -> memref<1x8x125xf32, #tpu.memory_space<vmem>>
    %dma_start3A_1169 = tpu.memref_squeeze %dma_start3A_1168 : memref<1x8x125xf32, #tpu.memory_space<vmem>> -> memref<8x125xf32, #tpu.memory_space<vmem>>
    %dma_start3A_1170 = arith.constant 0 : i32
    %dma_start3A_1171 = tpu.memref_slice %arg2[%multiple_of3A_1164, %dma_start3A_1170] : memref<32768x125xf32, #tpu.memory_space<hbm>> -> memref<8x125xf32, #tpu.memory_space<hbm>>
    %dma_start3A_1172 = arith.constant 0 : i32
    %dma_start3A_1173 = arith.constant 0 : i32
    %dma_start3A_1174 = tpu.memref_slice %arg7[%dma_start3A_1165, %dma_start3A_1172, %dma_start3A_1173] : memref<24x8x125xf32, #tpu.memory_space<vmem>> -> memref<1x8x125xf32, #tpu.memory_space<vmem>>
    %dma_start3A_1175 = tpu.memref_squeeze %dma_start3A_1174 : memref<1x8x125xf32, #tpu.memory_space<vmem>> -> memref<8x125xf32, #tpu.memory_space<vmem>>
    %dma_start3A_1176 = arith.constant 0 : i32
    %dma_start3A_1177 = tpu.memref_slice %arg2[%multiple_of3A_1164, %dma_start3A_1176] : memref<32768x125xf32, #tpu.memory_space<hbm>> -> memref<8x125xf32, #tpu.memory_space<hbm>>
    tpu.enqueue_dma source(%dma_start3A_1177 : memref<8x125xf32, #tpu.memory_space<hbm>>) target(%dma_start3A_1175 : memref<8x125xf32, #tpu.memory_space<vmem>>) target_semaphore(%arg9 : memref<!tpu.dma_semaphore, #tpu.memory_space<semaphore_mem>>)
    %slice3A_1178 = vector.extract_strided_slice %add3A_822 {offsets = [2], sizes = [1], strides = [1]} : vector<16xi32> to vector<1xi32>
    %squeeze3A_1179 = vector.extract %slice3A_1178[0] : i32 from vector<1xi32>
    %shift_right_arithmetic3A_1180 = arith.constant 3 : i32
    %shift_right_arithmetic3A_1181 = arith.shrsi %squeeze3A_1179, %shift_right_arithmetic3A_1180 : i32
    %shift_left3A_1182 = arith.constant 3 : i32
    %shift_left3A_1183 = arith.shli %shift_right_arithmetic3A_1181, %shift_left3A_1182 : i32
    %multiple_of3A_1184 = tpu.assume_multiple %shift_left3A_1183, 8 : i32
    %dma_start3A_1185 = arith.constant 18 : i32
    %dma_start3A_1186 = arith.constant 0 : i32
    %dma_start3A_1187 = arith.constant 0 : i32
    %dma_start3A_1188 = tpu.memref_slice %arg7[%dma_start3A_1185, %dma_start3A_1186, %dma_start3A_1187] : memref<24x8x125xf32, #tpu.memory_space<vmem>> -> memref<1x8x125xf32, #tpu.memory_space<vmem>>
    %dma_start3A_1189 = tpu.memref_squeeze %dma_start3A_1188 : memref<1x8x125xf32, #tpu.memory_space<vmem>> -> memref<8x125xf32, #tpu.memory_space<vmem>>
    %dma_start3A_1190 = arith.constant 0 : i32
    %dma_start3A_1191 = tpu.memref_slice %arg2[%multiple_of3A_1184, %dma_start3A_1190] : memref<32768x125xf32, #tpu.memory_space<hbm>> -> memref<8x125xf32, #tpu.memory_space<hbm>>
    %dma_start3A_1192 = arith.constant 0 : i32
    %dma_start3A_1193 = arith.constant 0 : i32
    %dma_start3A_1194 = tpu.memref_slice %arg7[%dma_start3A_1185, %dma_start3A_1192, %dma_start3A_1193] : memref<24x8x125xf32, #tpu.memory_space<vmem>> -> memref<1x8x125xf32, #tpu.memory_space<vmem>>
    %dma_start3A_1195 = tpu.memref_squeeze %dma_start3A_1194 : memref<1x8x125xf32, #tpu.memory_space<vmem>> -> memref<8x125xf32, #tpu.memory_space<vmem>>
    %dma_start3A_1196 = arith.constant 0 : i32
    %dma_start3A_1197 = tpu.memref_slice %arg2[%multiple_of3A_1184, %dma_start3A_1196] : memref<32768x125xf32, #tpu.memory_space<hbm>> -> memref<8x125xf32, #tpu.memory_space<hbm>>
    tpu.enqueue_dma source(%dma_start3A_1197 : memref<8x125xf32, #tpu.memory_space<hbm>>) target(%dma_start3A_1195 : memref<8x125xf32, #tpu.memory_space<vmem>>) target_semaphore(%arg9 : memref<!tpu.dma_semaphore, #tpu.memory_space<semaphore_mem>>)
    %slice3A_1198 = vector.extract_strided_slice %add3A_822 {offsets = [3], sizes = [1], strides = [1]} : vector<16xi32> to vector<1xi32>
    %squeeze3A_1199 = vector.extract %slice3A_1198[0] : i32 from vector<1xi32>
    %shift_right_arithmetic3A_1200 = arith.constant 3 : i32
    %shift_right_arithmetic3A_1201 = arith.shrsi %squeeze3A_1199, %shift_right_arithmetic3A_1200 : i32
    %shift_left3A_1202 = arith.constant 3 : i32
    %shift_left3A_1203 = arith.shli %shift_right_arithmetic3A_1201, %shift_left3A_1202 : i32
    %multiple_of3A_1204 = tpu.assume_multiple %shift_left3A_1203, 8 : i32
    %dma_start3A_1205 = arith.constant 19 : i32
    %dma_start3A_1206 = arith.constant 0 : i32
    %dma_start3A_1207 = arith.constant 0 : i32
    %dma_start3A_1208 = tpu.memref_slice %arg7[%dma_start3A_1205, %dma_start3A_1206, %dma_start3A_1207] : memref<24x8x125xf32, #tpu.memory_space<vmem>> -> memref<1x8x125xf32, #tpu.memory_space<vmem>>
    %dma_start3A_1209 = tpu.memref_squeeze %dma_start3A_1208 : memref<1x8x125xf32, #tpu.memory_space<vmem>> -> memref<8x125xf32, #tpu.memory_space<vmem>>
    %dma_start3A_1210 = arith.constant 0 : i32
    %dma_start3A_1211 = tpu.memref_slice %arg2[%multiple_of3A_1204, %dma_start3A_1210] : memref<32768x125xf32, #tpu.memory_space<hbm>> -> memref<8x125xf32, #tpu.memory_space<hbm>>
    %dma_start3A_1212 = arith.constant 0 : i32
    %dma_start3A_1213 = arith.constant 0 : i32
    %dma_start3A_1214 = tpu.memref_slice %arg7[%dma_start3A_1205, %dma_start3A_1212, %dma_start3A_1213] : memref<24x8x125xf32, #tpu.memory_space<vmem>> -> memref<1x8x125xf32, #tpu.memory_space<vmem>>
    %dma_start3A_1215 = tpu.memref_squeeze %dma_start3A_1214 : memref<1x8x125xf32, #tpu.memory_space<vmem>> -> memref<8x125xf32, #tpu.memory_space<vmem>>
    %dma_start3A_1216 = arith.constant 0 : i32
    %dma_start3A_1217 = tpu.memref_slice %arg2[%multiple_of3A_1204, %dma_start3A_1216] : memref<32768x125xf32, #tpu.memory_space<hbm>> -> memref<8x125xf32, #tpu.memory_space<hbm>>
    tpu.enqueue_dma source(%dma_start3A_1217 : memref<8x125xf32, #tpu.memory_space<hbm>>) target(%dma_start3A_1215 : memref<8x125xf32, #tpu.memory_space<vmem>>) target_semaphore(%arg9 : memref<!tpu.dma_semaphore, #tpu.memory_space<semaphore_mem>>)
    %slice3A_1218 = vector.extract_strided_slice %add3A_822 {offsets = [4], sizes = [1], strides = [1]} : vector<16xi32> to vector<1xi32>
    %squeeze3A_1219 = vector.extract %slice3A_1218[0] : i32 from vector<1xi32>
    %shift_right_arithmetic3A_1220 = arith.constant 3 : i32
    %shift_right_arithmetic3A_1221 = arith.shrsi %squeeze3A_1219, %shift_right_arithmetic3A_1220 : i32
    %shift_left3A_1222 = arith.constant 3 : i32
    %shift_left3A_1223 = arith.shli %shift_right_arithmetic3A_1221, %shift_left3A_1222 : i32
    %multiple_of3A_1224 = tpu.assume_multiple %shift_left3A_1223, 8 : i32
    %dma_start3A_1225 = arith.constant 20 : i32
    %dma_start3A_1226 = arith.constant 0 : i32
    %dma_start3A_1227 = arith.constant 0 : i32
    %dma_start3A_1228 = tpu.memref_slice %arg7[%dma_start3A_1225, %dma_start3A_1226, %dma_start3A_1227] : memref<24x8x125xf32, #tpu.memory_space<vmem>> -> memref<1x8x125xf32, #tpu.memory_space<vmem>>
    %dma_start3A_1229 = tpu.memref_squeeze %dma_start3A_1228 : memref<1x8x125xf32, #tpu.memory_space<vmem>> -> memref<8x125xf32, #tpu.memory_space<vmem>>
    %dma_start3A_1230 = arith.constant 0 : i32
    %dma_start3A_1231 = tpu.memref_slice %arg2[%multiple_of3A_1224, %dma_start3A_1230] : memref<32768x125xf32, #tpu.memory_space<hbm>> -> memref<8x125xf32, #tpu.memory_space<hbm>>
    %dma_start3A_1232 = arith.constant 0 : i32
    %dma_start3A_1233 = arith.constant 0 : i32
    %dma_start3A_1234 = tpu.memref_slice %arg7[%dma_start3A_1225, %dma_start3A_1232, %dma_start3A_1233] : memref<24x8x125xf32, #tpu.memory_space<vmem>> -> memref<1x8x125xf32, #tpu.memory_space<vmem>>
    %dma_start3A_1235 = tpu.memref_squeeze %dma_start3A_1234 : memref<1x8x125xf32, #tpu.memory_space<vmem>> -> memref<8x125xf32, #tpu.memory_space<vmem>>
    %dma_start3A_1236 = arith.constant 0 : i32
    %dma_start3A_1237 = tpu.memref_slice %arg2[%multiple_of3A_1224, %dma_start3A_1236] : memref<32768x125xf32, #tpu.memory_space<hbm>> -> memref<8x125xf32, #tpu.memory_space<hbm>>
    tpu.enqueue_dma source(%dma_start3A_1237 : memref<8x125xf32, #tpu.memory_space<hbm>>) target(%dma_start3A_1235 : memref<8x125xf32, #tpu.memory_space<vmem>>) target_semaphore(%arg9 : memref<!tpu.dma_semaphore, #tpu.memory_space<semaphore_mem>>)
    %slice3A_1238 = vector.extract_strided_slice %add3A_822 {offsets = [5], sizes = [1], strides = [1]} : vector<16xi32> to vector<1xi32>
    %squeeze3A_1239 = vector.extract %slice3A_1238[0] : i32 from vector<1xi32>
    %shift_right_arithmetic3A_1240 = arith.constant 3 : i32
    %shift_right_arithmetic3A_1241 = arith.shrsi %squeeze3A_1239, %shift_right_arithmetic3A_1240 : i32
    %shift_left3A_1242 = arith.constant 3 : i32
    %shift_left3A_1243 = arith.shli %shift_right_arithmetic3A_1241, %shift_left3A_1242 : i32
    %multiple_of3A_1244 = tpu.assume_multiple %shift_left3A_1243, 8 : i32
    %dma_start3A_1245 = arith.constant 21 : i32
    %dma_start3A_1246 = arith.constant 0 : i32
    %dma_start3A_1247 = arith.constant 0 : i32
    %dma_start3A_1248 = tpu.memref_slice %arg7[%dma_start3A_1245, %dma_start3A_1246, %dma_start3A_1247] : memref<24x8x125xf32, #tpu.memory_space<vmem>> -> memref<1x8x125xf32, #tpu.memory_space<vmem>>
    %dma_start3A_1249 = tpu.memref_squeeze %dma_start3A_1248 : memref<1x8x125xf32, #tpu.memory_space<vmem>> -> memref<8x125xf32, #tpu.memory_space<vmem>>
    %dma_start3A_1250 = arith.constant 0 : i32
    %dma_start3A_1251 = tpu.memref_slice %arg2[%multiple_of3A_1244, %dma_start3A_1250] : memref<32768x125xf32, #tpu.memory_space<hbm>> -> memref<8x125xf32, #tpu.memory_space<hbm>>
    %dma_start3A_1252 = arith.constant 0 : i32
    %dma_start3A_1253 = arith.constant 0 : i32
    %dma_start3A_1254 = tpu.memref_slice %arg7[%dma_start3A_1245, %dma_start3A_1252, %dma_start3A_1253] : memref<24x8x125xf32, #tpu.memory_space<vmem>> -> memref<1x8x125xf32, #tpu.memory_space<vmem>>
    %dma_start3A_1255 = tpu.memref_squeeze %dma_start3A_1254 : memref<1x8x125xf32, #tpu.memory_space<vmem>> -> memref<8x125xf32, #tpu.memory_space<vmem>>
    %dma_start3A_1256 = arith.constant 0 : i32
    %dma_start3A_1257 = tpu.memref_slice %arg2[%multiple_of3A_1244, %dma_start3A_1256] : memref<32768x125xf32, #tpu.memory_space<hbm>> -> memref<8x125xf32, #tpu.memory_space<hbm>>
    tpu.enqueue_dma source(%dma_start3A_1257 : memref<8x125xf32, #tpu.memory_space<hbm>>) target(%dma_start3A_1255 : memref<8x125xf32, #tpu.memory_space<vmem>>) target_semaphore(%arg9 : memref<!tpu.dma_semaphore, #tpu.memory_space<semaphore_mem>>)
    %slice3A_1258 = vector.extract_strided_slice %add3A_822 {offsets = [6], sizes = [1], strides = [1]} : vector<16xi32> to vector<1xi32>
    %squeeze3A_1259 = vector.extract %slice3A_1258[0] : i32 from vector<1xi32>
    %shift_right_arithmetic3A_1260 = arith.constant 3 : i32
    %shift_right_arithmetic3A_1261 = arith.shrsi %squeeze3A_1259, %shift_right_arithmetic3A_1260 : i32
    %shift_left3A_1262 = arith.constant 3 : i32
    %shift_left3A_1263 = arith.shli %shift_right_arithmetic3A_1261, %shift_left3A_1262 : i32
    %multiple_of3A_1264 = tpu.assume_multiple %shift_left3A_1263, 8 : i32
    %dma_start3A_1265 = arith.constant 22 : i32
    %dma_start3A_1266 = arith.constant 0 : i32
    %dma_start3A_1267 = arith.constant 0 : i32
    %dma_start3A_1268 = tpu.memref_slice %arg7[%dma_start3A_1265, %dma_start3A_1266, %dma_start3A_1267] : memref<24x8x125xf32, #tpu.memory_space<vmem>> -> memref<1x8x125xf32, #tpu.memory_space<vmem>>
    %dma_start3A_1269 = tpu.memref_squeeze %dma_start3A_1268 : memref<1x8x125xf32, #tpu.memory_space<vmem>> -> memref<8x125xf32, #tpu.memory_space<vmem>>
    %dma_start3A_1270 = arith.constant 0 : i32
    %dma_start3A_1271 = tpu.memref_slice %arg2[%multiple_of3A_1264, %dma_start3A_1270] : memref<32768x125xf32, #tpu.memory_space<hbm>> -> memref<8x125xf32, #tpu.memory_space<hbm>>
    %dma_start3A_1272 = arith.constant 0 : i32
    %dma_start3A_1273 = arith.constant 0 : i32
    %dma_start3A_1274 = tpu.memref_slice %arg7[%dma_start3A_1265, %dma_start3A_1272, %dma_start3A_1273] : memref<24x8x125xf32, #tpu.memory_space<vmem>> -> memref<1x8x125xf32, #tpu.memory_space<vmem>>
    %dma_start3A_1275 = tpu.memref_squeeze %dma_start3A_1274 : memref<1x8x125xf32, #tpu.memory_space<vmem>> -> memref<8x125xf32, #tpu.memory_space<vmem>>
    %dma_start3A_1276 = arith.constant 0 : i32
    %dma_start3A_1277 = tpu.memref_slice %arg2[%multiple_of3A_1264, %dma_start3A_1276] : memref<32768x125xf32, #tpu.memory_space<hbm>> -> memref<8x125xf32, #tpu.memory_space<hbm>>
    tpu.enqueue_dma source(%dma_start3A_1277 : memref<8x125xf32, #tpu.memory_space<hbm>>) target(%dma_start3A_1275 : memref<8x125xf32, #tpu.memory_space<vmem>>) target_semaphore(%arg9 : memref<!tpu.dma_semaphore, #tpu.memory_space<semaphore_mem>>)
    %slice3A_1278 = vector.extract_strided_slice %add3A_822 {offsets = [7], sizes = [1], strides = [1]} : vector<16xi32> to vector<1xi32>
    %squeeze3A_1279 = vector.extract %slice3A_1278[0] : i32 from vector<1xi32>
    %shift_right_arithmetic3A_1280 = arith.constant 3 : i32
    %shift_right_arithmetic3A_1281 = arith.shrsi %squeeze3A_1279, %shift_right_arithmetic3A_1280 : i32
    %shift_left3A_1282 = arith.constant 3 : i32
    %shift_left3A_1283 = arith.shli %shift_right_arithmetic3A_1281, %shift_left3A_1282 : i32
    %multiple_of3A_1284 = tpu.assume_multiple %shift_left3A_1283, 8 : i32
    %dma_start3A_1285 = arith.constant 23 : i32
    %dma_start3A_1286 = arith.constant 0 : i32
    %dma_start3A_1287 = arith.constant 0 : i32
    %dma_start3A_1288 = tpu.memref_slice %arg7[%dma_start3A_1285, %dma_start3A_1286, %dma_start3A_1287] : memref<24x8x125xf32, #tpu.memory_space<vmem>> -> memref<1x8x125xf32, #tpu.memory_space<vmem>>
    %dma_start3A_1289 = tpu.memref_squeeze %dma_start3A_1288 : memref<1x8x125xf32, #tpu.memory_space<vmem>> -> memref<8x125xf32, #tpu.memory_space<vmem>>
    %dma_start3A_1290 = arith.constant 0 : i32
    %dma_start3A_1291 = tpu.memref_slice %arg2[%multiple_of3A_1284, %dma_start3A_1290] : memref<32768x125xf32, #tpu.memory_space<hbm>> -> memref<8x125xf32, #tpu.memory_space<hbm>>
    %dma_start3A_1292 = arith.constant 0 : i32
    %dma_start3A_1293 = arith.constant 0 : i32
    %dma_start3A_1294 = tpu.memref_slice %arg7[%dma_start3A_1285, %dma_start3A_1292, %dma_start3A_1293] : memref<24x8x125xf32, #tpu.memory_space<vmem>> -> memref<1x8x125xf32, #tpu.memory_space<vmem>>
    %dma_start3A_1295 = tpu.memref_squeeze %dma_start3A_1294 : memref<1x8x125xf32, #tpu.memory_space<vmem>> -> memref<8x125xf32, #tpu.memory_space<vmem>>
    %dma_start3A_1296 = arith.constant 0 : i32
    %dma_start3A_1297 = tpu.memref_slice %arg2[%multiple_of3A_1284, %dma_start3A_1296] : memref<32768x125xf32, #tpu.memory_space<hbm>> -> memref<8x125xf32, #tpu.memory_space<hbm>>
    tpu.enqueue_dma source(%dma_start3A_1297 : memref<8x125xf32, #tpu.memory_space<hbm>>) target(%dma_start3A_1295 : memref<8x125xf32, #tpu.memory_space<vmem>>) target_semaphore(%arg9 : memref<!tpu.dma_semaphore, #tpu.memory_space<semaphore_mem>>)
    %dma_wait3A = arith.constant 0 : i32
    %dma_wait3A_1298 = arith.constant 0 : i32
    %dma_wait3A_1299 = arith.constant 0 : i32
    %dma_wait3A_1300 = tpu.memref_slice %arg7[%dma_wait3A, %dma_wait3A_1298, %dma_wait3A_1299] : memref<24x8x125xf32, #tpu.memory_space<vmem>> -> memref<1x8x125xf32, #tpu.memory_space<vmem>>
    %dma_wait3A_1301 = tpu.memref_squeeze %dma_wait3A_1300 : memref<1x8x125xf32, #tpu.memory_space<vmem>> -> memref<8x125xf32, #tpu.memory_space<vmem>>
    %dma_wait3A_1302 = arith.constant 0 : i32
    %dma_wait3A_1303 = tpu.memref_slice %arg2[%multiple_of3A, %dma_wait3A_1302] : memref<32768x125xf32, #tpu.memory_space<hbm>> -> memref<8x125xf32, #tpu.memory_space<hbm>>
    %dma_wait3A_1304 = arith.constant 0 : i32
    %dma_wait3A_1305 = arith.constant 0 : i32
    %dma_wait3A_1306 = tpu.memref_slice %arg7[%dma_wait3A, %dma_wait3A_1304, %dma_wait3A_1305] : memref<24x8x125xf32, #tpu.memory_space<vmem>> -> memref<1x8x125xf32, #tpu.memory_space<vmem>>
    %dma_wait3A_1307 = tpu.memref_squeeze %dma_wait3A_1306 : memref<1x8x125xf32, #tpu.memory_space<vmem>> -> memref<8x125xf32, #tpu.memory_space<vmem>>
    %dma_wait3A_1308 = arith.constant 0 : i32
    %dma_wait3A_1309 = tpu.memref_slice %arg2[%multiple_of3A, %dma_wait3A_1308] : memref<32768x125xf32, #tpu.memory_space<hbm>> -> memref<8x125xf32, #tpu.memory_space<hbm>>
    tpu.wait_dma2 semaphore(%arg9 : memref<!tpu.dma_semaphore, #tpu.memory_space<semaphore_mem>>) src(%dma_wait3A_1309 : memref<8x125xf32, #tpu.memory_space<hbm>>) dst(%dma_wait3A_1307 : memref<8x125xf32, #tpu.memory_space<vmem>>)
    %dma_wait3A_1310 = arith.constant 1 : i32
    %dma_wait3A_1311 = arith.constant 0 : i32
    %dma_wait3A_1312 = arith.constant 0 : i32
    %dma_wait3A_1313 = tpu.memref_slice %arg7[%dma_wait3A_1310, %dma_wait3A_1311, %dma_wait3A_1312] : memref<24x8x125xf32, #tpu.memory_space<vmem>> -> memref<1x8x125xf32, #tpu.memory_space<vmem>>
    %dma_wait3A_1314 = tpu.memref_squeeze %dma_wait3A_1313 : memref<1x8x125xf32, #tpu.memory_space<vmem>> -> memref<8x125xf32, #tpu.memory_space<vmem>>
    %dma_wait3A_1315 = arith.constant 0 : i32
    %dma_wait3A_1316 = tpu.memref_slice %arg2[%multiple_of3A_844, %dma_wait3A_1315] : memref<32768x125xf32, #tpu.memory_space<hbm>> -> memref<8x125xf32, #tpu.memory_space<hbm>>
    %dma_wait3A_1317 = arith.constant 0 : i32
    %dma_wait3A_1318 = arith.constant 0 : i32
    %dma_wait3A_1319 = tpu.memref_slice %arg7[%dma_wait3A_1310, %dma_wait3A_1317, %dma_wait3A_1318] : memref<24x8x125xf32, #tpu.memory_space<vmem>> -> memref<1x8x125xf32, #tpu.memory_space<vmem>>
    %dma_wait3A_1320 = tpu.memref_squeeze %dma_wait3A_1319 : memref<1x8x125xf32, #tpu.memory_space<vmem>> -> memref<8x125xf32, #tpu.memory_space<vmem>>
    %dma_wait3A_1321 = arith.constant 0 : i32
    %dma_wait3A_1322 = tpu.memref_slice %arg2[%multiple_of3A_844, %dma_wait3A_1321] : memref<32768x125xf32, #tpu.memory_space<hbm>> -> memref<8x125xf32, #tpu.memory_space<hbm>>
    tpu.wait_dma2 semaphore(%arg9 : memref<!tpu.dma_semaphore, #tpu.memory_space<semaphore_mem>>) src(%dma_wait3A_1322 : memref<8x125xf32, #tpu.memory_space<hbm>>) dst(%dma_wait3A_1320 : memref<8x125xf32, #tpu.memory_space<vmem>>)
    %dma_wait3A_1323 = arith.constant 2 : i32
    %dma_wait3A_1324 = arith.constant 0 : i32
    %dma_wait3A_1325 = arith.constant 0 : i32
    %dma_wait3A_1326 = tpu.memref_slice %arg7[%dma_wait3A_1323, %dma_wait3A_1324, %dma_wait3A_1325] : memref<24x8x125xf32, #tpu.memory_space<vmem>> -> memref<1x8x125xf32, #tpu.memory_space<vmem>>
    %dma_wait3A_1327 = tpu.memref_squeeze %dma_wait3A_1326 : memref<1x8x125xf32, #tpu.memory_space<vmem>> -> memref<8x125xf32, #tpu.memory_space<vmem>>
    %dma_wait3A_1328 = arith.constant 0 : i32
    %dma_wait3A_1329 = tpu.memref_slice %arg2[%multiple_of3A_864, %dma_wait3A_1328] : memref<32768x125xf32, #tpu.memory_space<hbm>> -> memref<8x125xf32, #tpu.memory_space<hbm>>
    %dma_wait3A_1330 = arith.constant 0 : i32
    %dma_wait3A_1331 = arith.constant 0 : i32
    %dma_wait3A_1332 = tpu.memref_slice %arg7[%dma_wait3A_1323, %dma_wait3A_1330, %dma_wait3A_1331] : memref<24x8x125xf32, #tpu.memory_space<vmem>> -> memref<1x8x125xf32, #tpu.memory_space<vmem>>
    %dma_wait3A_1333 = tpu.memref_squeeze %dma_wait3A_1332 : memref<1x8x125xf32, #tpu.memory_space<vmem>> -> memref<8x125xf32, #tpu.memory_space<vmem>>
    %dma_wait3A_1334 = arith.constant 0 : i32
    %dma_wait3A_1335 = tpu.memref_slice %arg2[%multiple_of3A_864, %dma_wait3A_1334] : memref<32768x125xf32, #tpu.memory_space<hbm>> -> memref<8x125xf32, #tpu.memory_space<hbm>>
    tpu.wait_dma2 semaphore(%arg9 : memref<!tpu.dma_semaphore, #tpu.memory_space<semaphore_mem>>) src(%dma_wait3A_1335 : memref<8x125xf32, #tpu.memory_space<hbm>>) dst(%dma_wait3A_1333 : memref<8x125xf32, #tpu.memory_space<vmem>>)
    %dma_wait3A_1336 = arith.constant 3 : i32
    %dma_wait3A_1337 = arith.constant 0 : i32
    %dma_wait3A_1338 = arith.constant 0 : i32
    %dma_wait3A_1339 = tpu.memref_slice %arg7[%dma_wait3A_1336, %dma_wait3A_1337, %dma_wait3A_1338] : memref<24x8x125xf32, #tpu.memory_space<vmem>> -> memref<1x8x125xf32, #tpu.memory_space<vmem>>
    %dma_wait3A_1340 = tpu.memref_squeeze %dma_wait3A_1339 : memref<1x8x125xf32, #tpu.memory_space<vmem>> -> memref<8x125xf32, #tpu.memory_space<vmem>>
    %dma_wait3A_1341 = arith.constant 0 : i32
    %dma_wait3A_1342 = tpu.memref_slice %arg2[%multiple_of3A_884, %dma_wait3A_1341] : memref<32768x125xf32, #tpu.memory_space<hbm>> -> memref<8x125xf32, #tpu.memory_space<hbm>>
    %dma_wait3A_1343 = arith.constant 0 : i32
    %dma_wait3A_1344 = arith.constant 0 : i32
    %dma_wait3A_1345 = tpu.memref_slice %arg7[%dma_wait3A_1336, %dma_wait3A_1343, %dma_wait3A_1344] : memref<24x8x125xf32, #tpu.memory_space<vmem>> -> memref<1x8x125xf32, #tpu.memory_space<vmem>>
    %dma_wait3A_1346 = tpu.memref_squeeze %dma_wait3A_1345 : memref<1x8x125xf32, #tpu.memory_space<vmem>> -> memref<8x125xf32, #tpu.memory_space<vmem>>
    %dma_wait3A_1347 = arith.constant 0 : i32
    %dma_wait3A_1348 = tpu.memref_slice %arg2[%multiple_of3A_884, %dma_wait3A_1347] : memref<32768x125xf32, #tpu.memory_space<hbm>> -> memref<8x125xf32, #tpu.memory_space<hbm>>
    tpu.wait_dma2 semaphore(%arg9 : memref<!tpu.dma_semaphore, #tpu.memory_space<semaphore_mem>>) src(%dma_wait3A_1348 : memref<8x125xf32, #tpu.memory_space<hbm>>) dst(%dma_wait3A_1346 : memref<8x125xf32, #tpu.memory_space<vmem>>)
    %dma_wait3A_1349 = arith.constant 4 : i32
    %dma_wait3A_1350 = arith.constant 0 : i32
    %dma_wait3A_1351 = arith.constant 0 : i32
    %dma_wait3A_1352 = tpu.memref_slice %arg7[%dma_wait3A_1349, %dma_wait3A_1350, %dma_wait3A_1351] : memref<24x8x125xf32, #tpu.memory_space<vmem>> -> memref<1x8x125xf32, #tpu.memory_space<vmem>>
    %dma_wait3A_1353 = tpu.memref_squeeze %dma_wait3A_1352 : memref<1x8x125xf32, #tpu.memory_space<vmem>> -> memref<8x125xf32, #tpu.memory_space<vmem>>
    %dma_wait3A_1354 = arith.constant 0 : i32
    %dma_wait3A_1355 = tpu.memref_slice %arg2[%multiple_of3A_904, %dma_wait3A_1354] : memref<32768x125xf32, #tpu.memory_space<hbm>> -> memref<8x125xf32, #tpu.memory_space<hbm>>
    %dma_wait3A_1356 = arith.constant 0 : i32
    %dma_wait3A_1357 = arith.constant 0 : i32
    %dma_wait3A_1358 = tpu.memref_slice %arg7[%dma_wait3A_1349, %dma_wait3A_1356, %dma_wait3A_1357] : memref<24x8x125xf32, #tpu.memory_space<vmem>> -> memref<1x8x125xf32, #tpu.memory_space<vmem>>
    %dma_wait3A_1359 = tpu.memref_squeeze %dma_wait3A_1358 : memref<1x8x125xf32, #tpu.memory_space<vmem>> -> memref<8x125xf32, #tpu.memory_space<vmem>>
    %dma_wait3A_1360 = arith.constant 0 : i32
    %dma_wait3A_1361 = tpu.memref_slice %arg2[%multiple_of3A_904, %dma_wait3A_1360] : memref<32768x125xf32, #tpu.memory_space<hbm>> -> memref<8x125xf32, #tpu.memory_space<hbm>>
    tpu.wait_dma2 semaphore(%arg9 : memref<!tpu.dma_semaphore, #tpu.memory_space<semaphore_mem>>) src(%dma_wait3A_1361 : memref<8x125xf32, #tpu.memory_space<hbm>>) dst(%dma_wait3A_1359 : memref<8x125xf32, #tpu.memory_space<vmem>>)
    %dma_wait3A_1362 = arith.constant 5 : i32
    %dma_wait3A_1363 = arith.constant 0 : i32
    %dma_wait3A_1364 = arith.constant 0 : i32
    %dma_wait3A_1365 = tpu.memref_slice %arg7[%dma_wait3A_1362, %dma_wait3A_1363, %dma_wait3A_1364] : memref<24x8x125xf32, #tpu.memory_space<vmem>> -> memref<1x8x125xf32, #tpu.memory_space<vmem>>
    %dma_wait3A_1366 = tpu.memref_squeeze %dma_wait3A_1365 : memref<1x8x125xf32, #tpu.memory_space<vmem>> -> memref<8x125xf32, #tpu.memory_space<vmem>>
    %dma_wait3A_1367 = arith.constant 0 : i32
    %dma_wait3A_1368 = tpu.memref_slice %arg2[%multiple_of3A_924, %dma_wait3A_1367] : memref<32768x125xf32, #tpu.memory_space<hbm>> -> memref<8x125xf32, #tpu.memory_space<hbm>>
    %dma_wait3A_1369 = arith.constant 0 : i32
    %dma_wait3A_1370 = arith.constant 0 : i32
    %dma_wait3A_1371 = tpu.memref_slice %arg7[%dma_wait3A_1362, %dma_wait3A_1369, %dma_wait3A_1370] : memref<24x8x125xf32, #tpu.memory_space<vmem>> -> memref<1x8x125xf32, #tpu.memory_space<vmem>>
    %dma_wait3A_1372 = tpu.memref_squeeze %dma_wait3A_1371 : memref<1x8x125xf32, #tpu.memory_space<vmem>> -> memref<8x125xf32, #tpu.memory_space<vmem>>
    %dma_wait3A_1373 = arith.constant 0 : i32
    %dma_wait3A_1374 = tpu.memref_slice %arg2[%multiple_of3A_924, %dma_wait3A_1373] : memref<32768x125xf32, #tpu.memory_space<hbm>> -> memref<8x125xf32, #tpu.memory_space<hbm>>
    tpu.wait_dma2 semaphore(%arg9 : memref<!tpu.dma_semaphore, #tpu.memory_space<semaphore_mem>>) src(%dma_wait3A_1374 : memref<8x125xf32, #tpu.memory_space<hbm>>) dst(%dma_wait3A_1372 : memref<8x125xf32, #tpu.memory_space<vmem>>)
    %dma_wait3A_1375 = arith.constant 6 : i32
    %dma_wait3A_1376 = arith.constant 0 : i32
    %dma_wait3A_1377 = arith.constant 0 : i32
    %dma_wait3A_1378 = tpu.memref_slice %arg7[%dma_wait3A_1375, %dma_wait3A_1376, %dma_wait3A_1377] : memref<24x8x125xf32, #tpu.memory_space<vmem>> -> memref<1x8x125xf32, #tpu.memory_space<vmem>>
    %dma_wait3A_1379 = tpu.memref_squeeze %dma_wait3A_1378 : memref<1x8x125xf32, #tpu.memory_space<vmem>> -> memref<8x125xf32, #tpu.memory_space<vmem>>
    %dma_wait3A_1380 = arith.constant 0 : i32
    %dma_wait3A_1381 = tpu.memref_slice %arg2[%multiple_of3A_944, %dma_wait3A_1380] : memref<32768x125xf32, #tpu.memory_space<hbm>> -> memref<8x125xf32, #tpu.memory_space<hbm>>
    %dma_wait3A_1382 = arith.constant 0 : i32
    %dma_wait3A_1383 = arith.constant 0 : i32
    %dma_wait3A_1384 = tpu.memref_slice %arg7[%dma_wait3A_1375, %dma_wait3A_1382, %dma_wait3A_1383] : memref<24x8x125xf32, #tpu.memory_space<vmem>> -> memref<1x8x125xf32, #tpu.memory_space<vmem>>
    %dma_wait3A_1385 = tpu.memref_squeeze %dma_wait3A_1384 : memref<1x8x125xf32, #tpu.memory_space<vmem>> -> memref<8x125xf32, #tpu.memory_space<vmem>>
    %dma_wait3A_1386 = arith.constant 0 : i32
    %dma_wait3A_1387 = tpu.memref_slice %arg2[%multiple_of3A_944, %dma_wait3A_1386] : memref<32768x125xf32, #tpu.memory_space<hbm>> -> memref<8x125xf32, #tpu.memory_space<hbm>>
    tpu.wait_dma2 semaphore(%arg9 : memref<!tpu.dma_semaphore, #tpu.memory_space<semaphore_mem>>) src(%dma_wait3A_1387 : memref<8x125xf32, #tpu.memory_space<hbm>>) dst(%dma_wait3A_1385 : memref<8x125xf32, #tpu.memory_space<vmem>>)
    %dma_wait3A_1388 = arith.constant 7 : i32
    %dma_wait3A_1389 = arith.constant 0 : i32
    %dma_wait3A_1390 = arith.constant 0 : i32
    %dma_wait3A_1391 = tpu.memref_slice %arg7[%dma_wait3A_1388, %dma_wait3A_1389, %dma_wait3A_1390] : memref<24x8x125xf32, #tpu.memory_space<vmem>> -> memref<1x8x125xf32, #tpu.memory_space<vmem>>
    %dma_wait3A_1392 = tpu.memref_squeeze %dma_wait3A_1391 : memref<1x8x125xf32, #tpu.memory_space<vmem>> -> memref<8x125xf32, #tpu.memory_space<vmem>>
    %dma_wait3A_1393 = arith.constant 0 : i32
    %dma_wait3A_1394 = tpu.memref_slice %arg2[%multiple_of3A_964, %dma_wait3A_1393] : memref<32768x125xf32, #tpu.memory_space<hbm>> -> memref<8x125xf32, #tpu.memory_space<hbm>>
    %dma_wait3A_1395 = arith.constant 0 : i32
    %dma_wait3A_1396 = arith.constant 0 : i32
    %dma_wait3A_1397 = tpu.memref_slice %arg7[%dma_wait3A_1388, %dma_wait3A_1395, %dma_wait3A_1396] : memref<24x8x125xf32, #tpu.memory_space<vmem>> -> memref<1x8x125xf32, #tpu.memory_space<vmem>>
    %dma_wait3A_1398 = tpu.memref_squeeze %dma_wait3A_1397 : memref<1x8x125xf32, #tpu.memory_space<vmem>> -> memref<8x125xf32, #tpu.memory_space<vmem>>
    %dma_wait3A_1399 = arith.constant 0 : i32
    %dma_wait3A_1400 = tpu.memref_slice %arg2[%multiple_of3A_964, %dma_wait3A_1399] : memref<32768x125xf32, #tpu.memory_space<hbm>> -> memref<8x125xf32, #tpu.memory_space<hbm>>
    tpu.wait_dma2 semaphore(%arg9 : memref<!tpu.dma_semaphore, #tpu.memory_space<semaphore_mem>>) src(%dma_wait3A_1400 : memref<8x125xf32, #tpu.memory_space<hbm>>) dst(%dma_wait3A_1398 : memref<8x125xf32, #tpu.memory_space<vmem>>)
    %dma_wait3A_1401 = arith.constant 8 : i32
    %dma_wait3A_1402 = arith.constant 0 : i32
    %dma_wait3A_1403 = arith.constant 0 : i32
    %dma_wait3A_1404 = tpu.memref_slice %arg7[%dma_wait3A_1401, %dma_wait3A_1402, %dma_wait3A_1403] : memref<24x8x125xf32, #tpu.memory_space<vmem>> -> memref<1x8x125xf32, #tpu.memory_space<vmem>>
    %dma_wait3A_1405 = tpu.memref_squeeze %dma_wait3A_1404 : memref<1x8x125xf32, #tpu.memory_space<vmem>> -> memref<8x125xf32, #tpu.memory_space<vmem>>
    %dma_wait3A_1406 = arith.constant 0 : i32
    %dma_wait3A_1407 = tpu.memref_slice %arg2[%multiple_of3A_984, %dma_wait3A_1406] : memref<32768x125xf32, #tpu.memory_space<hbm>> -> memref<8x125xf32, #tpu.memory_space<hbm>>
    %dma_wait3A_1408 = arith.constant 0 : i32
    %dma_wait3A_1409 = arith.constant 0 : i32
    %dma_wait3A_1410 = tpu.memref_slice %arg7[%dma_wait3A_1401, %dma_wait3A_1408, %dma_wait3A_1409] : memref<24x8x125xf32, #tpu.memory_space<vmem>> -> memref<1x8x125xf32, #tpu.memory_space<vmem>>
    %dma_wait3A_1411 = tpu.memref_squeeze %dma_wait3A_1410 : memref<1x8x125xf32, #tpu.memory_space<vmem>> -> memref<8x125xf32, #tpu.memory_space<vmem>>
    %dma_wait3A_1412 = arith.constant 0 : i32
    %dma_wait3A_1413 = tpu.memref_slice %arg2[%multiple_of3A_984, %dma_wait3A_1412] : memref<32768x125xf32, #tpu.memory_space<hbm>> -> memref<8x125xf32, #tpu.memory_space<hbm>>
    tpu.wait_dma2 semaphore(%arg9 : memref<!tpu.dma_semaphore, #tpu.memory_space<semaphore_mem>>) src(%dma_wait3A_1413 : memref<8x125xf32, #tpu.memory_space<hbm>>) dst(%dma_wait3A_1411 : memref<8x125xf32, #tpu.memory_space<vmem>>)
    %dma_wait3A_1414 = arith.constant 9 : i32
    %dma_wait3A_1415 = arith.constant 0 : i32
    %dma_wait3A_1416 = arith.constant 0 : i32
    %dma_wait3A_1417 = tpu.memref_slice %arg7[%dma_wait3A_1414, %dma_wait3A_1415, %dma_wait3A_1416] : memref<24x8x125xf32, #tpu.memory_space<vmem>> -> memref<1x8x125xf32, #tpu.memory_space<vmem>>
    %dma_wait3A_1418 = tpu.memref_squeeze %dma_wait3A_1417 : memref<1x8x125xf32, #tpu.memory_space<vmem>> -> memref<8x125xf32, #tpu.memory_space<vmem>>
    %dma_wait3A_1419 = arith.constant 0 : i32
    %dma_wait3A_1420 = tpu.memref_slice %arg2[%multiple_of3A_1004, %dma_wait3A_1419] : memref<32768x125xf32, #tpu.memory_space<hbm>> -> memref<8x125xf32, #tpu.memory_space<hbm>>
    %dma_wait3A_1421 = arith.constant 0 : i32
    %dma_wait3A_1422 = arith.constant 0 : i32
    %dma_wait3A_1423 = tpu.memref_slice %arg7[%dma_wait3A_1414, %dma_wait3A_1421, %dma_wait3A_1422] : memref<24x8x125xf32, #tpu.memory_space<vmem>> -> memref<1x8x125xf32, #tpu.memory_space<vmem>>
    %dma_wait3A_1424 = tpu.memref_squeeze %dma_wait3A_1423 : memref<1x8x125xf32, #tpu.memory_space<vmem>> -> memref<8x125xf32, #tpu.memory_space<vmem>>
    %dma_wait3A_1425 = arith.constant 0 : i32
    %dma_wait3A_1426 = tpu.memref_slice %arg2[%multiple_of3A_1004, %dma_wait3A_1425] : memref<32768x125xf32, #tpu.memory_space<hbm>> -> memref<8x125xf32, #tpu.memory_space<hbm>>
    tpu.wait_dma2 semaphore(%arg9 : memref<!tpu.dma_semaphore, #tpu.memory_space<semaphore_mem>>) src(%dma_wait3A_1426 : memref<8x125xf32, #tpu.memory_space<hbm>>) dst(%dma_wait3A_1424 : memref<8x125xf32, #tpu.memory_space<vmem>>)
    %dma_wait3A_1427 = arith.constant 10 : i32
    %dma_wait3A_1428 = arith.constant 0 : i32
    %dma_wait3A_1429 = arith.constant 0 : i32
    %dma_wait3A_1430 = tpu.memref_slice %arg7[%dma_wait3A_1427, %dma_wait3A_1428, %dma_wait3A_1429] : memref<24x8x125xf32, #tpu.memory_space<vmem>> -> memref<1x8x125xf32, #tpu.memory_space<vmem>>
    %dma_wait3A_1431 = tpu.memref_squeeze %dma_wait3A_1430 : memref<1x8x125xf32, #tpu.memory_space<vmem>> -> memref<8x125xf32, #tpu.memory_space<vmem>>
    %dma_wait3A_1432 = arith.constant 0 : i32
    %dma_wait3A_1433 = tpu.memref_slice %arg2[%multiple_of3A_1024, %dma_wait3A_1432] : memref<32768x125xf32, #tpu.memory_space<hbm>> -> memref<8x125xf32, #tpu.memory_space<hbm>>
    %dma_wait3A_1434 = arith.constant 0 : i32
    %dma_wait3A_1435 = arith.constant 0 : i32
    %dma_wait3A_1436 = tpu.memref_slice %arg7[%dma_wait3A_1427, %dma_wait3A_1434, %dma_wait3A_1435] : memref<24x8x125xf32, #tpu.memory_space<vmem>> -> memref<1x8x125xf32, #tpu.memory_space<vmem>>
    %dma_wait3A_1437 = tpu.memref_squeeze %dma_wait3A_1436 : memref<1x8x125xf32, #tpu.memory_space<vmem>> -> memref<8x125xf32, #tpu.memory_space<vmem>>
    %dma_wait3A_1438 = arith.constant 0 : i32
    %dma_wait3A_1439 = tpu.memref_slice %arg2[%multiple_of3A_1024, %dma_wait3A_1438] : memref<32768x125xf32, #tpu.memory_space<hbm>> -> memref<8x125xf32, #tpu.memory_space<hbm>>
    tpu.wait_dma2 semaphore(%arg9 : memref<!tpu.dma_semaphore, #tpu.memory_space<semaphore_mem>>) src(%dma_wait3A_1439 : memref<8x125xf32, #tpu.memory_space<hbm>>) dst(%dma_wait3A_1437 : memref<8x125xf32, #tpu.memory_space<vmem>>)
    %dma_wait3A_1440 = arith.constant 11 : i32
    %dma_wait3A_1441 = arith.constant 0 : i32
    %dma_wait3A_1442 = arith.constant 0 : i32
    %dma_wait3A_1443 = tpu.memref_slice %arg7[%dma_wait3A_1440, %dma_wait3A_1441, %dma_wait3A_1442] : memref<24x8x125xf32, #tpu.memory_space<vmem>> -> memref<1x8x125xf32, #tpu.memory_space<vmem>>
    %dma_wait3A_1444 = tpu.memref_squeeze %dma_wait3A_1443 : memref<1x8x125xf32, #tpu.memory_space<vmem>> -> memref<8x125xf32, #tpu.memory_space<vmem>>
    %dma_wait3A_1445 = arith.constant 0 : i32
    %dma_wait3A_1446 = tpu.memref_slice %arg2[%multiple_of3A_1044, %dma_wait3A_1445] : memref<32768x125xf32, #tpu.memory_space<hbm>> -> memref<8x125xf32, #tpu.memory_space<hbm>>
    %dma_wait3A_1447 = arith.constant 0 : i32
    %dma_wait3A_1448 = arith.constant 0 : i32
    %dma_wait3A_1449 = tpu.memref_slice %arg7[%dma_wait3A_1440, %dma_wait3A_1447, %dma_wait3A_1448] : memref<24x8x125xf32, #tpu.memory_space<vmem>> -> memref<1x8x125xf32, #tpu.memory_space<vmem>>
    %dma_wait3A_1450 = tpu.memref_squeeze %dma_wait3A_1449 : memref<1x8x125xf32, #tpu.memory_space<vmem>> -> memref<8x125xf32, #tpu.memory_space<vmem>>
    %dma_wait3A_1451 = arith.constant 0 : i32
    %dma_wait3A_1452 = tpu.memref_slice %arg2[%multiple_of3A_1044, %dma_wait3A_1451] : memref<32768x125xf32, #tpu.memory_space<hbm>> -> memref<8x125xf32, #tpu.memory_space<hbm>>
    tpu.wait_dma2 semaphore(%arg9 : memref<!tpu.dma_semaphore, #tpu.memory_space<semaphore_mem>>) src(%dma_wait3A_1452 : memref<8x125xf32, #tpu.memory_space<hbm>>) dst(%dma_wait3A_1450 : memref<8x125xf32, #tpu.memory_space<vmem>>)
    %dma_wait3A_1453 = arith.constant 12 : i32
    %dma_wait3A_1454 = arith.constant 0 : i32
    %dma_wait3A_1455 = arith.constant 0 : i32
    %dma_wait3A_1456 = tpu.memref_slice %arg7[%dma_wait3A_1453, %dma_wait3A_1454, %dma_wait3A_1455] : memref<24x8x125xf32, #tpu.memory_space<vmem>> -> memref<1x8x125xf32, #tpu.memory_space<vmem>>
    %dma_wait3A_1457 = tpu.memref_squeeze %dma_wait3A_1456 : memref<1x8x125xf32, #tpu.memory_space<vmem>> -> memref<8x125xf32, #tpu.memory_space<vmem>>
    %dma_wait3A_1458 = arith.constant 0 : i32
    %dma_wait3A_1459 = tpu.memref_slice %arg2[%multiple_of3A_1064, %dma_wait3A_1458] : memref<32768x125xf32, #tpu.memory_space<hbm>> -> memref<8x125xf32, #tpu.memory_space<hbm>>
    %dma_wait3A_1460 = arith.constant 0 : i32
    %dma_wait3A_1461 = arith.constant 0 : i32
    %dma_wait3A_1462 = tpu.memref_slice %arg7[%dma_wait3A_1453, %dma_wait3A_1460, %dma_wait3A_1461] : memref<24x8x125xf32, #tpu.memory_space<vmem>> -> memref<1x8x125xf32, #tpu.memory_space<vmem>>
    %dma_wait3A_1463 = tpu.memref_squeeze %dma_wait3A_1462 : memref<1x8x125xf32, #tpu.memory_space<vmem>> -> memref<8x125xf32, #tpu.memory_space<vmem>>
    %dma_wait3A_1464 = arith.constant 0 : i32
    %dma_wait3A_1465 = tpu.memref_slice %arg2[%multiple_of3A_1064, %dma_wait3A_1464] : memref<32768x125xf32, #tpu.memory_space<hbm>> -> memref<8x125xf32, #tpu.memory_space<hbm>>
    tpu.wait_dma2 semaphore(%arg9 : memref<!tpu.dma_semaphore, #tpu.memory_space<semaphore_mem>>) src(%dma_wait3A_1465 : memref<8x125xf32, #tpu.memory_space<hbm>>) dst(%dma_wait3A_1463 : memref<8x125xf32, #tpu.memory_space<vmem>>)
    %dma_wait3A_1466 = arith.constant 13 : i32
    %dma_wait3A_1467 = arith.constant 0 : i32
    %dma_wait3A_1468 = arith.constant 0 : i32
    %dma_wait3A_1469 = tpu.memref_slice %arg7[%dma_wait3A_1466, %dma_wait3A_1467, %dma_wait3A_1468] : memref<24x8x125xf32, #tpu.memory_space<vmem>> -> memref<1x8x125xf32, #tpu.memory_space<vmem>>
    %dma_wait3A_1470 = tpu.memref_squeeze %dma_wait3A_1469 : memref<1x8x125xf32, #tpu.memory_space<vmem>> -> memref<8x125xf32, #tpu.memory_space<vmem>>
    %dma_wait3A_1471 = arith.constant 0 : i32
    %dma_wait3A_1472 = tpu.memref_slice %arg2[%multiple_of3A_1084, %dma_wait3A_1471] : memref<32768x125xf32, #tpu.memory_space<hbm>> -> memref<8x125xf32, #tpu.memory_space<hbm>>
    %dma_wait3A_1473 = arith.constant 0 : i32
    %dma_wait3A_1474 = arith.constant 0 : i32
    %dma_wait3A_1475 = tpu.memref_slice %arg7[%dma_wait3A_1466, %dma_wait3A_1473, %dma_wait3A_1474] : memref<24x8x125xf32, #tpu.memory_space<vmem>> -> memref<1x8x125xf32, #tpu.memory_space<vmem>>
    %dma_wait3A_1476 = tpu.memref_squeeze %dma_wait3A_1475 : memref<1x8x125xf32, #tpu.memory_space<vmem>> -> memref<8x125xf32, #tpu.memory_space<vmem>>
    %dma_wait3A_1477 = arith.constant 0 : i32
    %dma_wait3A_1478 = tpu.memref_slice %arg2[%multiple_of3A_1084, %dma_wait3A_1477] : memref<32768x125xf32, #tpu.memory_space<hbm>> -> memref<8x125xf32, #tpu.memory_space<hbm>>
    tpu.wait_dma2 semaphore(%arg9 : memref<!tpu.dma_semaphore, #tpu.memory_space<semaphore_mem>>) src(%dma_wait3A_1478 : memref<8x125xf32, #tpu.memory_space<hbm>>) dst(%dma_wait3A_1476 : memref<8x125xf32, #tpu.memory_space<vmem>>)
    %dma_wait3A_1479 = arith.constant 14 : i32
    %dma_wait3A_1480 = arith.constant 0 : i32
    %dma_wait3A_1481 = arith.constant 0 : i32
    %dma_wait3A_1482 = tpu.memref_slice %arg7[%dma_wait3A_1479, %dma_wait3A_1480, %dma_wait3A_1481] : memref<24x8x125xf32, #tpu.memory_space<vmem>> -> memref<1x8x125xf32, #tpu.memory_space<vmem>>
    %dma_wait3A_1483 = tpu.memref_squeeze %dma_wait3A_1482 : memref<1x8x125xf32, #tpu.memory_space<vmem>> -> memref<8x125xf32, #tpu.memory_space<vmem>>
    %dma_wait3A_1484 = arith.constant 0 : i32
    %dma_wait3A_1485 = tpu.memref_slice %arg2[%multiple_of3A_1104, %dma_wait3A_1484] : memref<32768x125xf32, #tpu.memory_space<hbm>> -> memref<8x125xf32, #tpu.memory_space<hbm>>
    %dma_wait3A_1486 = arith.constant 0 : i32
    %dma_wait3A_1487 = arith.constant 0 : i32
    %dma_wait3A_1488 = tpu.memref_slice %arg7[%dma_wait3A_1479, %dma_wait3A_1486, %dma_wait3A_1487] : memref<24x8x125xf32, #tpu.memory_space<vmem>> -> memref<1x8x125xf32, #tpu.memory_space<vmem>>
    %dma_wait3A_1489 = tpu.memref_squeeze %dma_wait3A_1488 : memref<1x8x125xf32, #tpu.memory_space<vmem>> -> memref<8x125xf32, #tpu.memory_space<vmem>>
    %dma_wait3A_1490 = arith.constant 0 : i32
    %dma_wait3A_1491 = tpu.memref_slice %arg2[%multiple_of3A_1104, %dma_wait3A_1490] : memref<32768x125xf32, #tpu.memory_space<hbm>> -> memref<8x125xf32, #tpu.memory_space<hbm>>
    tpu.wait_dma2 semaphore(%arg9 : memref<!tpu.dma_semaphore, #tpu.memory_space<semaphore_mem>>) src(%dma_wait3A_1491 : memref<8x125xf32, #tpu.memory_space<hbm>>) dst(%dma_wait3A_1489 : memref<8x125xf32, #tpu.memory_space<vmem>>)
    %dma_wait3A_1492 = arith.constant 15 : i32
    %dma_wait3A_1493 = arith.constant 0 : i32
    %dma_wait3A_1494 = arith.constant 0 : i32
    %dma_wait3A_1495 = tpu.memref_slice %arg7[%dma_wait3A_1492, %dma_wait3A_1493, %dma_wait3A_1494] : memref<24x8x125xf32, #tpu.memory_space<vmem>> -> memref<1x8x125xf32, #tpu.memory_space<vmem>>
    %dma_wait3A_1496 = tpu.memref_squeeze %dma_wait3A_1495 : memref<1x8x125xf32, #tpu.memory_space<vmem>> -> memref<8x125xf32, #tpu.memory_space<vmem>>
    %dma_wait3A_1497 = arith.constant 0 : i32
    %dma_wait3A_1498 = tpu.memref_slice %arg2[%multiple_of3A_1124, %dma_wait3A_1497] : memref<32768x125xf32, #tpu.memory_space<hbm>> -> memref<8x125xf32, #tpu.memory_space<hbm>>
    %dma_wait3A_1499 = arith.constant 0 : i32
    %dma_wait3A_1500 = arith.constant 0 : i32
    %dma_wait3A_1501 = tpu.memref_slice %arg7[%dma_wait3A_1492, %dma_wait3A_1499, %dma_wait3A_1500] : memref<24x8x125xf32, #tpu.memory_space<vmem>> -> memref<1x8x125xf32, #tpu.memory_space<vmem>>
    %dma_wait3A_1502 = tpu.memref_squeeze %dma_wait3A_1501 : memref<1x8x125xf32, #tpu.memory_space<vmem>> -> memref<8x125xf32, #tpu.memory_space<vmem>>
    %dma_wait3A_1503 = arith.constant 0 : i32
    %dma_wait3A_1504 = tpu.memref_slice %arg2[%multiple_of3A_1124, %dma_wait3A_1503] : memref<32768x125xf32, #tpu.memory_space<hbm>> -> memref<8x125xf32, #tpu.memory_space<hbm>>
    tpu.wait_dma2 semaphore(%arg9 : memref<!tpu.dma_semaphore, #tpu.memory_space<semaphore_mem>>) src(%dma_wait3A_1504 : memref<8x125xf32, #tpu.memory_space<hbm>>) dst(%dma_wait3A_1502 : memref<8x125xf32, #tpu.memory_space<vmem>>)
    %dma_wait3A_1505 = arith.constant 16 : i32
    %dma_wait3A_1506 = arith.constant 0 : i32
    %dma_wait3A_1507 = arith.constant 0 : i32
    %dma_wait3A_1508 = tpu.memref_slice %arg7[%dma_wait3A_1505, %dma_wait3A_1506, %dma_wait3A_1507] : memref<24x8x125xf32, #tpu.memory_space<vmem>> -> memref<1x8x125xf32, #tpu.memory_space<vmem>>
    %dma_wait3A_1509 = tpu.memref_squeeze %dma_wait3A_1508 : memref<1x8x125xf32, #tpu.memory_space<vmem>> -> memref<8x125xf32, #tpu.memory_space<vmem>>
    %dma_wait3A_1510 = arith.constant 0 : i32
    %dma_wait3A_1511 = tpu.memref_slice %arg2[%multiple_of3A_1144, %dma_wait3A_1510] : memref<32768x125xf32, #tpu.memory_space<hbm>> -> memref<8x125xf32, #tpu.memory_space<hbm>>
    %dma_wait3A_1512 = arith.constant 0 : i32
    %dma_wait3A_1513 = arith.constant 0 : i32
    %dma_wait3A_1514 = tpu.memref_slice %arg7[%dma_wait3A_1505, %dma_wait3A_1512, %dma_wait3A_1513] : memref<24x8x125xf32, #tpu.memory_space<vmem>> -> memref<1x8x125xf32, #tpu.memory_space<vmem>>
    %dma_wait3A_1515 = tpu.memref_squeeze %dma_wait3A_1514 : memref<1x8x125xf32, #tpu.memory_space<vmem>> -> memref<8x125xf32, #tpu.memory_space<vmem>>
    %dma_wait3A_1516 = arith.constant 0 : i32
    %dma_wait3A_1517 = tpu.memref_slice %arg2[%multiple_of3A_1144, %dma_wait3A_1516] : memref<32768x125xf32, #tpu.memory_space<hbm>> -> memref<8x125xf32, #tpu.memory_space<hbm>>
    tpu.wait_dma2 semaphore(%arg9 : memref<!tpu.dma_semaphore, #tpu.memory_space<semaphore_mem>>) src(%dma_wait3A_1517 : memref<8x125xf32, #tpu.memory_space<hbm>>) dst(%dma_wait3A_1515 : memref<8x125xf32, #tpu.memory_space<vmem>>)
    %dma_wait3A_1518 = arith.constant 17 : i32
    %dma_wait3A_1519 = arith.constant 0 : i32
    %dma_wait3A_1520 = arith.constant 0 : i32
    %dma_wait3A_1521 = tpu.memref_slice %arg7[%dma_wait3A_1518, %dma_wait3A_1519, %dma_wait3A_1520] : memref<24x8x125xf32, #tpu.memory_space<vmem>> -> memref<1x8x125xf32, #tpu.memory_space<vmem>>
    %dma_wait3A_1522 = tpu.memref_squeeze %dma_wait3A_1521 : memref<1x8x125xf32, #tpu.memory_space<vmem>> -> memref<8x125xf32, #tpu.memory_space<vmem>>
    %dma_wait3A_1523 = arith.constant 0 : i32
    %dma_wait3A_1524 = tpu.memref_slice %arg2[%multiple_of3A_1164, %dma_wait3A_1523] : memref<32768x125xf32, #tpu.memory_space<hbm>> -> memref<8x125xf32, #tpu.memory_space<hbm>>
    %dma_wait3A_1525 = arith.constant 0 : i32
    %dma_wait3A_1526 = arith.constant 0 : i32
    %dma_wait3A_1527 = tpu.memref_slice %arg7[%dma_wait3A_1518, %dma_wait3A_1525, %dma_wait3A_1526] : memref<24x8x125xf32, #tpu.memory_space<vmem>> -> memref<1x8x125xf32, #tpu.memory_space<vmem>>
    %dma_wait3A_1528 = tpu.memref_squeeze %dma_wait3A_1527 : memref<1x8x125xf32, #tpu.memory_space<vmem>> -> memref<8x125xf32, #tpu.memory_space<vmem>>
    %dma_wait3A_1529 = arith.constant 0 : i32
    %dma_wait3A_1530 = tpu.memref_slice %arg2[%multiple_of3A_1164, %dma_wait3A_1529] : memref<32768x125xf32, #tpu.memory_space<hbm>> -> memref<8x125xf32, #tpu.memory_space<hbm>>
    tpu.wait_dma2 semaphore(%arg9 : memref<!tpu.dma_semaphore, #tpu.memory_space<semaphore_mem>>) src(%dma_wait3A_1530 : memref<8x125xf32, #tpu.memory_space<hbm>>) dst(%dma_wait3A_1528 : memref<8x125xf32, #tpu.memory_space<vmem>>)
    %dma_wait3A_1531 = arith.constant 18 : i32
    %dma_wait3A_1532 = arith.constant 0 : i32
    %dma_wait3A_1533 = arith.constant 0 : i32
    %dma_wait3A_1534 = tpu.memref_slice %arg7[%dma_wait3A_1531, %dma_wait3A_1532, %dma_wait3A_1533] : memref<24x8x125xf32, #tpu.memory_space<vmem>> -> memref<1x8x125xf32, #tpu.memory_space<vmem>>
    %dma_wait3A_1535 = tpu.memref_squeeze %dma_wait3A_1534 : memref<1x8x125xf32, #tpu.memory_space<vmem>> -> memref<8x125xf32, #tpu.memory_space<vmem>>
    %dma_wait3A_1536 = arith.constant 0 : i32
    %dma_wait3A_1537 = tpu.memref_slice %arg2[%multiple_of3A_1184, %dma_wait3A_1536] : memref<32768x125xf32, #tpu.memory_space<hbm>> -> memref<8x125xf32, #tpu.memory_space<hbm>>
    %dma_wait3A_1538 = arith.constant 0 : i32
    %dma_wait3A_1539 = arith.constant 0 : i32
    %dma_wait3A_1540 = tpu.memref_slice %arg7[%dma_wait3A_1531, %dma_wait3A_1538, %dma_wait3A_1539] : memref<24x8x125xf32, #tpu.memory_space<vmem>> -> memref<1x8x125xf32, #tpu.memory_space<vmem>>
    %dma_wait3A_1541 = tpu.memref_squeeze %dma_wait3A_1540 : memref<1x8x125xf32, #tpu.memory_space<vmem>> -> memref<8x125xf32, #tpu.memory_space<vmem>>
    %dma_wait3A_1542 = arith.constant 0 : i32
    %dma_wait3A_1543 = tpu.memref_slice %arg2[%multiple_of3A_1184, %dma_wait3A_1542] : memref<32768x125xf32, #tpu.memory_space<hbm>> -> memref<8x125xf32, #tpu.memory_space<hbm>>
    tpu.wait_dma2 semaphore(%arg9 : memref<!tpu.dma_semaphore, #tpu.memory_space<semaphore_mem>>) src(%dma_wait3A_1543 : memref<8x125xf32, #tpu.memory_space<hbm>>) dst(%dma_wait3A_1541 : memref<8x125xf32, #tpu.memory_space<vmem>>)
    %dma_wait3A_1544 = arith.constant 19 : i32
    %dma_wait3A_1545 = arith.constant 0 : i32
    %dma_wait3A_1546 = arith.constant 0 : i32
    %dma_wait3A_1547 = tpu.memref_slice %arg7[%dma_wait3A_1544, %dma_wait3A_1545, %dma_wait3A_1546] : memref<24x8x125xf32, #tpu.memory_space<vmem>> -> memref<1x8x125xf32, #tpu.memory_space<vmem>>
    %dma_wait3A_1548 = tpu.memref_squeeze %dma_wait3A_1547 : memref<1x8x125xf32, #tpu.memory_space<vmem>> -> memref<8x125xf32, #tpu.memory_space<vmem>>
    %dma_wait3A_1549 = arith.constant 0 : i32
    %dma_wait3A_1550 = tpu.memref_slice %arg2[%multiple_of3A_1204, %dma_wait3A_1549] : memref<32768x125xf32, #tpu.memory_space<hbm>> -> memref<8x125xf32, #tpu.memory_space<hbm>>
    %dma_wait3A_1551 = arith.constant 0 : i32
    %dma_wait3A_1552 = arith.constant 0 : i32
    %dma_wait3A_1553 = tpu.memref_slice %arg7[%dma_wait3A_1544, %dma_wait3A_1551, %dma_wait3A_1552] : memref<24x8x125xf32, #tpu.memory_space<vmem>> -> memref<1x8x125xf32, #tpu.memory_space<vmem>>
    %dma_wait3A_1554 = tpu.memref_squeeze %dma_wait3A_1553 : memref<1x8x125xf32, #tpu.memory_space<vmem>> -> memref<8x125xf32, #tpu.memory_space<vmem>>
    %dma_wait3A_1555 = arith.constant 0 : i32
    %dma_wait3A_1556 = tpu.memref_slice %arg2[%multiple_of3A_1204, %dma_wait3A_1555] : memref<32768x125xf32, #tpu.memory_space<hbm>> -> memref<8x125xf32, #tpu.memory_space<hbm>>
    tpu.wait_dma2 semaphore(%arg9 : memref<!tpu.dma_semaphore, #tpu.memory_space<semaphore_mem>>) src(%dma_wait3A_1556 : memref<8x125xf32, #tpu.memory_space<hbm>>) dst(%dma_wait3A_1554 : memref<8x125xf32, #tpu.memory_space<vmem>>)
    %dma_wait3A_1557 = arith.constant 20 : i32
    %dma_wait3A_1558 = arith.constant 0 : i32
    %dma_wait3A_1559 = arith.constant 0 : i32
    %dma_wait3A_1560 = tpu.memref_slice %arg7[%dma_wait3A_1557, %dma_wait3A_1558, %dma_wait3A_1559] : memref<24x8x125xf32, #tpu.memory_space<vmem>> -> memref<1x8x125xf32, #tpu.memory_space<vmem>>
    %dma_wait3A_1561 = tpu.memref_squeeze %dma_wait3A_1560 : memref<1x8x125xf32, #tpu.memory_space<vmem>> -> memref<8x125xf32, #tpu.memory_space<vmem>>
    %dma_wait3A_1562 = arith.constant 0 : i32
    %dma_wait3A_1563 = tpu.memref_slice %arg2[%multiple_of3A_1224, %dma_wait3A_1562] : memref<32768x125xf32, #tpu.memory_space<hbm>> -> memref<8x125xf32, #tpu.memory_space<hbm>>
    %dma_wait3A_1564 = arith.constant 0 : i32
    %dma_wait3A_1565 = arith.constant 0 : i32
    %dma_wait3A_1566 = tpu.memref_slice %arg7[%dma_wait3A_1557, %dma_wait3A_1564, %dma_wait3A_1565] : memref<24x8x125xf32, #tpu.memory_space<vmem>> -> memref<1x8x125xf32, #tpu.memory_space<vmem>>
    %dma_wait3A_1567 = tpu.memref_squeeze %dma_wait3A_1566 : memref<1x8x125xf32, #tpu.memory_space<vmem>> -> memref<8x125xf32, #tpu.memory_space<vmem>>
    %dma_wait3A_1568 = arith.constant 0 : i32
    %dma_wait3A_1569 = tpu.memref_slice %arg2[%multiple_of3A_1224, %dma_wait3A_1568] : memref<32768x125xf32, #tpu.memory_space<hbm>> -> memref<8x125xf32, #tpu.memory_space<hbm>>
    tpu.wait_dma2 semaphore(%arg9 : memref<!tpu.dma_semaphore, #tpu.memory_space<semaphore_mem>>) src(%dma_wait3A_1569 : memref<8x125xf32, #tpu.memory_space<hbm>>) dst(%dma_wait3A_1567 : memref<8x125xf32, #tpu.memory_space<vmem>>)
    %dma_wait3A_1570 = arith.constant 21 : i32
    %dma_wait3A_1571 = arith.constant 0 : i32
    %dma_wait3A_1572 = arith.constant 0 : i32
    %dma_wait3A_1573 = tpu.memref_slice %arg7[%dma_wait3A_1570, %dma_wait3A_1571, %dma_wait3A_1572] : memref<24x8x125xf32, #tpu.memory_space<vmem>> -> memref<1x8x125xf32, #tpu.memory_space<vmem>>
    %dma_wait3A_1574 = tpu.memref_squeeze %dma_wait3A_1573 : memref<1x8x125xf32, #tpu.memory_space<vmem>> -> memref<8x125xf32, #tpu.memory_space<vmem>>
    %dma_wait3A_1575 = arith.constant 0 : i32
    %dma_wait3A_1576 = tpu.memref_slice %arg2[%multiple_of3A_1244, %dma_wait3A_1575] : memref<32768x125xf32, #tpu.memory_space<hbm>> -> memref<8x125xf32, #tpu.memory_space<hbm>>
    %dma_wait3A_1577 = arith.constant 0 : i32
    %dma_wait3A_1578 = arith.constant 0 : i32
    %dma_wait3A_1579 = tpu.memref_slice %arg7[%dma_wait3A_1570, %dma_wait3A_1577, %dma_wait3A_1578] : memref<24x8x125xf32, #tpu.memory_space<vmem>> -> memref<1x8x125xf32, #tpu.memory_space<vmem>>
    %dma_wait3A_1580 = tpu.memref_squeeze %dma_wait3A_1579 : memref<1x8x125xf32, #tpu.memory_space<vmem>> -> memref<8x125xf32, #tpu.memory_space<vmem>>
    %dma_wait3A_1581 = arith.constant 0 : i32
    %dma_wait3A_1582 = tpu.memref_slice %arg2[%multiple_of3A_1244, %dma_wait3A_1581] : memref<32768x125xf32, #tpu.memory_space<hbm>> -> memref<8x125xf32, #tpu.memory_space<hbm>>
    tpu.wait_dma2 semaphore(%arg9 : memref<!tpu.dma_semaphore, #tpu.memory_space<semaphore_mem>>) src(%dma_wait3A_1582 : memref<8x125xf32, #tpu.memory_space<hbm>>) dst(%dma_wait3A_1580 : memref<8x125xf32, #tpu.memory_space<vmem>>)
    %dma_wait3A_1583 = arith.constant 22 : i32
    %dma_wait3A_1584 = arith.constant 0 : i32
    %dma_wait3A_1585 = arith.constant 0 : i32
    %dma_wait3A_1586 = tpu.memref_slice %arg7[%dma_wait3A_1583, %dma_wait3A_1584, %dma_wait3A_1585] : memref<24x8x125xf32, #tpu.memory_space<vmem>> -> memref<1x8x125xf32, #tpu.memory_space<vmem>>
    %dma_wait3A_1587 = tpu.memref_squeeze %dma_wait3A_1586 : memref<1x8x125xf32, #tpu.memory_space<vmem>> -> memref<8x125xf32, #tpu.memory_space<vmem>>
    %dma_wait3A_1588 = arith.constant 0 : i32
    %dma_wait3A_1589 = tpu.memref_slice %arg2[%multiple_of3A_1264, %dma_wait3A_1588] : memref<32768x125xf32, #tpu.memory_space<hbm>> -> memref<8x125xf32, #tpu.memory_space<hbm>>
    %dma_wait3A_1590 = arith.constant 0 : i32
    %dma_wait3A_1591 = arith.constant 0 : i32
    %dma_wait3A_1592 = tpu.memref_slice %arg7[%dma_wait3A_1583, %dma_wait3A_1590, %dma_wait3A_1591] : memref<24x8x125xf32, #tpu.memory_space<vmem>> -> memref<1x8x125xf32, #tpu.memory_space<vmem>>
    %dma_wait3A_1593 = tpu.memref_squeeze %dma_wait3A_1592 : memref<1x8x125xf32, #tpu.memory_space<vmem>> -> memref<8x125xf32, #tpu.memory_space<vmem>>
    %dma_wait3A_1594 = arith.constant 0 : i32
    %dma_wait3A_1595 = tpu.memref_slice %arg2[%multiple_of3A_1264, %dma_wait3A_1594] : memref<32768x125xf32, #tpu.memory_space<hbm>> -> memref<8x125xf32, #tpu.memory_space<hbm>>
    tpu.wait_dma2 semaphore(%arg9 : memref<!tpu.dma_semaphore, #tpu.memory_space<semaphore_mem>>) src(%dma_wait3A_1595 : memref<8x125xf32, #tpu.memory_space<hbm>>) dst(%dma_wait3A_1593 : memref<8x125xf32, #tpu.memory_space<vmem>>)
    %dma_wait3A_1596 = arith.constant 23 : i32
    %dma_wait3A_1597 = arith.constant 0 : i32
    %dma_wait3A_1598 = arith.constant 0 : i32
    %dma_wait3A_1599 = tpu.memref_slice %arg7[%dma_wait3A_1596, %dma_wait3A_1597, %dma_wait3A_1598] : memref<24x8x125xf32, #tpu.memory_space<vmem>> -> memref<1x8x125xf32, #tpu.memory_space<vmem>>
    %dma_wait3A_1600 = tpu.memref_squeeze %dma_wait3A_1599 : memref<1x8x125xf32, #tpu.memory_space<vmem>> -> memref<8x125xf32, #tpu.memory_space<vmem>>
    %dma_wait3A_1601 = arith.constant 0 : i32
    %dma_wait3A_1602 = tpu.memref_slice %arg2[%multiple_of3A_1284, %dma_wait3A_1601] : memref<32768x125xf32, #tpu.memory_space<hbm>> -> memref<8x125xf32, #tpu.memory_space<hbm>>
    %dma_wait3A_1603 = arith.constant 0 : i32
    %dma_wait3A_1604 = arith.constant 0 : i32
    %dma_wait3A_1605 = tpu.memref_slice %arg7[%dma_wait3A_1596, %dma_wait3A_1603, %dma_wait3A_1604] : memref<24x8x125xf32, #tpu.memory_space<vmem>> -> memref<1x8x125xf32, #tpu.memory_space<vmem>>
    %dma_wait3A_1606 = tpu.memref_squeeze %dma_wait3A_1605 : memref<1x8x125xf32, #tpu.memory_space<vmem>> -> memref<8x125xf32, #tpu.memory_space<vmem>>
    %dma_wait3A_1607 = arith.constant 0 : i32
    %dma_wait3A_1608 = tpu.memref_slice %arg2[%multiple_of3A_1284, %dma_wait3A_1607] : memref<32768x125xf32, #tpu.memory_space<hbm>> -> memref<8x125xf32, #tpu.memory_space<hbm>>
    tpu.wait_dma2 semaphore(%arg9 : memref<!tpu.dma_semaphore, #tpu.memory_space<semaphore_mem>>) src(%dma_wait3A_1608 : memref<8x125xf32, #tpu.memory_space<hbm>>) dst(%dma_wait3A_1606 : memref<8x125xf32, #tpu.memory_space<vmem>>)
    %iota3A_1609 = tpu.iota {dimensions = array<i32: 0>} : vector<16xi32>
    %add3A_1610 = arith.constant 0 : i32
    %add3A_1611 = vector.broadcast %add3A_1610 : i32 to vector<16xi32>
    %add3A_1612 = arith.addi %iota3A_1609, %add3A_1611 : vector<16xi32>
    %and3A_1613 = arith.constant 7 : i32
    %and3A_1614 = vector.broadcast %and3A_1613 : i32 to vector<16xi32>
    %and3A_1615 = arith.andi %min3A_34, %and3A_1614 : vector<16xi32>
    %add3A_1616 = arith.constant 0 : i32
    %add3A_1617 = vector.broadcast %add3A_1616 : i32 to vector<16xi32>
    %add3A_1618 = arith.addi %mul3A_335, %add3A_1617 : vector<16xi32>
    %gather3A_1619 = tpu.vector_load_idx %arg7[%add3A_1612, %and3A_1615, %add3A_1618] : memref<24x8x125xf32, #tpu.memory_space<vmem>>[vector<16xi32>, vector<16xi32>, vector<16xi32>], vector<16xf32>,
    %add3A_1620 = arith.constant 1 : i32
    %add3A_1621 = vector.broadcast %add3A_1620 : i32 to vector<16xi32>
    %add3A_1622 = arith.addi %mul3A_335, %add3A_1621 : vector<16xi32>
    %gather3A_1623 = tpu.vector_load_idx %arg7[%add3A_1612, %and3A_1615, %add3A_1622] : memref<24x8x125xf32, #tpu.memory_space<vmem>>[vector<16xi32>, vector<16xi32>, vector<16xi32>], vector<16xf32>,
    %add3A_1624 = arith.constant 2 : i32
    %add3A_1625 = vector.broadcast %add3A_1624 : i32 to vector<16xi32>
    %add3A_1626 = arith.addi %mul3A_335, %add3A_1625 : vector<16xi32>
    %gather3A_1627 = tpu.vector_load_idx %arg7[%add3A_1612, %and3A_1615, %add3A_1626] : memref<24x8x125xf32, #tpu.memory_space<vmem>>[vector<16xi32>, vector<16xi32>, vector<16xi32>], vector<16xf32>,
    %add3A_1628 = arith.constant 3 : i32
    %add3A_1629 = vector.broadcast %add3A_1628 : i32 to vector<16xi32>
    %add3A_1630 = arith.addi %mul3A_335, %add3A_1629 : vector<16xi32>
    %gather3A_1631 = tpu.vector_load_idx %arg7[%add3A_1612, %and3A_1615, %add3A_1630] : memref<24x8x125xf32, #tpu.memory_space<vmem>>[vector<16xi32>, vector<16xi32>, vector<16xi32>], vector<16xf32>,
    %add3A_1632 = arith.constant 4 : i32
    %add3A_1633 = vector.broadcast %add3A_1632 : i32 to vector<16xi32>
    %add3A_1634 = arith.addi %mul3A_335, %add3A_1633 : vector<16xi32>
    %gather3A_1635 = tpu.vector_load_idx %arg7[%add3A_1612, %and3A_1615, %add3A_1634] : memref<24x8x125xf32, #tpu.memory_space<vmem>>[vector<16xi32>, vector<16xi32>, vector<16xi32>], vector<16xf32>,
    %add3A_1636 = arith.constant 5 : i32
    %add3A_1637 = vector.broadcast %add3A_1636 : i32 to vector<16xi32>
    %add3A_1638 = arith.addi %mul3A_335, %add3A_1637 : vector<16xi32>
    %gather3A_1639 = tpu.vector_load_idx %arg7[%add3A_1612, %and3A_1615, %add3A_1638] : memref<24x8x125xf32, #tpu.memory_space<vmem>>[vector<16xi32>, vector<16xi32>, vector<16xi32>], vector<16xf32>,
    %add3A_1640 = arith.constant 6 : i32
    %add3A_1641 = vector.broadcast %add3A_1640 : i32 to vector<16xi32>
    %add3A_1642 = arith.addi %mul3A_335, %add3A_1641 : vector<16xi32>
    %gather3A_1643 = tpu.vector_load_idx %arg7[%add3A_1612, %and3A_1615, %add3A_1642] : memref<24x8x125xf32, #tpu.memory_space<vmem>>[vector<16xi32>, vector<16xi32>, vector<16xi32>], vector<16xf32>,
    %add3A_1644 = arith.constant 7 : i32
    %add3A_1645 = vector.broadcast %add3A_1644 : i32 to vector<16xi32>
    %add3A_1646 = arith.addi %mul3A_335, %add3A_1645 : vector<16xi32>
    %gather3A_1647 = tpu.vector_load_idx %arg7[%add3A_1612, %and3A_1615, %add3A_1646] : memref<24x8x125xf32, #tpu.memory_space<vmem>>[vector<16xi32>, vector<16xi32>, vector<16xi32>], vector<16xf32>,
    %add3A_1648 = arith.constant 8 : i32
    %add3A_1649 = vector.broadcast %add3A_1648 : i32 to vector<16xi32>
    %add3A_1650 = arith.addi %mul3A_335, %add3A_1649 : vector<16xi32>
    %gather3A_1651 = tpu.vector_load_idx %arg7[%add3A_1612, %and3A_1615, %add3A_1650] : memref<24x8x125xf32, #tpu.memory_space<vmem>>[vector<16xi32>, vector<16xi32>, vector<16xi32>], vector<16xf32>,
    %add3A_1652 = arith.constant 9 : i32
    %add3A_1653 = vector.broadcast %add3A_1652 : i32 to vector<16xi32>
    %add3A_1654 = arith.addi %mul3A_335, %add3A_1653 : vector<16xi32>
    %gather3A_1655 = tpu.vector_load_idx %arg7[%add3A_1612, %and3A_1615, %add3A_1654] : memref<24x8x125xf32, #tpu.memory_space<vmem>>[vector<16xi32>, vector<16xi32>, vector<16xi32>], vector<16xf32>,
    %add3A_1656 = arith.constant 10 : i32
    %add3A_1657 = vector.broadcast %add3A_1656 : i32 to vector<16xi32>
    %add3A_1658 = arith.addi %mul3A_335, %add3A_1657 : vector<16xi32>
    %gather3A_1659 = tpu.vector_load_idx %arg7[%add3A_1612, %and3A_1615, %add3A_1658] : memref<24x8x125xf32, #tpu.memory_space<vmem>>[vector<16xi32>, vector<16xi32>, vector<16xi32>], vector<16xf32>,
    %add3A_1660 = arith.constant 11 : i32
    %add3A_1661 = vector.broadcast %add3A_1660 : i32 to vector<16xi32>
    %add3A_1662 = arith.addi %mul3A_335, %add3A_1661 : vector<16xi32>
    %gather3A_1663 = tpu.vector_load_idx %arg7[%add3A_1612, %and3A_1615, %add3A_1662] : memref<24x8x125xf32, #tpu.memory_space<vmem>>[vector<16xi32>, vector<16xi32>, vector<16xi32>], vector<16xf32>,
    %add3A_1664 = arith.constant 12 : i32
    %add3A_1665 = vector.broadcast %add3A_1664 : i32 to vector<16xi32>
    %add3A_1666 = arith.addi %mul3A_335, %add3A_1665 : vector<16xi32>
    %gather3A_1667 = tpu.vector_load_idx %arg7[%add3A_1612, %and3A_1615, %add3A_1666] : memref<24x8x125xf32, #tpu.memory_space<vmem>>[vector<16xi32>, vector<16xi32>, vector<16xi32>], vector<16xf32>,
    %add3A_1668 = arith.constant 13 : i32
    %add3A_1669 = vector.broadcast %add3A_1668 : i32 to vector<16xi32>
    %add3A_1670 = arith.addi %mul3A_335, %add3A_1669 : vector<16xi32>
    %gather3A_1671 = tpu.vector_load_idx %arg7[%add3A_1612, %and3A_1615, %add3A_1670] : memref<24x8x125xf32, #tpu.memory_space<vmem>>[vector<16xi32>, vector<16xi32>, vector<16xi32>], vector<16xf32>,
    %add3A_1672 = arith.constant 14 : i32
    %add3A_1673 = vector.broadcast %add3A_1672 : i32 to vector<16xi32>
    %add3A_1674 = arith.addi %mul3A_335, %add3A_1673 : vector<16xi32>
    %gather3A_1675 = tpu.vector_load_idx %arg7[%add3A_1612, %and3A_1615, %add3A_1674] : memref<24x8x125xf32, #tpu.memory_space<vmem>>[vector<16xi32>, vector<16xi32>, vector<16xi32>], vector<16xf32>,
    %add3A_1676 = arith.constant 15 : i32
    %add3A_1677 = vector.broadcast %add3A_1676 : i32 to vector<16xi32>
    %add3A_1678 = arith.addi %mul3A_335, %add3A_1677 : vector<16xi32>
    %gather3A_1679 = tpu.vector_load_idx %arg7[%add3A_1612, %and3A_1615, %add3A_1678] : memref<24x8x125xf32, #tpu.memory_space<vmem>>[vector<16xi32>, vector<16xi32>, vector<16xi32>], vector<16xf32>,
    %add3A_1680 = arith.constant 16 : i32
    %add3A_1681 = vector.broadcast %add3A_1680 : i32 to vector<16xi32>
    %add3A_1682 = arith.addi %mul3A_335, %add3A_1681 : vector<16xi32>
    %gather3A_1683 = tpu.vector_load_idx %arg7[%add3A_1612, %and3A_1615, %add3A_1682] : memref<24x8x125xf32, #tpu.memory_space<vmem>>[vector<16xi32>, vector<16xi32>, vector<16xi32>], vector<16xf32>,
    %add3A_1684 = arith.constant 17 : i32
    %add3A_1685 = vector.broadcast %add3A_1684 : i32 to vector<16xi32>
    %add3A_1686 = arith.addi %mul3A_335, %add3A_1685 : vector<16xi32>
    %gather3A_1687 = tpu.vector_load_idx %arg7[%add3A_1612, %and3A_1615, %add3A_1686] : memref<24x8x125xf32, #tpu.memory_space<vmem>>[vector<16xi32>, vector<16xi32>, vector<16xi32>], vector<16xf32>,
    %add3A_1688 = arith.constant 18 : i32
    %add3A_1689 = vector.broadcast %add3A_1688 : i32 to vector<16xi32>
    %add3A_1690 = arith.addi %mul3A_335, %add3A_1689 : vector<16xi32>
    %gather3A_1691 = tpu.vector_load_idx %arg7[%add3A_1612, %and3A_1615, %add3A_1690] : memref<24x8x125xf32, #tpu.memory_space<vmem>>[vector<16xi32>, vector<16xi32>, vector<16xi32>], vector<16xf32>,
    %add3A_1692 = arith.constant 19 : i32
    %add3A_1693 = vector.broadcast %add3A_1692 : i32 to vector<16xi32>
    %add3A_1694 = arith.addi %mul3A_335, %add3A_1693 : vector<16xi32>
    %gather3A_1695 = tpu.vector_load_idx %arg7[%add3A_1612, %and3A_1615, %add3A_1694] : memref<24x8x125xf32, #tpu.memory_space<vmem>>[vector<16xi32>, vector<16xi32>, vector<16xi32>], vector<16xf32>,
    %add3A_1696 = arith.constant 20 : i32
    %add3A_1697 = vector.broadcast %add3A_1696 : i32 to vector<16xi32>
    %add3A_1698 = arith.addi %mul3A_335, %add3A_1697 : vector<16xi32>
    %gather3A_1699 = tpu.vector_load_idx %arg7[%add3A_1612, %and3A_1615, %add3A_1698] : memref<24x8x125xf32, #tpu.memory_space<vmem>>[vector<16xi32>, vector<16xi32>, vector<16xi32>], vector<16xf32>,
    %add3A_1700 = arith.constant 21 : i32
    %add3A_1701 = vector.broadcast %add3A_1700 : i32 to vector<16xi32>
    %add3A_1702 = arith.addi %mul3A_335, %add3A_1701 : vector<16xi32>
    %gather3A_1703 = tpu.vector_load_idx %arg7[%add3A_1612, %and3A_1615, %add3A_1702] : memref<24x8x125xf32, #tpu.memory_space<vmem>>[vector<16xi32>, vector<16xi32>, vector<16xi32>], vector<16xf32>,
    %add3A_1704 = arith.constant 22 : i32
    %add3A_1705 = vector.broadcast %add3A_1704 : i32 to vector<16xi32>
    %add3A_1706 = arith.addi %mul3A_335, %add3A_1705 : vector<16xi32>
    %gather3A_1707 = tpu.vector_load_idx %arg7[%add3A_1612, %and3A_1615, %add3A_1706] : memref<24x8x125xf32, #tpu.memory_space<vmem>>[vector<16xi32>, vector<16xi32>, vector<16xi32>], vector<16xf32>,
    %add3A_1708 = arith.constant 23 : i32
    %add3A_1709 = vector.broadcast %add3A_1708 : i32 to vector<16xi32>
    %add3A_1710 = arith.addi %mul3A_335, %add3A_1709 : vector<16xi32>
    %gather3A_1711 = tpu.vector_load_idx %arg7[%add3A_1612, %and3A_1615, %add3A_1710] : memref<24x8x125xf32, #tpu.memory_space<vmem>>[vector<16xi32>, vector<16xi32>, vector<16xi32>], vector<16xf32>,
    %add3A_1712 = arith.constant 24 : i32
    %add3A_1713 = vector.broadcast %add3A_1712 : i32 to vector<16xi32>
    %add3A_1714 = arith.addi %mul3A_335, %add3A_1713 : vector<16xi32>
    %gather3A_1715 = tpu.vector_load_idx %arg7[%add3A_1612, %and3A_1615, %add3A_1714] : memref<24x8x125xf32, #tpu.memory_space<vmem>>[vector<16xi32>, vector<16xi32>, vector<16xi32>], vector<16xf32>,
    %neg3A = arith.constant 0.000000e+00 : f32
    %neg3A_1716 = vector.broadcast %neg3A : f32 to vector<16xf32>
    %neg3A_1717 = arith.subf %neg3A_1716, %gather3A_1619 : vector<16xf32>
    %exp3A = math.exp %neg3A_1717 : vector<16xf32>
    %add3A_1718 = arith.constant 1.000000e+00 : f32
    %add3A_1719 = vector.broadcast %add3A_1718 : f32 to vector<16xf32>
    %add3A_1720 = arith.addf %add3A_1719, %exp3A : vector<16xf32>
    %div3A_1721 = arith.constant 1.000000e+00 : f32
    %div3A_1722 = vector.broadcast %div3A_1721 : f32 to vector<16xf32>
    %div3A_1723 = arith.divf %div3A_1722, %add3A_1720 : vector<16xf32>
    %neg3A_1724 = arith.constant 0.000000e+00 : f32
    %neg3A_1725 = vector.broadcast %neg3A_1724 : f32 to vector<16xf32>
    %neg3A_1726 = arith.subf %neg3A_1725, %gather3A_1623 : vector<16xf32>
    %exp3A_1727 = math.exp %neg3A_1726 : vector<16xf32>
    %add3A_1728 = arith.constant 1.000000e+00 : f32
    %add3A_1729 = vector.broadcast %add3A_1728 : f32 to vector<16xf32>
    %add3A_1730 = arith.addf %add3A_1729, %exp3A_1727 : vector<16xf32>
    %div3A_1731 = arith.constant 1.000000e+00 : f32
    %div3A_1732 = vector.broadcast %div3A_1731 : f32 to vector<16xf32>
    %div3A_1733 = arith.divf %div3A_1732, %add3A_1730 : vector<16xf32>
    %neg3A_1734 = arith.constant 0.000000e+00 : f32
    %neg3A_1735 = vector.broadcast %neg3A_1734 : f32 to vector<16xf32>
    %neg3A_1736 = arith.subf %neg3A_1735, %gather3A_1635 : vector<16xf32>
    %exp3A_1737 = math.exp %neg3A_1736 : vector<16xf32>
    %add3A_1738 = arith.constant 1.000000e+00 : f32
    %add3A_1739 = vector.broadcast %add3A_1738 : f32 to vector<16xf32>
    %add3A_1740 = arith.addf %add3A_1739, %exp3A_1737 : vector<16xf32>
    %div3A_1741 = arith.constant 1.000000e+00 : f32
    %div3A_1742 = vector.broadcast %div3A_1741 : f32 to vector<16xf32>
    %div3A_1743 = arith.divf %div3A_1742, %add3A_1740 : vector<16xf32>
    %sub3A_1744 = arith.subf %div3A_1723, %sub3A_189 : vector<16xf32>
    %mul3A_1745 = arith.mulf %sub3A_1744, %sub3A_1744 : vector<16xf32>
    %sub3A_1746 = arith.subf %div3A_1733, %sub3A_191 : vector<16xf32>
    %mul3A_1747 = arith.mulf %sub3A_1746, %sub3A_1746 : vector<16xf32>
    %add3A_1748 = arith.addf %mul3A_1745, %mul3A_1747 : vector<16xf32>
    %sub3A_1749 = arith.subf %gather3A_1627, %add3A_256 : vector<16xf32>
    %mul3A_1750 = arith.mulf %sub3A_1749, %sub3A_1749 : vector<16xf32>
    %add3A_1751 = arith.addf %add3A_1748, %mul3A_1750 : vector<16xf32>
    %sub3A_1752 = arith.subf %gather3A_1631, %add3A_325 : vector<16xf32>
    %mul3A_1753 = arith.mulf %sub3A_1752, %sub3A_1752 : vector<16xf32>
    %add3A_1754 = arith.addf %add3A_1751, %mul3A_1753 : vector<16xf32>
    %max3A_1755 = arith.maximumf %gather3A_1639, %gather3A_1643 : vector<16xf32>
    %max3A_1756 = arith.maximumf %max3A_1755, %gather3A_1647 : vector<16xf32>
    %max3A_1757 = arith.maximumf %max3A_1756, %gather3A_1651 : vector<16xf32>
    %max3A_1758 = arith.maximumf %max3A_1757, %gather3A_1655 : vector<16xf32>
    %max3A_1759 = arith.maximumf %max3A_1758, %gather3A_1659 : vector<16xf32>
    %max3A_1760 = arith.maximumf %max3A_1759, %gather3A_1663 : vector<16xf32>
    %max3A_1761 = arith.maximumf %max3A_1760, %gather3A_1667 : vector<16xf32>
    %max3A_1762 = arith.maximumf %max3A_1761, %gather3A_1671 : vector<16xf32>
    %max3A_1763 = arith.maximumf %max3A_1762, %gather3A_1675 : vector<16xf32>
    %max3A_1764 = arith.maximumf %max3A_1763, %gather3A_1679 : vector<16xf32>
    %max3A_1765 = arith.maximumf %max3A_1764, %gather3A_1683 : vector<16xf32>
    %max3A_1766 = arith.maximumf %max3A_1765, %gather3A_1687 : vector<16xf32>
    %max3A_1767 = arith.maximumf %max3A_1766, %gather3A_1691 : vector<16xf32>
    %max3A_1768 = arith.maximumf %max3A_1767, %gather3A_1695 : vector<16xf32>
    %max3A_1769 = arith.maximumf %max3A_1768, %gather3A_1699 : vector<16xf32>
    %max3A_1770 = arith.maximumf %max3A_1769, %gather3A_1703 : vector<16xf32>
    %max3A_1771 = arith.maximumf %max3A_1770, %gather3A_1707 : vector<16xf32>
    %max3A_1772 = arith.maximumf %max3A_1771, %gather3A_1711 : vector<16xf32>
    %max3A_1773 = arith.maximumf %max3A_1772, %gather3A_1715 : vector<16xf32>
    %broadcast_in_dim3A_1774 = arith.constant 0.000000e+00 : f32
    %broadcast_in_dim3A_1775 = vector.broadcast %broadcast_in_dim3A_1774 : f32 to vector<16xf32>
    %broadcast_in_dim3A_1776 = arith.constant 0.000000e+00 : f32
    %broadcast_in_dim3A_1777 = vector.broadcast %broadcast_in_dim3A_1776 : f32 to vector<16xf32>
    %sub3A_1778 = arith.subf %gather3A_1639, %max3A_1773 : vector<16xf32>
    %exp3A_1779 = math.exp %sub3A_1778 : vector<16xf32>
    %add3A_1780 = arith.addf %broadcast_in_dim3A_1775, %exp3A_1779 : vector<16xf32>
    %eq3A_1781 = arith.constant 0 : i32
    %eq3A_1782 = vector.broadcast %eq3A_1781 : i32 to vector<16xi32>
    %eq3A_1783 = arith.cmpi eq, %min3A_332, %eq3A_1782 : vector<16xi32>
    %jit3A_1784 = arith.constant 0.000000e+00 : f32
    %broadcast_in_dim3A_1785 = vector.broadcast %jit3A_1784 : f32 to vector<16xf32>
    %select_n3A_1786 = arith.select %eq3A_1783, %gather3A_1639, %broadcast_in_dim3A_1785 : vector<16xi1>, vector<16xf32>
    %add3A_1787 = arith.addf %broadcast_in_dim3A_1777, %select_n3A_1786 : vector<16xf32>
    %sub3A_1788 = arith.subf %gather3A_1643, %max3A_1773 : vector<16xf32>
    %exp3A_1789 = math.exp %sub3A_1788 : vector<16xf32>
    %add3A_1790 = arith.addf %add3A_1780, %exp3A_1789 : vector<16xf32>
    %eq3A_1791 = arith.constant 1 : i32
    %eq3A_1792 = vector.broadcast %eq3A_1791 : i32 to vector<16xi32>
    %eq3A_1793 = arith.cmpi eq, %min3A_332, %eq3A_1792 : vector<16xi32>
    %jit3A_1794 = arith.constant 0.000000e+00 : f32
    %broadcast_in_dim3A_1795 = vector.broadcast %jit3A_1794 : f32 to vector<16xf32>
    %select_n3A_1796 = arith.select %eq3A_1793, %gather3A_1643, %broadcast_in_dim3A_1795 : vector<16xi1>, vector<16xf32>
    %add3A_1797 = arith.addf %add3A_1787, %select_n3A_1796 : vector<16xf32>
    %sub3A_1798 = arith.subf %gather3A_1647, %max3A_1773 : vector<16xf32>
    %exp3A_1799 = math.exp %sub3A_1798 : vector<16xf32>
    %add3A_1800 = arith.addf %add3A_1790, %exp3A_1799 : vector<16xf32>
    %eq3A_1801 = arith.constant 2 : i32
    %eq3A_1802 = vector.broadcast %eq3A_1801 : i32 to vector<16xi32>
    %eq3A_1803 = arith.cmpi eq, %min3A_332, %eq3A_1802 : vector<16xi32>
    %jit3A_1804 = arith.constant 0.000000e+00 : f32
    %broadcast_in_dim3A_1805 = vector.broadcast %jit3A_1804 : f32 to vector<16xf32>
    %select_n3A_1806 = arith.select %eq3A_1803, %gather3A_1647, %broadcast_in_dim3A_1805 : vector<16xi1>, vector<16xf32>
    %add3A_1807 = arith.addf %add3A_1797, %select_n3A_1806 : vector<16xf32>
    %sub3A_1808 = arith.subf %gather3A_1651, %max3A_1773 : vector<16xf32>
    %exp3A_1809 = math.exp %sub3A_1808 : vector<16xf32>
    %add3A_1810 = arith.addf %add3A_1800, %exp3A_1809 : vector<16xf32>
    %eq3A_1811 = arith.constant 3 : i32
    %eq3A_1812 = vector.broadcast %eq3A_1811 : i32 to vector<16xi32>
    %eq3A_1813 = arith.cmpi eq, %min3A_332, %eq3A_1812 : vector<16xi32>
    %jit3A_1814 = arith.constant 0.000000e+00 : f32
    %broadcast_in_dim3A_1815 = vector.broadcast %jit3A_1814 : f32 to vector<16xf32>
    %select_n3A_1816 = arith.select %eq3A_1813, %gather3A_1651, %broadcast_in_dim3A_1815 : vector<16xi1>, vector<16xf32>
    %add3A_1817 = arith.addf %add3A_1807, %select_n3A_1816 : vector<16xf32>
    %sub3A_1818 = arith.subf %gather3A_1655, %max3A_1773 : vector<16xf32>
    %exp3A_1819 = math.exp %sub3A_1818 : vector<16xf32>
    %add3A_1820 = arith.addf %add3A_1810, %exp3A_1819 : vector<16xf32>
    %eq3A_1821 = arith.constant 4 : i32
    %eq3A_1822 = vector.broadcast %eq3A_1821 : i32 to vector<16xi32>
    %eq3A_1823 = arith.cmpi eq, %min3A_332, %eq3A_1822 : vector<16xi32>
    %jit3A_1824 = arith.constant 0.000000e+00 : f32
    %broadcast_in_dim3A_1825 = vector.broadcast %jit3A_1824 : f32 to vector<16xf32>
    %select_n3A_1826 = arith.select %eq3A_1823, %gather3A_1655, %broadcast_in_dim3A_1825 : vector<16xi1>, vector<16xf32>
    %add3A_1827 = arith.addf %add3A_1817, %select_n3A_1826 : vector<16xf32>
    %sub3A_1828 = arith.subf %gather3A_1659, %max3A_1773 : vector<16xf32>
    %exp3A_1829 = math.exp %sub3A_1828 : vector<16xf32>
    %add3A_1830 = arith.addf %add3A_1820, %exp3A_1829 : vector<16xf32>
    %eq3A_1831 = arith.constant 5 : i32
    %eq3A_1832 = vector.broadcast %eq3A_1831 : i32 to vector<16xi32>
    %eq3A_1833 = arith.cmpi eq, %min3A_332, %eq3A_1832 : vector<16xi32>
    %jit3A_1834 = arith.constant 0.000000e+00 : f32
    %broadcast_in_dim3A_1835 = vector.broadcast %jit3A_1834 : f32 to vector<16xf32>
    %select_n3A_1836 = arith.select %eq3A_1833, %gather3A_1659, %broadcast_in_dim3A_1835 : vector<16xi1>, vector<16xf32>
    %add3A_1837 = arith.addf %add3A_1827, %select_n3A_1836 : vector<16xf32>
    %sub3A_1838 = arith.subf %gather3A_1663, %max3A_1773 : vector<16xf32>
    %exp3A_1839 = math.exp %sub3A_1838 : vector<16xf32>
    %add3A_1840 = arith.addf %add3A_1830, %exp3A_1839 : vector<16xf32>
    %eq3A_1841 = arith.constant 6 : i32
    %eq3A_1842 = vector.broadcast %eq3A_1841 : i32 to vector<16xi32>
    %eq3A_1843 = arith.cmpi eq, %min3A_332, %eq3A_1842 : vector<16xi32>
    %jit3A_1844 = arith.constant 0.000000e+00 : f32
    %broadcast_in_dim3A_1845 = vector.broadcast %jit3A_1844 : f32 to vector<16xf32>
    %select_n3A_1846 = arith.select %eq3A_1843, %gather3A_1663, %broadcast_in_dim3A_1845 : vector<16xi1>, vector<16xf32>
    %add3A_1847 = arith.addf %add3A_1837, %select_n3A_1846 : vector<16xf32>
    %sub3A_1848 = arith.subf %gather3A_1667, %max3A_1773 : vector<16xf32>
    %exp3A_1849 = math.exp %sub3A_1848 : vector<16xf32>
    %add3A_1850 = arith.addf %add3A_1840, %exp3A_1849 : vector<16xf32>
    %eq3A_1851 = arith.constant 7 : i32
    %eq3A_1852 = vector.broadcast %eq3A_1851 : i32 to vector<16xi32>
    %eq3A_1853 = arith.cmpi eq, %min3A_332, %eq3A_1852 : vector<16xi32>
    %jit3A_1854 = arith.constant 0.000000e+00 : f32
    %broadcast_in_dim3A_1855 = vector.broadcast %jit3A_1854 : f32 to vector<16xf32>
    %select_n3A_1856 = arith.select %eq3A_1853, %gather3A_1667, %broadcast_in_dim3A_1855 : vector<16xi1>, vector<16xf32>
    %add3A_1857 = arith.addf %add3A_1847, %select_n3A_1856 : vector<16xf32>
    %sub3A_1858 = arith.subf %gather3A_1671, %max3A_1773 : vector<16xf32>
    %exp3A_1859 = math.exp %sub3A_1858 : vector<16xf32>
    %add3A_1860 = arith.addf %add3A_1850, %exp3A_1859 : vector<16xf32>
    %eq3A_1861 = arith.constant 8 : i32
    %eq3A_1862 = vector.broadcast %eq3A_1861 : i32 to vector<16xi32>
    %eq3A_1863 = arith.cmpi eq, %min3A_332, %eq3A_1862 : vector<16xi32>
    %jit3A_1864 = arith.constant 0.000000e+00 : f32
    %broadcast_in_dim3A_1865 = vector.broadcast %jit3A_1864 : f32 to vector<16xf32>
    %select_n3A_1866 = arith.select %eq3A_1863, %gather3A_1671, %broadcast_in_dim3A_1865 : vector<16xi1>, vector<16xf32>
    %add3A_1867 = arith.addf %add3A_1857, %select_n3A_1866 : vector<16xf32>
    %sub3A_1868 = arith.subf %gather3A_1675, %max3A_1773 : vector<16xf32>
    %exp3A_1869 = math.exp %sub3A_1868 : vector<16xf32>
    %add3A_1870 = arith.addf %add3A_1860, %exp3A_1869 : vector<16xf32>
    %eq3A_1871 = arith.constant 9 : i32
    %eq3A_1872 = vector.broadcast %eq3A_1871 : i32 to vector<16xi32>
    %eq3A_1873 = arith.cmpi eq, %min3A_332, %eq3A_1872 : vector<16xi32>
    %jit3A_1874 = arith.constant 0.000000e+00 : f32
    %broadcast_in_dim3A_1875 = vector.broadcast %jit3A_1874 : f32 to vector<16xf32>
    %select_n3A_1876 = arith.select %eq3A_1873, %gather3A_1675, %broadcast_in_dim3A_1875 : vector<16xi1>, vector<16xf32>
    %add3A_1877 = arith.addf %add3A_1867, %select_n3A_1876 : vector<16xf32>
    %sub3A_1878 = arith.subf %gather3A_1679, %max3A_1773 : vector<16xf32>
    %exp3A_1879 = math.exp %sub3A_1878 : vector<16xf32>
    %add3A_1880 = arith.addf %add3A_1870, %exp3A_1879 : vector<16xf32>
    %eq3A_1881 = arith.constant 10 : i32
    %eq3A_1882 = vector.broadcast %eq3A_1881 : i32 to vector<16xi32>
    %eq3A_1883 = arith.cmpi eq, %min3A_332, %eq3A_1882 : vector<16xi32>
    %jit3A_1884 = arith.constant 0.000000e+00 : f32
    %broadcast_in_dim3A_1885 = vector.broadcast %jit3A_1884 : f32 to vector<16xf32>
    %select_n3A_1886 = arith.select %eq3A_1883, %gather3A_1679, %broadcast_in_dim3A_1885 : vector<16xi1>, vector<16xf32>
    %add3A_1887 = arith.addf %add3A_1877, %select_n3A_1886 : vector<16xf32>
    %sub3A_1888 = arith.subf %gather3A_1683, %max3A_1773 : vector<16xf32>
    %exp3A_1889 = math.exp %sub3A_1888 : vector<16xf32>
    %add3A_1890 = arith.addf %add3A_1880, %exp3A_1889 : vector<16xf32>
    %eq3A_1891 = arith.constant 11 : i32
    %eq3A_1892 = vector.broadcast %eq3A_1891 : i32 to vector<16xi32>
    %eq3A_1893 = arith.cmpi eq, %min3A_332, %eq3A_1892 : vector<16xi32>
    %jit3A_1894 = arith.constant 0.000000e+00 : f32
    %broadcast_in_dim3A_1895 = vector.broadcast %jit3A_1894 : f32 to vector<16xf32>
    %select_n3A_1896 = arith.select %eq3A_1893, %gather3A_1683, %broadcast_in_dim3A_1895 : vector<16xi1>, vector<16xf32>
    %add3A_1897 = arith.addf %add3A_1887, %select_n3A_1896 : vector<16xf32>
    %sub3A_1898 = arith.subf %gather3A_1687, %max3A_1773 : vector<16xf32>
    %exp3A_1899 = math.exp %sub3A_1898 : vector<16xf32>
    %add3A_1900 = arith.addf %add3A_1890, %exp3A_1899 : vector<16xf32>
    %eq3A_1901 = arith.constant 12 : i32
    %eq3A_1902 = vector.broadcast %eq3A_1901 : i32 to vector<16xi32>
    %eq3A_1903 = arith.cmpi eq, %min3A_332, %eq3A_1902 : vector<16xi32>
    %jit3A_1904 = arith.constant 0.000000e+00 : f32
    %broadcast_in_dim3A_1905 = vector.broadcast %jit3A_1904 : f32 to vector<16xf32>
    %select_n3A_1906 = arith.select %eq3A_1903, %gather3A_1687, %broadcast_in_dim3A_1905 : vector<16xi1>, vector<16xf32>
    %add3A_1907 = arith.addf %add3A_1897, %select_n3A_1906 : vector<16xf32>
    %sub3A_1908 = arith.subf %gather3A_1691, %max3A_1773 : vector<16xf32>
    %exp3A_1909 = math.exp %sub3A_1908 : vector<16xf32>
    %add3A_1910 = arith.addf %add3A_1900, %exp3A_1909 : vector<16xf32>
    %eq3A_1911 = arith.constant 13 : i32
    %eq3A_1912 = vector.broadcast %eq3A_1911 : i32 to vector<16xi32>
    %eq3A_1913 = arith.cmpi eq, %min3A_332, %eq3A_1912 : vector<16xi32>
    %jit3A_1914 = arith.constant 0.000000e+00 : f32
    %broadcast_in_dim3A_1915 = vector.broadcast %jit3A_1914 : f32 to vector<16xf32>
    %select_n3A_1916 = arith.select %eq3A_1913, %gather3A_1691, %broadcast_in_dim3A_1915 : vector<16xi1>, vector<16xf32>
    %add3A_1917 = arith.addf %add3A_1907, %select_n3A_1916 : vector<16xf32>
    %sub3A_1918 = arith.subf %gather3A_1695, %max3A_1773 : vector<16xf32>
    %exp3A_1919 = math.exp %sub3A_1918 : vector<16xf32>
    %add3A_1920 = arith.addf %add3A_1910, %exp3A_1919 : vector<16xf32>
    %eq3A_1921 = arith.constant 14 : i32
    %eq3A_1922 = vector.broadcast %eq3A_1921 : i32 to vector<16xi32>
    %eq3A_1923 = arith.cmpi eq, %min3A_332, %eq3A_1922 : vector<16xi32>
    %jit3A_1924 = arith.constant 0.000000e+00 : f32
    %broadcast_in_dim3A_1925 = vector.broadcast %jit3A_1924 : f32 to vector<16xf32>
    %select_n3A_1926 = arith.select %eq3A_1923, %gather3A_1695, %broadcast_in_dim3A_1925 : vector<16xi1>, vector<16xf32>
    %add3A_1927 = arith.addf %add3A_1917, %select_n3A_1926 : vector<16xf32>
    %sub3A_1928 = arith.subf %gather3A_1699, %max3A_1773 : vector<16xf32>
    %exp3A_1929 = math.exp %sub3A_1928 : vector<16xf32>
    %add3A_1930 = arith.addf %add3A_1920, %exp3A_1929 : vector<16xf32>
    %eq3A_1931 = arith.constant 15 : i32
    %eq3A_1932 = vector.broadcast %eq3A_1931 : i32 to vector<16xi32>
    %eq3A_1933 = arith.cmpi eq, %min3A_332, %eq3A_1932 : vector<16xi32>
    %jit3A_1934 = arith.constant 0.000000e+00 : f32
    %broadcast_in_dim3A_1935 = vector.broadcast %jit3A_1934 : f32 to vector<16xf32>
    %select_n3A_1936 = arith.select %eq3A_1933, %gather3A_1699, %broadcast_in_dim3A_1935 : vector<16xi1>, vector<16xf32>
    %add3A_1937 = arith.addf %add3A_1927, %select_n3A_1936 : vector<16xf32>
    %sub3A_1938 = arith.subf %gather3A_1703, %max3A_1773 : vector<16xf32>
    %exp3A_1939 = math.exp %sub3A_1938 : vector<16xf32>
    %add3A_1940 = arith.addf %add3A_1930, %exp3A_1939 : vector<16xf32>
    %eq3A_1941 = arith.constant 16 : i32
    %eq3A_1942 = vector.broadcast %eq3A_1941 : i32 to vector<16xi32>
    %eq3A_1943 = arith.cmpi eq, %min3A_332, %eq3A_1942 : vector<16xi32>
    %jit3A_1944 = arith.constant 0.000000e+00 : f32
    %broadcast_in_dim3A_1945 = vector.broadcast %jit3A_1944 : f32 to vector<16xf32>
    %select_n3A_1946 = arith.select %eq3A_1943, %gather3A_1703, %broadcast_in_dim3A_1945 : vector<16xi1>, vector<16xf32>
    %add3A_1947 = arith.addf %add3A_1937, %select_n3A_1946 : vector<16xf32>
    %sub3A_1948 = arith.subf %gather3A_1707, %max3A_1773 : vector<16xf32>
    %exp3A_1949 = math.exp %sub3A_1948 : vector<16xf32>
    %add3A_1950 = arith.addf %add3A_1940, %exp3A_1949 : vector<16xf32>
    %eq3A_1951 = arith.constant 17 : i32
    %eq3A_1952 = vector.broadcast %eq3A_1951 : i32 to vector<16xi32>
    %eq3A_1953 = arith.cmpi eq, %min3A_332, %eq3A_1952 : vector<16xi32>
    %jit3A_1954 = arith.constant 0.000000e+00 : f32
    %broadcast_in_dim3A_1955 = vector.broadcast %jit3A_1954 : f32 to vector<16xf32>
    %select_n3A_1956 = arith.select %eq3A_1953, %gather3A_1707, %broadcast_in_dim3A_1955 : vector<16xi1>, vector<16xf32>
    %add3A_1957 = arith.addf %add3A_1947, %select_n3A_1956 : vector<16xf32>
    %sub3A_1958 = arith.subf %gather3A_1711, %max3A_1773 : vector<16xf32>
    %exp3A_1959 = math.exp %sub3A_1958 : vector<16xf32>
    %add3A_1960 = arith.addf %add3A_1950, %exp3A_1959 : vector<16xf32>
    %eq3A_1961 = arith.constant 18 : i32
    %eq3A_1962 = vector.broadcast %eq3A_1961 : i32 to vector<16xi32>
    %eq3A_1963 = arith.cmpi eq, %min3A_332, %eq3A_1962 : vector<16xi32>
    %jit3A_1964 = arith.constant 0.000000e+00 : f32
    %broadcast_in_dim3A_1965 = vector.broadcast %jit3A_1964 : f32 to vector<16xf32>
    %select_n3A_1966 = arith.select %eq3A_1963, %gather3A_1711, %broadcast_in_dim3A_1965 : vector<16xi1>, vector<16xf32>
    %add3A_1967 = arith.addf %add3A_1957, %select_n3A_1966 : vector<16xf32>
    %sub3A_1968 = arith.subf %gather3A_1715, %max3A_1773 : vector<16xf32>
    %exp3A_1969 = math.exp %sub3A_1968 : vector<16xf32>
    %add3A_1970 = arith.addf %add3A_1960, %exp3A_1969 : vector<16xf32>
    %eq3A_1971 = arith.constant 19 : i32
    %eq3A_1972 = vector.broadcast %eq3A_1971 : i32 to vector<16xi32>
    %eq3A_1973 = arith.cmpi eq, %min3A_332, %eq3A_1972 : vector<16xi32>
    %jit3A_1974 = arith.constant 0.000000e+00 : f32
    %broadcast_in_dim3A_1975 = vector.broadcast %jit3A_1974 : f32 to vector<16xf32>
    %select_n3A_1976 = arith.select %eq3A_1973, %gather3A_1715, %broadcast_in_dim3A_1975 : vector<16xi1>, vector<16xf32>
    %add3A_1977 = arith.addf %add3A_1967, %select_n3A_1976 : vector<16xf32>
    %bitcast3A_1978 = vector.bitcast %add3A_1970 : vector<16xf32> to vector<16xi32>
    %shift_right_arithmetic3A_1979 = arith.constant 23 : i32
    %shift_right_arithmetic3A_1980 = vector.broadcast %shift_right_arithmetic3A_1979 : i32 to vector<16xi32>
    %shift_right_arithmetic3A_1981 = arith.shrsi %bitcast3A_1978, %shift_right_arithmetic3A_1980 : vector<16xi32>
    %and3A_1982 = arith.constant 255 : i32
    %and3A_1983 = vector.broadcast %and3A_1982 : i32 to vector<16xi32>
    %and3A_1984 = arith.andi %shift_right_arithmetic3A_1981, %and3A_1983 : vector<16xi32>
    %sub3A_1985 = arith.constant 127 : i32
    %sub3A_1986 = vector.broadcast %sub3A_1985 : i32 to vector<16xi32>
    %sub3A_1987 = arith.subi %and3A_1984, %sub3A_1986 : vector<16xi32>
    %and3A_1988 = arith.constant 8388607 : i32
    %and3A_1989 = vector.broadcast %and3A_1988 : i32 to vector<16xi32>
    %and3A_1990 = arith.andi %bitcast3A_1978, %and3A_1989 : vector<16xi32>
    %or3A_1991 = arith.constant 1065353216 : i32
    %or3A_1992 = vector.broadcast %or3A_1991 : i32 to vector<16xi32>
    %or3A_1993 = arith.ori %and3A_1990, %or3A_1992 : vector<16xi32>
    %bitcast3A_1994 = vector.bitcast %or3A_1993 : vector<16xi32> to vector<16xf32>
    %gt3A_1995 = arith.constant 1.41421354 : f32
    %gt3A_1996 = vector.broadcast %gt3A_1995 : f32 to vector<16xf32>
    %gt3A_1997 = arith.cmpf ogt, %bitcast3A_1994, %gt3A_1996 : vector<16xf32>
    %mul3A_1998 = arith.constant 5.000000e-01 : f32
    %mul3A_1999 = vector.broadcast %mul3A_1998 : f32 to vector<16xf32>
    %mul3A_2000 = arith.mulf %bitcast3A_1994, %mul3A_1999 : vector<16xf32>
    %select_n3A_2001 = arith.select %gt3A_1997, %mul3A_2000, %bitcast3A_1994 : vector<16xi1>, vector<16xf32>
    %jit3A_2002 = arith.constant 1 : i32
    %jit3A_2003 = arith.constant 0 : i32
    %broadcast_in_dim3A_2004 = vector.broadcast %jit3A_2002 : i32 to vector<16xi32>
    %broadcast_in_dim3A_2005 = vector.broadcast %jit3A_2003 : i32 to vector<16xi32>
    %select_n3A_2006 = arith.select %gt3A_1997, %broadcast_in_dim3A_2004, %broadcast_in_dim3A_2005 : vector<16xi1>, vector<16xi32>
    %add3A_2007 = arith.addi %sub3A_1987, %select_n3A_2006 : vector<16xi32>
    %sub3A_2008 = arith.constant 1.000000e+00 : f32
    %sub3A_2009 = vector.broadcast %sub3A_2008 : f32 to vector<16xf32>
    %sub3A_2010 = arith.subf %select_n3A_2001, %sub3A_2009 : vector<16xf32>
    %add3A_2011 = arith.constant 1.000000e+00 : f32
    %add3A_2012 = vector.broadcast %add3A_2011 : f32 to vector<16xf32>
    %add3A_2013 = arith.addf %select_n3A_2001, %add3A_2012 : vector<16xf32>
    %div3A_2014 = arith.divf %sub3A_2010, %add3A_2013 : vector<16xf32>
    %mul3A_2015 = arith.mulf %div3A_2014, %div3A_2014 : vector<16xf32>
    %mul3A_2016 = arith.constant 0.111111112 : f32
    %mul3A_2017 = vector.broadcast %mul3A_2016 : f32 to vector<16xf32>
    %mul3A_2018 = arith.mulf %mul3A_2015, %mul3A_2017 : vector<16xf32>
    %add3A_2019 = arith.constant 0.142857149 : f32
    %add3A_2020 = vector.broadcast %add3A_2019 : f32 to vector<16xf32>
    %add3A_2021 = arith.addf %add3A_2020, %mul3A_2018 : vector<16xf32>
    %mul3A_2022 = arith.mulf %mul3A_2015, %add3A_2021 : vector<16xf32>
    %add3A_2023 = arith.constant 2.000000e-01 : f32
    %add3A_2024 = vector.broadcast %add3A_2023 : f32 to vector<16xf32>
    %add3A_2025 = arith.addf %add3A_2024, %mul3A_2022 : vector<16xf32>
    %mul3A_2026 = arith.mulf %mul3A_2015, %add3A_2025 : vector<16xf32>
    %add3A_2027 = arith.constant 0.333333343 : f32
    %add3A_2028 = vector.broadcast %add3A_2027 : f32 to vector<16xf32>
    %add3A_2029 = arith.addf %add3A_2028, %mul3A_2026 : vector<16xf32>
    %mul3A_2030 = arith.constant 2.000000e+00 : f32
    %mul3A_2031 = vector.broadcast %mul3A_2030 : f32 to vector<16xf32>
    %mul3A_2032 = arith.mulf %mul3A_2031, %div3A_2014 : vector<16xf32>
    %mul3A_2033 = arith.mulf %mul3A_2015, %add3A_2029 : vector<16xf32>
    %add3A_2034 = arith.constant 1.000000e+00 : f32
    %add3A_2035 = vector.broadcast %add3A_2034 : f32 to vector<16xf32>
    %add3A_2036 = arith.addf %add3A_2035, %mul3A_2033 : vector<16xf32>
    %mul3A_2037 = arith.mulf %mul3A_2032, %add3A_2036 : vector<16xf32>
    %convert_element_type3A_2038 = arith.sitofp %add3A_2007 : vector<16xi32> to vector<16xf32>
    %mul3A_2039 = arith.constant 0.693147182 : f32
    %mul3A_2040 = vector.broadcast %mul3A_2039 : f32 to vector<16xf32>
    %mul3A_2041 = arith.mulf %convert_element_type3A_2038, %mul3A_2040 : vector<16xf32>
    %add3A_2042 = arith.addf %mul3A_2041, %mul3A_2037 : vector<16xf32>
    %add3A_2043 = arith.addf %max3A_1773, %add3A_2042 : vector<16xf32>
    %mul3A_2044 = arith.constant 5.000000e+00 : f32
    %mul3A_2045 = vector.broadcast %mul3A_2044 : f32 to vector<16xf32>
    %mul3A_2046 = arith.mulf %mul3A_2045, %add3A_1754 : vector<16xf32>
    %sub3A_2047 = arith.constant 1.000000e+00 : f32
    %sub3A_2048 = vector.broadcast %sub3A_2047 : f32 to vector<16xf32>
    %sub3A_2049 = arith.subf %div3A_1743, %sub3A_2048 : vector<16xf32>
    %mul3A_2050 = arith.mulf %sub3A_2049, %sub3A_2049 : vector<16xf32>
    %mul3A_2051 = arith.constant 1.000000e+00 : f32
    %mul3A_2052 = vector.broadcast %mul3A_2051 : f32 to vector<16xf32>
    %mul3A_2053 = arith.mulf %mul3A_2052, %mul3A_2050 : vector<16xf32>
    %add3A_2054 = arith.addf %mul3A_2046, %mul3A_2053 : vector<16xf32>
    %mul3A_2055 = arith.constant 5.000000e-01 : f32
    %mul3A_2056 = vector.broadcast %mul3A_2055 : f32 to vector<16xf32>
    %mul3A_2057 = arith.mulf %mul3A_2056, %div3A_1743 : vector<16xf32>
    %mul3A_2058 = arith.mulf %mul3A_2057, %div3A_1743 : vector<16xf32>
    %sub3A_2059 = arith.subf %add3A_2054, %mul3A_2058 : vector<16xf32>
    %sub3A_2060 = arith.subf %add3A_2043, %add3A_1977 : vector<16xf32>
    %mul3A_2061 = arith.constant 1.000000e+00 : f32
    %mul3A_2062 = vector.broadcast %mul3A_2061 : f32 to vector<16xf32>
    %mul3A_2063 = arith.mulf %mul3A_2062, %sub3A_2060 : vector<16xf32>
    %add3A_2064 = arith.addf %sub3A_2059, %mul3A_2063 : vector<16xf32>
    %jit3A_2065 = arith.constant 0.000000e+00 : f32
    %broadcast_in_dim3A_2066 = vector.broadcast %jit3A_2065 : f32 to vector<16xf32>
    %select_n3A_2067 = arith.select %eq3A_798, %add3A_2064, %broadcast_in_dim3A_2066 : vector<16xi1>, vector<16xf32>
    %iota3A_2068 = tpu.iota {dimensions = array<i32: 0>} : vector<16xi32>
    %add3A_2069 = arith.constant 16 : i32
    %add3A_2070 = vector.broadcast %add3A_2069 : i32 to vector<16xi32>
    %add3A_2071 = arith.addi %iota3A_2068, %add3A_2070 : vector<16xi32>
    %and3A_2072 = arith.constant 7 : i32
    %and3A_2073 = vector.broadcast %and3A_2072 : i32 to vector<16xi32>
    %and3A_2074 = arith.andi %min3A_382, %and3A_2073 : vector<16xi32>
    %add3A_2075 = arith.constant 0 : i32
    %add3A_2076 = vector.broadcast %add3A_2075 : i32 to vector<16xi32>
    %add3A_2077 = arith.addi %mul3A_693, %add3A_2076 : vector<16xi32>
    %gather3A_2078 = tpu.vector_load_idx %arg7[%add3A_2071, %and3A_2074, %add3A_2077] : memref<24x8x125xf32, #tpu.memory_space<vmem>>[vector<16xi32>, vector<16xi32>, vector<16xi32>], vector<16xf32>,
    %add3A_2079 = arith.constant 1 : i32
    %add3A_2080 = vector.broadcast %add3A_2079 : i32 to vector<16xi32>
    %add3A_2081 = arith.addi %mul3A_693, %add3A_2080 : vector<16xi32>
    %gather3A_2082 = tpu.vector_load_idx %arg7[%add3A_2071, %and3A_2074, %add3A_2081] : memref<24x8x125xf32, #tpu.memory_space<vmem>>[vector<16xi32>, vector<16xi32>, vector<16xi32>], vector<16xf32>,
    %add3A_2083 = arith.constant 2 : i32
    %add3A_2084 = vector.broadcast %add3A_2083 : i32 to vector<16xi32>
    %add3A_2085 = arith.addi %mul3A_693, %add3A_2084 : vector<16xi32>
    %gather3A_2086 = tpu.vector_load_idx %arg7[%add3A_2071, %and3A_2074, %add3A_2085] : memref<24x8x125xf32, #tpu.memory_space<vmem>>[vector<16xi32>, vector<16xi32>, vector<16xi32>], vector<16xf32>,
    %add3A_2087 = arith.constant 3 : i32
    %add3A_2088 = vector.broadcast %add3A_2087 : i32 to vector<16xi32>
    %add3A_2089 = arith.addi %mul3A_693, %add3A_2088 : vector<16xi32>
    %gather3A_2090 = tpu.vector_load_idx %arg7[%add3A_2071, %and3A_2074, %add3A_2089] : memref<24x8x125xf32, #tpu.memory_space<vmem>>[vector<16xi32>, vector<16xi32>, vector<16xi32>], vector<16xf32>,
    %add3A_2091 = arith.constant 4 : i32
    %add3A_2092 = vector.broadcast %add3A_2091 : i32 to vector<16xi32>
    %add3A_2093 = arith.addi %mul3A_693, %add3A_2092 : vector<16xi32>
    %gather3A_2094 = tpu.vector_load_idx %arg7[%add3A_2071, %and3A_2074, %add3A_2093] : memref<24x8x125xf32, #tpu.memory_space<vmem>>[vector<16xi32>, vector<16xi32>, vector<16xi32>], vector<16xf32>,
    %add3A_2095 = arith.constant 5 : i32
    %add3A_2096 = vector.broadcast %add3A_2095 : i32 to vector<16xi32>
    %add3A_2097 = arith.addi %mul3A_693, %add3A_2096 : vector<16xi32>
    %gather3A_2098 = tpu.vector_load_idx %arg7[%add3A_2071, %and3A_2074, %add3A_2097] : memref<24x8x125xf32, #tpu.memory_space<vmem>>[vector<16xi32>, vector<16xi32>, vector<16xi32>], vector<16xf32>,
    %add3A_2099 = arith.constant 6 : i32
    %add3A_2100 = vector.broadcast %add3A_2099 : i32 to vector<16xi32>
    %add3A_2101 = arith.addi %mul3A_693, %add3A_2100 : vector<16xi32>
    %gather3A_2102 = tpu.vector_load_idx %arg7[%add3A_2071, %and3A_2074, %add3A_2101] : memref<24x8x125xf32, #tpu.memory_space<vmem>>[vector<16xi32>, vector<16xi32>, vector<16xi32>], vector<16xf32>,
    %add3A_2103 = arith.constant 7 : i32
    %add3A_2104 = vector.broadcast %add3A_2103 : i32 to vector<16xi32>
    %add3A_2105 = arith.addi %mul3A_693, %add3A_2104 : vector<16xi32>
    %gather3A_2106 = tpu.vector_load_idx %arg7[%add3A_2071, %and3A_2074, %add3A_2105] : memref<24x8x125xf32, #tpu.memory_space<vmem>>[vector<16xi32>, vector<16xi32>, vector<16xi32>], vector<16xf32>,
    %add3A_2107 = arith.constant 8 : i32
    %add3A_2108 = vector.broadcast %add3A_2107 : i32 to vector<16xi32>
    %add3A_2109 = arith.addi %mul3A_693, %add3A_2108 : vector<16xi32>
    %gather3A_2110 = tpu.vector_load_idx %arg7[%add3A_2071, %and3A_2074, %add3A_2109] : memref<24x8x125xf32, #tpu.memory_space<vmem>>[vector<16xi32>, vector<16xi32>, vector<16xi32>], vector<16xf32>,
    %add3A_2111 = arith.constant 9 : i32
    %add3A_2112 = vector.broadcast %add3A_2111 : i32 to vector<16xi32>
    %add3A_2113 = arith.addi %mul3A_693, %add3A_2112 : vector<16xi32>
    %gather3A_2114 = tpu.vector_load_idx %arg7[%add3A_2071, %and3A_2074, %add3A_2113] : memref<24x8x125xf32, #tpu.memory_space<vmem>>[vector<16xi32>, vector<16xi32>, vector<16xi32>], vector<16xf32>,
    %add3A_2115 = arith.constant 10 : i32
    %add3A_2116 = vector.broadcast %add3A_2115 : i32 to vector<16xi32>
    %add3A_2117 = arith.addi %mul3A_693, %add3A_2116 : vector<16xi32>
    %gather3A_2118 = tpu.vector_load_idx %arg7[%add3A_2071, %and3A_2074, %add3A_2117] : memref<24x8x125xf32, #tpu.memory_space<vmem>>[vector<16xi32>, vector<16xi32>, vector<16xi32>], vector<16xf32>,
    %add3A_2119 = arith.constant 11 : i32
    %add3A_2120 = vector.broadcast %add3A_2119 : i32 to vector<16xi32>
    %add3A_2121 = arith.addi %mul3A_693, %add3A_2120 : vector<16xi32>
    %gather3A_2122 = tpu.vector_load_idx %arg7[%add3A_2071, %and3A_2074, %add3A_2121] : memref<24x8x125xf32, #tpu.memory_space<vmem>>[vector<16xi32>, vector<16xi32>, vector<16xi32>], vector<16xf32>,
    %add3A_2123 = arith.constant 12 : i32
    %add3A_2124 = vector.broadcast %add3A_2123 : i32 to vector<16xi32>
    %add3A_2125 = arith.addi %mul3A_693, %add3A_2124 : vector<16xi32>
    %gather3A_2126 = tpu.vector_load_idx %arg7[%add3A_2071, %and3A_2074, %add3A_2125] : memref<24x8x125xf32, #tpu.memory_space<vmem>>[vector<16xi32>, vector<16xi32>, vector<16xi32>], vector<16xf32>,
    %add3A_2127 = arith.constant 13 : i32
    %add3A_2128 = vector.broadcast %add3A_2127 : i32 to vector<16xi32>
    %add3A_2129 = arith.addi %mul3A_693, %add3A_2128 : vector<16xi32>
    %gather3A_2130 = tpu.vector_load_idx %arg7[%add3A_2071, %and3A_2074, %add3A_2129] : memref<24x8x125xf32, #tpu.memory_space<vmem>>[vector<16xi32>, vector<16xi32>, vector<16xi32>], vector<16xf32>,
    %add3A_2131 = arith.constant 14 : i32
    %add3A_2132 = vector.broadcast %add3A_2131 : i32 to vector<16xi32>
    %add3A_2133 = arith.addi %mul3A_693, %add3A_2132 : vector<16xi32>
    %gather3A_2134 = tpu.vector_load_idx %arg7[%add3A_2071, %and3A_2074, %add3A_2133] : memref<24x8x125xf32, #tpu.memory_space<vmem>>[vector<16xi32>, vector<16xi32>, vector<16xi32>], vector<16xf32>,
    %add3A_2135 = arith.constant 15 : i32
    %add3A_2136 = vector.broadcast %add3A_2135 : i32 to vector<16xi32>
    %add3A_2137 = arith.addi %mul3A_693, %add3A_2136 : vector<16xi32>
    %gather3A_2138 = tpu.vector_load_idx %arg7[%add3A_2071, %and3A_2074, %add3A_2137] : memref<24x8x125xf32, #tpu.memory_space<vmem>>[vector<16xi32>, vector<16xi32>, vector<16xi32>], vector<16xf32>,
    %add3A_2139 = arith.constant 16 : i32
    %add3A_2140 = vector.broadcast %add3A_2139 : i32 to vector<16xi32>
    %add3A_2141 = arith.addi %mul3A_693, %add3A_2140 : vector<16xi32>
    %gather3A_2142 = tpu.vector_load_idx %arg7[%add3A_2071, %and3A_2074, %add3A_2141] : memref<24x8x125xf32, #tpu.memory_space<vmem>>[vector<16xi32>, vector<16xi32>, vector<16xi32>], vector<16xf32>,
    %add3A_2143 = arith.constant 17 : i32
    %add3A_2144 = vector.broadcast %add3A_2143 : i32 to vector<16xi32>
    %add3A_2145 = arith.addi %mul3A_693, %add3A_2144 : vector<16xi32>
    %gather3A_2146 = tpu.vector_load_idx %arg7[%add3A_2071, %and3A_2074, %add3A_2145] : memref<24x8x125xf32, #tpu.memory_space<vmem>>[vector<16xi32>, vector<16xi32>, vector<16xi32>], vector<16xf32>,
    %add3A_2147 = arith.constant 18 : i32
    %add3A_2148 = vector.broadcast %add3A_2147 : i32 to vector<16xi32>
    %add3A_2149 = arith.addi %mul3A_693, %add3A_2148 : vector<16xi32>
    %gather3A_2150 = tpu.vector_load_idx %arg7[%add3A_2071, %and3A_2074, %add3A_2149] : memref<24x8x125xf32, #tpu.memory_space<vmem>>[vector<16xi32>, vector<16xi32>, vector<16xi32>], vector<16xf32>,
    %add3A_2151 = arith.constant 19 : i32
    %add3A_2152 = vector.broadcast %add3A_2151 : i32 to vector<16xi32>
    %add3A_2153 = arith.addi %mul3A_693, %add3A_2152 : vector<16xi32>
    %gather3A_2154 = tpu.vector_load_idx %arg7[%add3A_2071, %and3A_2074, %add3A_2153] : memref<24x8x125xf32, #tpu.memory_space<vmem>>[vector<16xi32>, vector<16xi32>, vector<16xi32>], vector<16xf32>,
    %add3A_2155 = arith.constant 20 : i32
    %add3A_2156 = vector.broadcast %add3A_2155 : i32 to vector<16xi32>
    %add3A_2157 = arith.addi %mul3A_693, %add3A_2156 : vector<16xi32>
    %gather3A_2158 = tpu.vector_load_idx %arg7[%add3A_2071, %and3A_2074, %add3A_2157] : memref<24x8x125xf32, #tpu.memory_space<vmem>>[vector<16xi32>, vector<16xi32>, vector<16xi32>], vector<16xf32>,
    %add3A_2159 = arith.constant 21 : i32
    %add3A_2160 = vector.broadcast %add3A_2159 : i32 to vector<16xi32>
    %add3A_2161 = arith.addi %mul3A_693, %add3A_2160 : vector<16xi32>
    %gather3A_2162 = tpu.vector_load_idx %arg7[%add3A_2071, %and3A_2074, %add3A_2161] : memref<24x8x125xf32, #tpu.memory_space<vmem>>[vector<16xi32>, vector<16xi32>, vector<16xi32>], vector<16xf32>,
    %add3A_2163 = arith.constant 22 : i32
    %add3A_2164 = vector.broadcast %add3A_2163 : i32 to vector<16xi32>
    %add3A_2165 = arith.addi %mul3A_693, %add3A_2164 : vector<16xi32>
    %gather3A_2166 = tpu.vector_load_idx %arg7[%add3A_2071, %and3A_2074, %add3A_2165] : memref<24x8x125xf32, #tpu.memory_space<vmem>>[vector<16xi32>, vector<16xi32>, vector<16xi32>], vector<16xf32>,
    %add3A_2167 = arith.constant 23 : i32
    %add3A_2168 = vector.broadcast %add3A_2167 : i32 to vector<16xi32>
    %add3A_2169 = arith.addi %mul3A_693, %add3A_2168 : vector<16xi32>
    %gather3A_2170 = tpu.vector_load_idx %arg7[%add3A_2071, %and3A_2074, %add3A_2169] : memref<24x8x125xf32, #tpu.memory_space<vmem>>[vector<16xi32>, vector<16xi32>, vector<16xi32>], vector<16xf32>,
    %add3A_2171 = arith.constant 24 : i32
    %add3A_2172 = vector.broadcast %add3A_2171 : i32 to vector<16xi32>
    %add3A_2173 = arith.addi %mul3A_693, %add3A_2172 : vector<16xi32>
    %gather3A_2174 = tpu.vector_load_idx %arg7[%add3A_2071, %and3A_2074, %add3A_2173] : memref<24x8x125xf32, #tpu.memory_space<vmem>>[vector<16xi32>, vector<16xi32>, vector<16xi32>], vector<16xf32>,
    %neg3A_2175 = arith.constant 0.000000e+00 : f32
    %neg3A_2176 = vector.broadcast %neg3A_2175 : f32 to vector<16xf32>
    %neg3A_2177 = arith.subf %neg3A_2176, %gather3A_2078 : vector<16xf32>
    %exp3A_2178 = math.exp %neg3A_2177 : vector<16xf32>
    %add3A_2179 = arith.constant 1.000000e+00 : f32
    %add3A_2180 = vector.broadcast %add3A_2179 : f32 to vector<16xf32>
    %add3A_2181 = arith.addf %add3A_2180, %exp3A_2178 : vector<16xf32>
    %div3A_2182 = arith.constant 1.000000e+00 : f32
    %div3A_2183 = vector.broadcast %div3A_2182 : f32 to vector<16xf32>
    %div3A_2184 = arith.divf %div3A_2183, %add3A_2181 : vector<16xf32>
    %neg3A_2185 = arith.constant 0.000000e+00 : f32
    %neg3A_2186 = vector.broadcast %neg3A_2185 : f32 to vector<16xf32>
    %neg3A_2187 = arith.subf %neg3A_2186, %gather3A_2082 : vector<16xf32>
    %exp3A_2188 = math.exp %neg3A_2187 : vector<16xf32>
    %add3A_2189 = arith.constant 1.000000e+00 : f32
    %add3A_2190 = vector.broadcast %add3A_2189 : f32 to vector<16xf32>
    %add3A_2191 = arith.addf %add3A_2190, %exp3A_2188 : vector<16xf32>
    %div3A_2192 = arith.constant 1.000000e+00 : f32
    %div3A_2193 = vector.broadcast %div3A_2192 : f32 to vector<16xf32>
    %div3A_2194 = arith.divf %div3A_2193, %add3A_2191 : vector<16xf32>
    %neg3A_2195 = arith.constant 0.000000e+00 : f32
    %neg3A_2196 = vector.broadcast %neg3A_2195 : f32 to vector<16xf32>
    %neg3A_2197 = arith.subf %neg3A_2196, %gather3A_2094 : vector<16xf32>
    %exp3A_2198 = math.exp %neg3A_2197 : vector<16xf32>
    %add3A_2199 = arith.constant 1.000000e+00 : f32
    %add3A_2200 = vector.broadcast %add3A_2199 : f32 to vector<16xf32>
    %add3A_2201 = arith.addf %add3A_2200, %exp3A_2198 : vector<16xf32>
    %div3A_2202 = arith.constant 1.000000e+00 : f32
    %div3A_2203 = vector.broadcast %div3A_2202 : f32 to vector<16xf32>
    %div3A_2204 = arith.divf %div3A_2203, %add3A_2201 : vector<16xf32>
    %sub3A_2205 = arith.subf %div3A_2184, %sub3A_543 : vector<16xf32>
    %mul3A_2206 = arith.mulf %sub3A_2205, %sub3A_2205 : vector<16xf32>
    %sub3A_2207 = arith.subf %div3A_2194, %sub3A_545 : vector<16xf32>
    %mul3A_2208 = arith.mulf %sub3A_2207, %sub3A_2207 : vector<16xf32>
    %add3A_2209 = arith.addf %mul3A_2206, %mul3A_2208 : vector<16xf32>
    %sub3A_2210 = arith.subf %gather3A_2086, %add3A_614 : vector<16xf32>
    %mul3A_2211 = arith.mulf %sub3A_2210, %sub3A_2210 : vector<16xf32>
    %add3A_2212 = arith.addf %add3A_2209, %mul3A_2211 : vector<16xf32>
    %sub3A_2213 = arith.subf %gather3A_2090, %add3A_683 : vector<16xf32>
    %mul3A_2214 = arith.mulf %sub3A_2213, %sub3A_2213 : vector<16xf32>
    %add3A_2215 = arith.addf %add3A_2212, %mul3A_2214 : vector<16xf32>
    %max3A_2216 = arith.maximumf %gather3A_2098, %gather3A_2102 : vector<16xf32>
    %max3A_2217 = arith.maximumf %max3A_2216, %gather3A_2106 : vector<16xf32>
    %max3A_2218 = arith.maximumf %max3A_2217, %gather3A_2110 : vector<16xf32>
    %max3A_2219 = arith.maximumf %max3A_2218, %gather3A_2114 : vector<16xf32>
    %max3A_2220 = arith.maximumf %max3A_2219, %gather3A_2118 : vector<16xf32>
    %max3A_2221 = arith.maximumf %max3A_2220, %gather3A_2122 : vector<16xf32>
    %max3A_2222 = arith.maximumf %max3A_2221, %gather3A_2126 : vector<16xf32>
    %max3A_2223 = arith.maximumf %max3A_2222, %gather3A_2130 : vector<16xf32>
    %max3A_2224 = arith.maximumf %max3A_2223, %gather3A_2134 : vector<16xf32>
    %max3A_2225 = arith.maximumf %max3A_2224, %gather3A_2138 : vector<16xf32>
    %max3A_2226 = arith.maximumf %max3A_2225, %gather3A_2142 : vector<16xf32>
    %max3A_2227 = arith.maximumf %max3A_2226, %gather3A_2146 : vector<16xf32>
    %max3A_2228 = arith.maximumf %max3A_2227, %gather3A_2150 : vector<16xf32>
    %max3A_2229 = arith.maximumf %max3A_2228, %gather3A_2154 : vector<16xf32>
    %max3A_2230 = arith.maximumf %max3A_2229, %gather3A_2158 : vector<16xf32>
    %max3A_2231 = arith.maximumf %max3A_2230, %gather3A_2162 : vector<16xf32>
    %max3A_2232 = arith.maximumf %max3A_2231, %gather3A_2166 : vector<16xf32>
    %max3A_2233 = arith.maximumf %max3A_2232, %gather3A_2170 : vector<16xf32>
    %max3A_2234 = arith.maximumf %max3A_2233, %gather3A_2174 : vector<16xf32>
    %broadcast_in_dim3A_2235 = arith.constant 0.000000e+00 : f32
    %broadcast_in_dim3A_2236 = vector.broadcast %broadcast_in_dim3A_2235 : f32 to vector<16xf32>
    %broadcast_in_dim3A_2237 = arith.constant 0.000000e+00 : f32
    %broadcast_in_dim3A_2238 = vector.broadcast %broadcast_in_dim3A_2237 : f32 to vector<16xf32>
    %sub3A_2239 = arith.subf %gather3A_2098, %max3A_2234 : vector<16xf32>
    %exp3A_2240 = math.exp %sub3A_2239 : vector<16xf32>
    %add3A_2241 = arith.addf %broadcast_in_dim3A_2236, %exp3A_2240 : vector<16xf32>
    %eq3A_2242 = arith.constant 0 : i32
    %eq3A_2243 = vector.broadcast %eq3A_2242 : i32 to vector<16xi32>
    %eq3A_2244 = arith.cmpi eq, %min3A_690, %eq3A_2243 : vector<16xi32>
    %jit3A_2245 = arith.constant 0.000000e+00 : f32
    %broadcast_in_dim3A_2246 = vector.broadcast %jit3A_2245 : f32 to vector<16xf32>
    %select_n3A_2247 = arith.select %eq3A_2244, %gather3A_2098, %broadcast_in_dim3A_2246 : vector<16xi1>, vector<16xf32>
    %add3A_2248 = arith.addf %broadcast_in_dim3A_2238, %select_n3A_2247 : vector<16xf32>
    %sub3A_2249 = arith.subf %gather3A_2102, %max3A_2234 : vector<16xf32>
    %exp3A_2250 = math.exp %sub3A_2249 : vector<16xf32>
    %add3A_2251 = arith.addf %add3A_2241, %exp3A_2250 : vector<16xf32>
    %eq3A_2252 = arith.constant 1 : i32
    %eq3A_2253 = vector.broadcast %eq3A_2252 : i32 to vector<16xi32>
    %eq3A_2254 = arith.cmpi eq, %min3A_690, %eq3A_2253 : vector<16xi32>
    %jit3A_2255 = arith.constant 0.000000e+00 : f32
    %broadcast_in_dim3A_2256 = vector.broadcast %jit3A_2255 : f32 to vector<16xf32>
    %select_n3A_2257 = arith.select %eq3A_2254, %gather3A_2102, %broadcast_in_dim3A_2256 : vector<16xi1>, vector<16xf32>
    %add3A_2258 = arith.addf %add3A_2248, %select_n3A_2257 : vector<16xf32>
    %sub3A_2259 = arith.subf %gather3A_2106, %max3A_2234 : vector<16xf32>
    %exp3A_2260 = math.exp %sub3A_2259 : vector<16xf32>
    %add3A_2261 = arith.addf %add3A_2251, %exp3A_2260 : vector<16xf32>
    %eq3A_2262 = arith.constant 2 : i32
    %eq3A_2263 = vector.broadcast %eq3A_2262 : i32 to vector<16xi32>
    %eq3A_2264 = arith.cmpi eq, %min3A_690, %eq3A_2263 : vector<16xi32>
    %jit3A_2265 = arith.constant 0.000000e+00 : f32
    %broadcast_in_dim3A_2266 = vector.broadcast %jit3A_2265 : f32 to vector<16xf32>
    %select_n3A_2267 = arith.select %eq3A_2264, %gather3A_2106, %broadcast_in_dim3A_2266 : vector<16xi1>, vector<16xf32>
    %add3A_2268 = arith.addf %add3A_2258, %select_n3A_2267 : vector<16xf32>
    %sub3A_2269 = arith.subf %gather3A_2110, %max3A_2234 : vector<16xf32>
    %exp3A_2270 = math.exp %sub3A_2269 : vector<16xf32>
    %add3A_2271 = arith.addf %add3A_2261, %exp3A_2270 : vector<16xf32>
    %eq3A_2272 = arith.constant 3 : i32
    %eq3A_2273 = vector.broadcast %eq3A_2272 : i32 to vector<16xi32>
    %eq3A_2274 = arith.cmpi eq, %min3A_690, %eq3A_2273 : vector<16xi32>
    %jit3A_2275 = arith.constant 0.000000e+00 : f32
    %broadcast_in_dim3A_2276 = vector.broadcast %jit3A_2275 : f32 to vector<16xf32>
    %select_n3A_2277 = arith.select %eq3A_2274, %gather3A_2110, %broadcast_in_dim3A_2276 : vector<16xi1>, vector<16xf32>
    %add3A_2278 = arith.addf %add3A_2268, %select_n3A_2277 : vector<16xf32>
    %sub3A_2279 = arith.subf %gather3A_2114, %max3A_2234 : vector<16xf32>
    %exp3A_2280 = math.exp %sub3A_2279 : vector<16xf32>
    %add3A_2281 = arith.addf %add3A_2271, %exp3A_2280 : vector<16xf32>
    %eq3A_2282 = arith.constant 4 : i32
    %eq3A_2283 = vector.broadcast %eq3A_2282 : i32 to vector<16xi32>
    %eq3A_2284 = arith.cmpi eq, %min3A_690, %eq3A_2283 : vector<16xi32>
    %jit3A_2285 = arith.constant 0.000000e+00 : f32
    %broadcast_in_dim3A_2286 = vector.broadcast %jit3A_2285 : f32 to vector<16xf32>
    %select_n3A_2287 = arith.select %eq3A_2284, %gather3A_2114, %broadcast_in_dim3A_2286 : vector<16xi1>, vector<16xf32>
    %add3A_2288 = arith.addf %add3A_2278, %select_n3A_2287 : vector<16xf32>
    %sub3A_2289 = arith.subf %gather3A_2118, %max3A_2234 : vector<16xf32>
    %exp3A_2290 = math.exp %sub3A_2289 : vector<16xf32>
    %add3A_2291 = arith.addf %add3A_2281, %exp3A_2290 : vector<16xf32>
    %eq3A_2292 = arith.constant 5 : i32
    %eq3A_2293 = vector.broadcast %eq3A_2292 : i32 to vector<16xi32>
    %eq3A_2294 = arith.cmpi eq, %min3A_690, %eq3A_2293 : vector<16xi32>
    %jit3A_2295 = arith.constant 0.000000e+00 : f32
    %broadcast_in_dim3A_2296 = vector.broadcast %jit3A_2295 : f32 to vector<16xf32>
    %select_n3A_2297 = arith.select %eq3A_2294, %gather3A_2118, %broadcast_in_dim3A_2296 : vector<16xi1>, vector<16xf32>
    %add3A_2298 = arith.addf %add3A_2288, %select_n3A_2297 : vector<16xf32>
    %sub3A_2299 = arith.subf %gather3A_2122, %max3A_2234 : vector<16xf32>
    %exp3A_2300 = math.exp %sub3A_2299 : vector<16xf32>
    %add3A_2301 = arith.addf %add3A_2291, %exp3A_2300 : vector<16xf32>
    %eq3A_2302 = arith.constant 6 : i32
    %eq3A_2303 = vector.broadcast %eq3A_2302 : i32 to vector<16xi32>
    %eq3A_2304 = arith.cmpi eq, %min3A_690, %eq3A_2303 : vector<16xi32>
    %jit3A_2305 = arith.constant 0.000000e+00 : f32
    %broadcast_in_dim3A_2306 = vector.broadcast %jit3A_2305 : f32 to vector<16xf32>
    %select_n3A_2307 = arith.select %eq3A_2304, %gather3A_2122, %broadcast_in_dim3A_2306 : vector<16xi1>, vector<16xf32>
    %add3A_2308 = arith.addf %add3A_2298, %select_n3A_2307 : vector<16xf32>
    %sub3A_2309 = arith.subf %gather3A_2126, %max3A_2234 : vector<16xf32>
    %exp3A_2310 = math.exp %sub3A_2309 : vector<16xf32>
    %add3A_2311 = arith.addf %add3A_2301, %exp3A_2310 : vector<16xf32>
    %eq3A_2312 = arith.constant 7 : i32
    %eq3A_2313 = vector.broadcast %eq3A_2312 : i32 to vector<16xi32>
    %eq3A_2314 = arith.cmpi eq, %min3A_690, %eq3A_2313 : vector<16xi32>
    %jit3A_2315 = arith.constant 0.000000e+00 : f32
    %broadcast_in_dim3A_2316 = vector.broadcast %jit3A_2315 : f32 to vector<16xf32>
    %select_n3A_2317 = arith.select %eq3A_2314, %gather3A_2126, %broadcast_in_dim3A_2316 : vector<16xi1>, vector<16xf32>
    %add3A_2318 = arith.addf %add3A_2308, %select_n3A_2317 : vector<16xf32>
    %sub3A_2319 = arith.subf %gather3A_2130, %max3A_2234 : vector<16xf32>
    %exp3A_2320 = math.exp %sub3A_2319 : vector<16xf32>
    %add3A_2321 = arith.addf %add3A_2311, %exp3A_2320 : vector<16xf32>
    %eq3A_2322 = arith.constant 8 : i32
    %eq3A_2323 = vector.broadcast %eq3A_2322 : i32 to vector<16xi32>
    %eq3A_2324 = arith.cmpi eq, %min3A_690, %eq3A_2323 : vector<16xi32>
    %jit3A_2325 = arith.constant 0.000000e+00 : f32
    %broadcast_in_dim3A_2326 = vector.broadcast %jit3A_2325 : f32 to vector<16xf32>
    %select_n3A_2327 = arith.select %eq3A_2324, %gather3A_2130, %broadcast_in_dim3A_2326 : vector<16xi1>, vector<16xf32>
    %add3A_2328 = arith.addf %add3A_2318, %select_n3A_2327 : vector<16xf32>
    %sub3A_2329 = arith.subf %gather3A_2134, %max3A_2234 : vector<16xf32>
    %exp3A_2330 = math.exp %sub3A_2329 : vector<16xf32>
    %add3A_2331 = arith.addf %add3A_2321, %exp3A_2330 : vector<16xf32>
    %eq3A_2332 = arith.constant 9 : i32
    %eq3A_2333 = vector.broadcast %eq3A_2332 : i32 to vector<16xi32>
    %eq3A_2334 = arith.cmpi eq, %min3A_690, %eq3A_2333 : vector<16xi32>
    %jit3A_2335 = arith.constant 0.000000e+00 : f32
    %broadcast_in_dim3A_2336 = vector.broadcast %jit3A_2335 : f32 to vector<16xf32>
    %select_n3A_2337 = arith.select %eq3A_2334, %gather3A_2134, %broadcast_in_dim3A_2336 : vector<16xi1>, vector<16xf32>
    %add3A_2338 = arith.addf %add3A_2328, %select_n3A_2337 : vector<16xf32>
    %sub3A_2339 = arith.subf %gather3A_2138, %max3A_2234 : vector<16xf32>
    %exp3A_2340 = math.exp %sub3A_2339 : vector<16xf32>
    %add3A_2341 = arith.addf %add3A_2331, %exp3A_2340 : vector<16xf32>
    %eq3A_2342 = arith.constant 10 : i32
    %eq3A_2343 = vector.broadcast %eq3A_2342 : i32 to vector<16xi32>
    %eq3A_2344 = arith.cmpi eq, %min3A_690, %eq3A_2343 : vector<16xi32>
    %jit3A_2345 = arith.constant 0.000000e+00 : f32
    %broadcast_in_dim3A_2346 = vector.broadcast %jit3A_2345 : f32 to vector<16xf32>
    %select_n3A_2347 = arith.select %eq3A_2344, %gather3A_2138, %broadcast_in_dim3A_2346 : vector<16xi1>, vector<16xf32>
    %add3A_2348 = arith.addf %add3A_2338, %select_n3A_2347 : vector<16xf32>
    %sub3A_2349 = arith.subf %gather3A_2142, %max3A_2234 : vector<16xf32>
    %exp3A_2350 = math.exp %sub3A_2349 : vector<16xf32>
    %add3A_2351 = arith.addf %add3A_2341, %exp3A_2350 : vector<16xf32>
    %eq3A_2352 = arith.constant 11 : i32
    %eq3A_2353 = vector.broadcast %eq3A_2352 : i32 to vector<16xi32>
    %eq3A_2354 = arith.cmpi eq, %min3A_690, %eq3A_2353 : vector<16xi32>
    %jit3A_2355 = arith.constant 0.000000e+00 : f32
    %broadcast_in_dim3A_2356 = vector.broadcast %jit3A_2355 : f32 to vector<16xf32>
    %select_n3A_2357 = arith.select %eq3A_2354, %gather3A_2142, %broadcast_in_dim3A_2356 : vector<16xi1>, vector<16xf32>
    %add3A_2358 = arith.addf %add3A_2348, %select_n3A_2357 : vector<16xf32>
    %sub3A_2359 = arith.subf %gather3A_2146, %max3A_2234 : vector<16xf32>
    %exp3A_2360 = math.exp %sub3A_2359 : vector<16xf32>
    %add3A_2361 = arith.addf %add3A_2351, %exp3A_2360 : vector<16xf32>
    %eq3A_2362 = arith.constant 12 : i32
    %eq3A_2363 = vector.broadcast %eq3A_2362 : i32 to vector<16xi32>
    %eq3A_2364 = arith.cmpi eq, %min3A_690, %eq3A_2363 : vector<16xi32>
    %jit3A_2365 = arith.constant 0.000000e+00 : f32
    %broadcast_in_dim3A_2366 = vector.broadcast %jit3A_2365 : f32 to vector<16xf32>
    %select_n3A_2367 = arith.select %eq3A_2364, %gather3A_2146, %broadcast_in_dim3A_2366 : vector<16xi1>, vector<16xf32>
    %add3A_2368 = arith.addf %add3A_2358, %select_n3A_2367 : vector<16xf32>
    %sub3A_2369 = arith.subf %gather3A_2150, %max3A_2234 : vector<16xf32>
    %exp3A_2370 = math.exp %sub3A_2369 : vector<16xf32>
    %add3A_2371 = arith.addf %add3A_2361, %exp3A_2370 : vector<16xf32>
    %eq3A_2372 = arith.constant 13 : i32
    %eq3A_2373 = vector.broadcast %eq3A_2372 : i32 to vector<16xi32>
    %eq3A_2374 = arith.cmpi eq, %min3A_690, %eq3A_2373 : vector<16xi32>
    %jit3A_2375 = arith.constant 0.000000e+00 : f32
    %broadcast_in_dim3A_2376 = vector.broadcast %jit3A_2375 : f32 to vector<16xf32>
    %select_n3A_2377 = arith.select %eq3A_2374, %gather3A_2150, %broadcast_in_dim3A_2376 : vector<16xi1>, vector<16xf32>
    %add3A_2378 = arith.addf %add3A_2368, %select_n3A_2377 : vector<16xf32>
    %sub3A_2379 = arith.subf %gather3A_2154, %max3A_2234 : vector<16xf32>
    %exp3A_2380 = math.exp %sub3A_2379 : vector<16xf32>
    %add3A_2381 = arith.addf %add3A_2371, %exp3A_2380 : vector<16xf32>
    %eq3A_2382 = arith.constant 14 : i32
    %eq3A_2383 = vector.broadcast %eq3A_2382 : i32 to vector<16xi32>
    %eq3A_2384 = arith.cmpi eq, %min3A_690, %eq3A_2383 : vector<16xi32>
    %jit3A_2385 = arith.constant 0.000000e+00 : f32
    %broadcast_in_dim3A_2386 = vector.broadcast %jit3A_2385 : f32 to vector<16xf32>
    %select_n3A_2387 = arith.select %eq3A_2384, %gather3A_2154, %broadcast_in_dim3A_2386 : vector<16xi1>, vector<16xf32>
    %add3A_2388 = arith.addf %add3A_2378, %select_n3A_2387 : vector<16xf32>
    %sub3A_2389 = arith.subf %gather3A_2158, %max3A_2234 : vector<16xf32>
    %exp3A_2390 = math.exp %sub3A_2389 : vector<16xf32>
    %add3A_2391 = arith.addf %add3A_2381, %exp3A_2390 : vector<16xf32>
    %eq3A_2392 = arith.constant 15 : i32
    %eq3A_2393 = vector.broadcast %eq3A_2392 : i32 to vector<16xi32>
    %eq3A_2394 = arith.cmpi eq, %min3A_690, %eq3A_2393 : vector<16xi32>
    %jit3A_2395 = arith.constant 0.000000e+00 : f32
    %broadcast_in_dim3A_2396 = vector.broadcast %jit3A_2395 : f32 to vector<16xf32>
    %select_n3A_2397 = arith.select %eq3A_2394, %gather3A_2158, %broadcast_in_dim3A_2396 : vector<16xi1>, vector<16xf32>
    %add3A_2398 = arith.addf %add3A_2388, %select_n3A_2397 : vector<16xf32>
    %sub3A_2399 = arith.subf %gather3A_2162, %max3A_2234 : vector<16xf32>
    %exp3A_2400 = math.exp %sub3A_2399 : vector<16xf32>
    %add3A_2401 = arith.addf %add3A_2391, %exp3A_2400 : vector<16xf32>
    %eq3A_2402 = arith.constant 16 : i32
    %eq3A_2403 = vector.broadcast %eq3A_2402 : i32 to vector<16xi32>
    %eq3A_2404 = arith.cmpi eq, %min3A_690, %eq3A_2403 : vector<16xi32>
    %jit3A_2405 = arith.constant 0.000000e+00 : f32
    %broadcast_in_dim3A_2406 = vector.broadcast %jit3A_2405 : f32 to vector<16xf32>
    %select_n3A_2407 = arith.select %eq3A_2404, %gather3A_2162, %broadcast_in_dim3A_2406 : vector<16xi1>, vector<16xf32>
    %add3A_2408 = arith.addf %add3A_2398, %select_n3A_2407 : vector<16xf32>
    %sub3A_2409 = arith.subf %gather3A_2166, %max3A_2234 : vector<16xf32>
    %exp3A_2410 = math.exp %sub3A_2409 : vector<16xf32>
    %add3A_2411 = arith.addf %add3A_2401, %exp3A_2410 : vector<16xf32>
    %eq3A_2412 = arith.constant 17 : i32
    %eq3A_2413 = vector.broadcast %eq3A_2412 : i32 to vector<16xi32>
    %eq3A_2414 = arith.cmpi eq, %min3A_690, %eq3A_2413 : vector<16xi32>
    %jit3A_2415 = arith.constant 0.000000e+00 : f32
    %broadcast_in_dim3A_2416 = vector.broadcast %jit3A_2415 : f32 to vector<16xf32>
    %select_n3A_2417 = arith.select %eq3A_2414, %gather3A_2166, %broadcast_in_dim3A_2416 : vector<16xi1>, vector<16xf32>
    %add3A_2418 = arith.addf %add3A_2408, %select_n3A_2417 : vector<16xf32>
    %sub3A_2419 = arith.subf %gather3A_2170, %max3A_2234 : vector<16xf32>
    %exp3A_2420 = math.exp %sub3A_2419 : vector<16xf32>
    %add3A_2421 = arith.addf %add3A_2411, %exp3A_2420 : vector<16xf32>
    %eq3A_2422 = arith.constant 18 : i32
    %eq3A_2423 = vector.broadcast %eq3A_2422 : i32 to vector<16xi32>
    %eq3A_2424 = arith.cmpi eq, %min3A_690, %eq3A_2423 : vector<16xi32>
    %jit3A_2425 = arith.constant 0.000000e+00 : f32
    %broadcast_in_dim3A_2426 = vector.broadcast %jit3A_2425 : f32 to vector<16xf32>
    %select_n3A_2427 = arith.select %eq3A_2424, %gather3A_2170, %broadcast_in_dim3A_2426 : vector<16xi1>, vector<16xf32>
    %add3A_2428 = arith.addf %add3A_2418, %select_n3A_2427 : vector<16xf32>
    %sub3A_2429 = arith.subf %gather3A_2174, %max3A_2234 : vector<16xf32>
    %exp3A_2430 = math.exp %sub3A_2429 : vector<16xf32>
    %add3A_2431 = arith.addf %add3A_2421, %exp3A_2430 : vector<16xf32>
    %eq3A_2432 = arith.constant 19 : i32
    %eq3A_2433 = vector.broadcast %eq3A_2432 : i32 to vector<16xi32>
    %eq3A_2434 = arith.cmpi eq, %min3A_690, %eq3A_2433 : vector<16xi32>
    %jit3A_2435 = arith.constant 0.000000e+00 : f32
    %broadcast_in_dim3A_2436 = vector.broadcast %jit3A_2435 : f32 to vector<16xf32>
    %select_n3A_2437 = arith.select %eq3A_2434, %gather3A_2174, %broadcast_in_dim3A_2436 : vector<16xi1>, vector<16xf32>
    %add3A_2438 = arith.addf %add3A_2428, %select_n3A_2437 : vector<16xf32>
    %bitcast3A_2439 = vector.bitcast %add3A_2431 : vector<16xf32> to vector<16xi32>
    %shift_right_arithmetic3A_2440 = arith.constant 23 : i32
    %shift_right_arithmetic3A_2441 = vector.broadcast %shift_right_arithmetic3A_2440 : i32 to vector<16xi32>
    %shift_right_arithmetic3A_2442 = arith.shrsi %bitcast3A_2439, %shift_right_arithmetic3A_2441 : vector<16xi32>
    %and3A_2443 = arith.constant 255 : i32
    %and3A_2444 = vector.broadcast %and3A_2443 : i32 to vector<16xi32>
    %and3A_2445 = arith.andi %shift_right_arithmetic3A_2442, %and3A_2444 : vector<16xi32>
    %sub3A_2446 = arith.constant 127 : i32
    %sub3A_2447 = vector.broadcast %sub3A_2446 : i32 to vector<16xi32>
    %sub3A_2448 = arith.subi %and3A_2445, %sub3A_2447 : vector<16xi32>
    %and3A_2449 = arith.constant 8388607 : i32
    %and3A_2450 = vector.broadcast %and3A_2449 : i32 to vector<16xi32>
    %and3A_2451 = arith.andi %bitcast3A_2439, %and3A_2450 : vector<16xi32>
    %or3A_2452 = arith.constant 1065353216 : i32
    %or3A_2453 = vector.broadcast %or3A_2452 : i32 to vector<16xi32>
    %or3A_2454 = arith.ori %and3A_2451, %or3A_2453 : vector<16xi32>
    %bitcast3A_2455 = vector.bitcast %or3A_2454 : vector<16xi32> to vector<16xf32>
    %gt3A_2456 = arith.constant 1.41421354 : f32
    %gt3A_2457 = vector.broadcast %gt3A_2456 : f32 to vector<16xf32>
    %gt3A_2458 = arith.cmpf ogt, %bitcast3A_2455, %gt3A_2457 : vector<16xf32>
    %mul3A_2459 = arith.constant 5.000000e-01 : f32
    %mul3A_2460 = vector.broadcast %mul3A_2459 : f32 to vector<16xf32>
    %mul3A_2461 = arith.mulf %bitcast3A_2455, %mul3A_2460 : vector<16xf32>
    %select_n3A_2462 = arith.select %gt3A_2458, %mul3A_2461, %bitcast3A_2455 : vector<16xi1>, vector<16xf32>
    %jit3A_2463 = arith.constant 1 : i32
    %jit3A_2464 = arith.constant 0 : i32
    %broadcast_in_dim3A_2465 = vector.broadcast %jit3A_2463 : i32 to vector<16xi32>
    %broadcast_in_dim3A_2466 = vector.broadcast %jit3A_2464 : i32 to vector<16xi32>
    %select_n3A_2467 = arith.select %gt3A_2458, %broadcast_in_dim3A_2465, %broadcast_in_dim3A_2466 : vector<16xi1>, vector<16xi32>
    %add3A_2468 = arith.addi %sub3A_2448, %select_n3A_2467 : vector<16xi32>
    %sub3A_2469 = arith.constant 1.000000e+00 : f32
    %sub3A_2470 = vector.broadcast %sub3A_2469 : f32 to vector<16xf32>
    %sub3A_2471 = arith.subf %select_n3A_2462, %sub3A_2470 : vector<16xf32>
    %add3A_2472 = arith.constant 1.000000e+00 : f32
    %add3A_2473 = vector.broadcast %add3A_2472 : f32 to vector<16xf32>
    %add3A_2474 = arith.addf %select_n3A_2462, %add3A_2473 : vector<16xf32>
    %div3A_2475 = arith.divf %sub3A_2471, %add3A_2474 : vector<16xf32>
    %mul3A_2476 = arith.mulf %div3A_2475, %div3A_2475 : vector<16xf32>
    %mul3A_2477 = arith.constant 0.111111112 : f32
    %mul3A_2478 = vector.broadcast %mul3A_2477 : f32 to vector<16xf32>
    %mul3A_2479 = arith.mulf %mul3A_2476, %mul3A_2478 : vector<16xf32>
    %add3A_2480 = arith.constant 0.142857149 : f32
    %add3A_2481 = vector.broadcast %add3A_2480 : f32 to vector<16xf32>
    %add3A_2482 = arith.addf %add3A_2481, %mul3A_2479 : vector<16xf32>
    %mul3A_2483 = arith.mulf %mul3A_2476, %add3A_2482 : vector<16xf32>
    %add3A_2484 = arith.constant 2.000000e-01 : f32
    %add3A_2485 = vector.broadcast %add3A_2484 : f32 to vector<16xf32>
    %add3A_2486 = arith.addf %add3A_2485, %mul3A_2483 : vector<16xf32>
    %mul3A_2487 = arith.mulf %mul3A_2476, %add3A_2486 : vector<16xf32>
    %add3A_2488 = arith.constant 0.333333343 : f32
    %add3A_2489 = vector.broadcast %add3A_2488 : f32 to vector<16xf32>
    %add3A_2490 = arith.addf %add3A_2489, %mul3A_2487 : vector<16xf32>
    %mul3A_2491 = arith.constant 2.000000e+00 : f32
    %mul3A_2492 = vector.broadcast %mul3A_2491 : f32 to vector<16xf32>
    %mul3A_2493 = arith.mulf %mul3A_2492, %div3A_2475 : vector<16xf32>
    %mul3A_2494 = arith.mulf %mul3A_2476, %add3A_2490 : vector<16xf32>
    %add3A_2495 = arith.constant 1.000000e+00 : f32
    %add3A_2496 = vector.broadcast %add3A_2495 : f32 to vector<16xf32>
    %add3A_2497 = arith.addf %add3A_2496, %mul3A_2494 : vector<16xf32>
    %mul3A_2498 = arith.mulf %mul3A_2493, %add3A_2497 : vector<16xf32>
    %convert_element_type3A_2499 = arith.sitofp %add3A_2468 : vector<16xi32> to vector<16xf32>
    %mul3A_2500 = arith.constant 0.693147182 : f32
    %mul3A_2501 = vector.broadcast %mul3A_2500 : f32 to vector<16xf32>
    %mul3A_2502 = arith.mulf %convert_element_type3A_2499, %mul3A_2501 : vector<16xf32>
    %add3A_2503 = arith.addf %mul3A_2502, %mul3A_2498 : vector<16xf32>
    %add3A_2504 = arith.addf %max3A_2234, %add3A_2503 : vector<16xf32>
    %mul3A_2505 = arith.constant 5.000000e+00 : f32
    %mul3A_2506 = vector.broadcast %mul3A_2505 : f32 to vector<16xf32>
    %mul3A_2507 = arith.mulf %mul3A_2506, %add3A_2215 : vector<16xf32>
    %sub3A_2508 = arith.constant 1.000000e+00 : f32
    %sub3A_2509 = vector.broadcast %sub3A_2508 : f32 to vector<16xf32>
    %sub3A_2510 = arith.subf %div3A_2204, %sub3A_2509 : vector<16xf32>
    %mul3A_2511 = arith.mulf %sub3A_2510, %sub3A_2510 : vector<16xf32>
    %mul3A_2512 = arith.constant 1.000000e+00 : f32
    %mul3A_2513 = vector.broadcast %mul3A_2512 : f32 to vector<16xf32>
    %mul3A_2514 = arith.mulf %mul3A_2513, %mul3A_2511 : vector<16xf32>
    %add3A_2515 = arith.addf %mul3A_2507, %mul3A_2514 : vector<16xf32>
    %mul3A_2516 = arith.constant 5.000000e-01 : f32
    %mul3A_2517 = vector.broadcast %mul3A_2516 : f32 to vector<16xf32>
    %mul3A_2518 = arith.mulf %mul3A_2517, %div3A_2204 : vector<16xf32>
    %mul3A_2519 = arith.mulf %mul3A_2518, %div3A_2204 : vector<16xf32>
    %sub3A_2520 = arith.subf %add3A_2515, %mul3A_2519 : vector<16xf32>
    %sub3A_2521 = arith.subf %add3A_2504, %add3A_2438 : vector<16xf32>
    %mul3A_2522 = arith.constant 1.000000e+00 : f32
    %mul3A_2523 = vector.broadcast %mul3A_2522 : f32 to vector<16xf32>
    %mul3A_2524 = arith.mulf %mul3A_2523, %sub3A_2521 : vector<16xf32>
    %add3A_2525 = arith.addf %sub3A_2520, %mul3A_2524 : vector<16xf32>
    %jit3A_2526 = arith.constant 0.000000e+00 : f32
    %broadcast_in_dim3A_2527 = vector.broadcast %jit3A_2526 : f32 to vector<16xf32>
    %select_n3A_2528 = arith.select %and3A_806, %add3A_2525, %broadcast_in_dim3A_2527 : vector<16xi1>, vector<16xf32>
    %add3A_2529 = arith.addf %select_n3A_2067, %select_n3A_2528 : vector<16xf32>
    %mul3A_2530 = arith.constant 3.125000e-02 : f32
    %mul3A_2531 = vector.broadcast %mul3A_2530 : f32 to vector<16xf32>
    %mul3A_2532 = arith.mulf %add3A_2529, %mul3A_2531 : vector<16xf32>
    %swap3A = arith.constant 0 : index
    %swap3A_2533 = tpu.vector_load %arg8[%swap3A] {strides = array<i32>} : memref<16xf32, #tpu.memory_space<vmem>>, vector<16xf32>,
    tpu.vector_store %arg8[%swap3A], %mul3A_2532 {strides = array<i32>} : memref<16xf32, #tpu.memory_space<vmem>>, vector<16xf32>,
    "tpu.region"() ({
      %run_scoped3A = tpu.sem_alloc : memref<!tpu.dma_semaphore, #tpu.memory_space<semaphore_mem>>
      %dma_start3A_2534 = arith.constant 0 : i32
      %dma_start3A_2535 = tpu.memref_slice %arg4[%add3A, %dma_start3A_2534] : memref<32x16xf32, #tpu.memory_space<hbm>> -> memref<1x16xf32, #tpu.memory_space<hbm>>
      %dma_start3A_2536 = tpu.memref_squeeze %dma_start3A_2535 : memref<1x16xf32, #tpu.memory_space<hbm>> -> memref<16xf32, #tpu.memory_space<hbm>>
      %dma_start3A_2537 = arith.constant 0 : i32
      %dma_start3A_2538 = tpu.memref_slice %arg4[%add3A, %dma_start3A_2537] : memref<32x16xf32, #tpu.memory_space<hbm>> -> memref<1x16xf32, #tpu.memory_space<hbm>>
      %dma_start3A_2539 = tpu.memref_squeeze %dma_start3A_2538 : memref<1x16xf32, #tpu.memory_space<hbm>> -> memref<16xf32, #tpu.memory_space<hbm>>
      tpu.enqueue_dma source(%arg8 : memref<16xf32, #tpu.memory_space<vmem>>) target(%dma_start3A_2539 : memref<16xf32, #tpu.memory_space<hbm>>) target_semaphore(%run_scoped3A : memref<!tpu.dma_semaphore, #tpu.memory_space<semaphore_mem>>)
      %dma_wait3A_2540 = arith.constant 0 : i32
      %dma_wait3A_2541 = tpu.memref_slice %arg4[%add3A, %dma_wait3A_2540] : memref<32x16xf32, #tpu.memory_space<hbm>> -> memref<1x16xf32, #tpu.memory_space<hbm>>
      %dma_wait3A_2542 = tpu.memref_squeeze %dma_wait3A_2541 : memref<1x16xf32, #tpu.memory_space<hbm>> -> memref<16xf32, #tpu.memory_space<hbm>>
      %dma_wait3A_2543 = arith.constant 0 : i32
      %dma_wait3A_2544 = tpu.memref_slice %arg4[%add3A, %dma_wait3A_2543] : memref<32x16xf32, #tpu.memory_space<hbm>> -> memref<1x16xf32, #tpu.memory_space<hbm>>
      %dma_wait3A_2545 = tpu.memref_squeeze %dma_wait3A_2544 : memref<1x16xf32, #tpu.memory_space<hbm>> -> memref<16xf32, #tpu.memory_space<hbm>>
      tpu.wait_dma2 semaphore(%run_scoped3A : memref<!tpu.dma_semaphore, #tpu.memory_space<semaphore_mem>>) src(%arg8 : memref<16xf32, #tpu.memory_space<vmem>>) dst(%dma_wait3A_2545 : memref<16xf32, #tpu.memory_space<hbm>>)
      tpu.yield
    }) : () -> ()
    return
  }
}

module attributes {stable_mosaic.version = 14 : i64} {
  func.func @_conf_tc_body(%arg0: i32, %arg1: memref<16384x125xf32, #tpu.memory_space<vmem>>, %arg2: memref<1x1xf32, #tpu.memory_space<smem>>) attributes {dimension_semantics = [#tpu.dimension_semantics<arbitrary>], iteration_bounds = array<i64: 2>, scalar_prefetch = 0 : i64, scratch_operands = 0 : i64, tpu.core_type = #tpu.core_type<tc>, window_params = [{transform_indices = @transform_0, window_bounds = array<i64: 16384, 125>}, {transform_indices = @transform_1, window_bounds = array<i64: 1, 1>}]} {
    %eq3A = arith.constant 0 : i32
    %eq3A_0 = arith.cmpi eq, %arg0, %eq3A : i32
    %convert_element_type3A = arith.extui %eq3A_0 : i1 to i32
    %cond3A = arith.constant 0 : i32
    %cond3A_1 = arith.cmpi ne, %convert_element_type3A, %cond3A : i32
    scf.if %cond3A_1 {
      %swap3A_25 = arith.constant 0.000000e+00 : f32
      %swap3A_26 = arith.constant 0 : index
      %swap3A_27 = arith.constant 0 : index
      %swap3A_28 = memref.load %arg2[%swap3A_26, %swap3A_27] : memref<1x1xf32, #tpu.memory_space<smem>>
      memref.store %swap3A_25, %arg2[%swap3A_26, %swap3A_27] : memref<1x1xf32, #tpu.memory_space<smem>>
    } else {
    }
    %get3A = arith.constant 0 : index
    %get3A_2 = arith.constant 0 : index
    %get3A_3 = vector.load %arg1[%get3A, %get3A_2] : memref<16384x125xf32, #tpu.memory_space<vmem>>, vector<16384x125xf32>
    %iota3A = tpu.iota {dimensions = array<i32: 1>} : vector<16384x125xi32>
    %neg3A = arith.constant 0.000000e+00 : f32
    %neg3A_4 = vector.broadcast %neg3A : f32 to vector<16384x125xf32>
    %neg3A_5 = arith.subf %neg3A_4, %get3A_3 : vector<16384x125xf32>
    %exp3A = math.exp %neg3A_5 : vector<16384x125xf32>
    %add3A = arith.constant 1.000000e+00 : f32
    %add3A_6 = vector.broadcast %add3A : f32 to vector<16384x125xf32>
    %add3A_7 = arith.addf %add3A_6, %exp3A : vector<16384x125xf32>
    %div3A = arith.constant 1.000000e+00 : f32
    %div3A_8 = vector.broadcast %div3A : f32 to vector<16384x125xf32>
    %div3A_9 = arith.divf %div3A_8, %add3A_7 : vector<16384x125xf32>
    %rem3A = arith.constant 25 : i32
    %rem3A_10 = vector.broadcast %rem3A : i32 to vector<16384x125xi32>
    %rem3A_11 = arith.remsi %iota3A, %rem3A_10 : vector<16384x125xi32>
    %eq3A_12 = arith.constant 4 : i32
    %eq3A_13 = vector.broadcast %eq3A_12 : i32 to vector<16384x125xi32>
    %eq3A_14 = arith.cmpi eq, %rem3A_11, %eq3A_13 : vector<16384x125xi32>
    %mul3A = arith.mulf %div3A_9, %div3A_9 : vector<16384x125xf32>
    %jit3A = arith.constant 0.000000e+00 : f32
    %broadcast_in_dim3A = vector.broadcast %jit3A : f32 to vector<16384x125xf32>
    %select_n3A = arith.select %eq3A_14, %mul3A, %broadcast_in_dim3A : vector<16384x125xi1>, vector<16384x125xf32>
    %get3A_15 = arith.constant 0 : index
    %get3A_16 = arith.constant 0 : index
    %get3A_17 = memref.load %arg2[%get3A_15, %get3A_16] : memref<1x1xf32, #tpu.memory_space<smem>>
    %reduce_sum3A = vector.shape_cast %select_n3A : vector<16384x125xf32> to vector<1x16384x125xf32>
    %reduce_sum3A_18 = arith.constant dense<0.000000e+00> : vector<1xf32>
    %reduce_sum3A_19 = vector.multi_reduction <add>, %reduce_sum3A, %reduce_sum3A_18 [1, 2] : vector<1x16384x125xf32> to vector<1xf32>
    %reduce_sum3A_20 = vector.shape_cast %reduce_sum3A_19 : vector<1xf32> to vector<1x1x1xf32>
    %reduce_sum3A_21 = vector.extract %reduce_sum3A_20[0, 0, 0] : f32 from vector<1x1x1xf32>
    %add3A_22 = arith.addf %get3A_17, %reduce_sum3A_21 : f32
    %swap3A = arith.constant 0 : index
    %swap3A_23 = arith.constant 0 : index
    %swap3A_24 = memref.load %arg2[%swap3A, %swap3A_23] : memref<1x1xf32, #tpu.memory_space<smem>>
    memref.store %add3A_22, %arg2[%swap3A, %swap3A_23] : memref<1x1xf32, #tpu.memory_space<smem>>
    return
  }
  func.func @transform_0(%arg0: i32) -> (i32, i32) {
    %c0_i32 = arith.constant 0 : i32
    %c0_i32_0 = arith.constant 0 : i32
    return %arg0, %c0_i32 : i32, i32
  }
  func.func @transform_1(%arg0: i32) -> (i32, i32) {
    %c0_i32 = arith.constant 0 : i32
    %c0_i32_0 = arith.constant 0 : i32
    %c0_i32_1 = arith.constant 0 : i32
    return %c0_i32, %c0_i32_0 : i32, i32
  }
}

</mosaic_0001>

<sc_bundles>
// kernel: kernel.4.cloned.1.call-start
scs
__scs_entry_jumppad:
0x0: {  	(pc) =	sbr.rel $0x88, $3  }
0x1: {  	(tag) =	ssettag $0x0;
	lr =	simm.s32 $0x1  }
0x2: {  	[smem:$0x3F9F] =	sst lr;
	_ =	strace $0xD0000000  }
0x3: {  	_ = 	snop  }
0x4: {  	_ = 	snop  }
0x5: {  	_ = 	snop  }
0x6: {  	_ = 	snop  }
0x7: {  	_ = 	snop  }
__scs_overlays_trampoline_lowered:
0x8: {  	[smem:$0x3FAE] =	sst s0  }
0x9: {  	[smem:$0x3FAF] =	sst s1  }
0xa: {  	[smem:$0x3FB0] =	sst s2  }
0xb: {  	[smem:$0x3FB1] =	sst s3  }
0xc: {  	[smem:$0x3FB2] =	sst s4  }
0xd: {  	[smem:$0x3FB3] =	sst s5  }
0xe: {  	[smem:$0x3FB4] =	sst s6  }
0xf: {  	[smem:$0x3FB5] =	sst s7  }
0x10: {  	[smem:$0x3FB6] =	sst s8  }
0x11: {  	[smem:$0x3FB7] =	sst s9;
	s0 =	simm.s32 @!p0 $0x0  }
0x12: {  	s1 =	sld [smem:$0x3F9D];
	s0 =	simm.s32 @p0 $0x1  }
0x13: {  	[smem:$0x3FB8] =	sst s0;
	s0 =	simm.s32 @!p1 $0x0  }
0x14: {  	s2 =	sld [smem:$0x3F9C];
	s0 =	simm.s32 @p1 $0x1  }
0x15: {  	[smem:$0x3FB9] =	sst s0;
	s0 =	simm.s32 @!p2 $0x0  }
0x16: {  	s3 =	sld [smem:$0x3FDB];
	s0 =	simm.s32 @p2 $0x1  }
0x17: {  	s4 =	simm.s32 $0x1BF5;
	[smem:$0x3FBB] =	sst s0  }
0x18: {  	s0 =	sld [smem:$0x3F9E];
	_ =	swait.ge [sflag:s4], $0x0  }
0x19: {  	s7 =	sld [smem:$0x3F9F]  }
0x1a: {  	s8 =	sadd.s32 $0xFFFFE003, lr  }
0x1b: {  	s9 =	sadd.s32 $0xFFFFFEF7, lr;
	s5 =	simm.s32 $0xFFFFFFFF;
	p2 =	slt.u32 s8, $0xFFFFF086  }
0x1c: {  	p1 =	slt.u32 s9, $0xF7A;
	s5 =	simm.s32 @!p2 $0x0  }
0x1d: {  	s5 =	simm.s32 @p1 $0x1;
	p0 =	seq.s32 s7, s2  }
0x1e: {  	s7 =	smul.u32 @!p0 $0xF7A, s2;
	p2 =	seq.s32 @!p0 s5, $0x0  }
0x1f: {  	s9 =	smul.u32 $0xF7A, s1;
	s8 =	simm.s32 @!p0 $0x1BF5;
	p2 =	por !p2, p0  }
0x20: {  	[sflag:s8] =	ssyncset.s32 @!p0 $0xFFFFF086;
	s6 =	sadd.s32 @!p0 s3, s7;
	s7 =	simm.s32 @!p0 $0x108  }
0x21: {  	s3 =	sadd.s32 s3, s9;
	s6 =	sadd.s32 @!p0 $0x88, s6;
	s7 =	simm.s32 @p2 $0x1082  }
0x22: {  	[simem:s7], [sflag:s8] =	dma.local @!p0 [hbm:s6], $0xF7A  }
0x23: {  	s9 =	sor.u32 $0xD0000000, s2;
	s6 =	simm.s32 $0x108;
	_ =	swait.ge @!p0 [sflag:s8], $0x0  }
0x24: {  	s3 =	sadd.s32 $0x88, s3;
	s6 =	simm.s32 @!p1 $0x1082;
	[sflag:s4] =	ssyncset.s32 $0xFFFFF086  }
0x25: {  	[simem:s6], [sflag:s4] =	dma.local [hbm:s3], $0xF7A  }
0x26: {  	[smem:$0x3F9F] =	sst s1;
	(tag) =	ssettag s2;
	_ =	strace s9  }
0x27: {  	s1 =	sld [smem:$0x3FAF]  }
0x28: {  	s2 =	sld [smem:$0x3FB0]  }
0x29: {  	s4 =	sld [smem:$0x3FB2]  }
0x2a: {  	p0 =	seq.s32 s5, $0x0;
	s5 =	sld [smem:$0x3FB3]  }
0x2b: {  	s6 =	sld [smem:$0x3FB4]  }
0x2c: {  	s7 =	sld [smem:$0x3FB5]  }
0x2d: {  	s3 =	simm.s32 $0x108;
	s8 =	sld [smem:$0x3FB6]  }
0x2e: {  	s3 =	simm.s32 @!p0 $0x1082;
	s9 =	sld [smem:$0x3FB7]  }
0x2f: {  	lr =	sadd.s32 s0, s3;
	s0 =	sld [smem:$0x3FAE]  }
0x30: {  	s3 =	sld [smem:$0x3FB1]  }
0x31: {  	[smem:$0x3FBA] =	sst s10  }
0x32: {  	s10 =	sld [smem:$0x3FB8];
	_ =	sdelay $0x3  }
0x33: {  	p0 =	seq.s32 s10, $0x1;
	s10 =	sld [smem:$0x3FBA];
	_ =	sdelay $0x3  }
0x34: {  	[smem:$0x3FBA] =	sst s10  }
0x35: {  	s10 =	sld [smem:$0x3FB9];
	_ =	sdelay $0x3  }
0x36: {  	p1 =	seq.s32 s10, $0x1;
	s10 =	sld [smem:$0x3FBA];
	_ =	sdelay $0x3  }
0x37: {  	[smem:$0x3FBA] =	sst s10  }
0x38: {  	s10 =	sld [smem:$0x3FBB]  }
0x39: {  	_ = 	snop;
	(pc) =	sbr.ind lr, $3  }
0x3a: {  	_ = 	snop  }
0x3b: {  	_ = 	snop  }
0x3c: {  	p2 =	seq.s32 s10, $0x1;
	s10 =	sld [smem:$0x3FBA]  }
0x3d: {  	_ =	shalt  }
0x3e: {  	_ =	shalt  }
0x3f: {  	_ =	shalt  }
0x40: {  	_ =	shalt  }
0x41: {  	_ =	shalt  }
0x42: {  	_ =	shalt  }
0x43: {  	_ =	shalt  }
0x44: {  	_ =	shalt  }
0x45: {  	_ =	shalt  }
0x46: {  	_ =	shalt  }
0x47: {  	_ =	shalt  }
0x48: {  	_ =	shalt  }
0x49: {  	_ =	shalt  }
0x4a: {  	_ =	shalt  }
0x4b: {  	_ =	shalt  }
0x4c: {  	_ =	shalt  }
0x4d: {  	_ =	shalt  }
0x4e: {  	_ =	shalt  }
0x4f: {  	_ =	shalt  }
0x50: {  	_ =	shalt  }
0x51: {  	_ =	shalt  }
0x52: {  	_ =	shalt  }
0x53: {  	_ =	shalt  }
0x54: {  	_ =	shalt  }
0x55: {  	_ =	shalt  }
0x56: {  	_ =	shalt  }
0x57: {  	_ =	shalt  }
0x58: {  	_ =	shalt  }
0x59: {  	_ =	shalt  }
0x5a: {  	_ =	shalt  }
0x5b: {  	_ =	shalt  }
0x5c: {  	_ =	shalt  }
0x5d: {  	_ =	shalt  }
0x5e: {  	_ =	shalt  }
0x5f: {  	_ =	shalt  }
0x60: {  	_ =	shalt  }
0x61: {  	_ =	shalt  }
0x62: {  	_ =	shalt  }
0x63: {  	_ =	shalt  }
0x64: {  	_ =	shalt  }
0x65: {  	_ =	shalt  }
0x66: {  	_ =	shalt  }
0x67: {  	_ =	shalt  }
0x68: {  	_ =	shalt  }
0x69: {  	_ =	shalt  }
0x6a: {  	_ =	shalt  }
0x6b: {  	_ =	shalt  }
0x6c: {  	_ =	shalt  }
0x6d: {  	_ =	shalt  }
0x6e: {  	_ =	shalt  }
0x6f: {  	_ =	shalt  }
0x70: {  	_ =	shalt  }
0x71: {  	_ =	shalt  }
0x72: {  	_ =	shalt  }
0x73: {  	_ =	shalt  }
0x74: {  	_ =	shalt  }
0x75: {  	_ =	shalt  }
0x76: {  	_ =	shalt  }
0x77: {  	_ =	shalt  }
0x78: {  	_ =	shalt  }
0x79: {  	_ =	shalt  }
0x7a: {  	_ =	shalt  }
0x7b: {  	_ =	shalt  }
0x7c: {  	_ =	shalt  }
0x7d: {  	_ =	shalt  }
0x7e: {  	_ =	shalt  }
0x7f: {  	_ =	shalt  }
0x80: {  	_ =	shalt  }
0x81: {  	_ =	shalt  }
0x82: {  	_ =	shalt  }
0x83: {  	_ =	shalt  }
0x84: {  	_ =	shalt  }
0x85: {  	_ =	shalt  }
0x86: {  	_ =	shalt  }
0x87: {  	_ =	shalt  }
.Lfunc_end0:
.L_simem_size_0:
called_computation_lowered:
.L_overlay_start_0:
0x88: {  	s2 =	sld [smem:$0x3FD9]  }
0x89: {  	s3 =	sld [smem:$0x3FFE];
	_ =	sdelay $0x1  }
0x8a: {  	s1 =	srdreg.scid  }
0x8b: {  	s0 =	sand.u32 $0x1, s1  }
0x8c: {  	s17 =	sshll.u32 s0, $0xA;
	s2 =	sadd.s32 s3, s2  }
0x8d: {  	s2 =	sadd.s32 s2, s17  }
0x8e: {  	[smem:$0x3FC6] =	sst s2  }
0x8f: {  	_ = 	snop  }
0x90: {  	s2 =	sld [smem:$0x3FC9];
	(tm) =	ssettm $0x1  }
0x91: {  	s18 =	sld [smem:$0x3FFB];
	_ =	sdelay $0x3  }
0x92: {  	_ =	strace s18  }
0x93: {  	s3 =	sld [smem:$0x3FFC];
	_ =	sdelay $0x3  }
0x94: {  	_ =	strace s3  }
0x95: {  	s3 =	sld [smem:$0x3FFD];
	_ =	sdelay $0x3  }
0x96: {  	_ =	strace s3  }
0x97: {  	_ =	strace $0x8FFFFFFF  }
0x98: {  	s19 =	sld [smem:$0x3FDB];
	_ =	sdelay $0x1  }
0x99: {  	s4 =	simm.s32 $_scs_section_size  }
0x9a: {  	s5 =	simm.s32 $_size__tile_overlayer_lowered;
	s6 =	simm.s32 $_tile_overlayer_lowered  }
0x9b: {  	s22 =	simm.s32 $0x1BFF;
	s21 =	sshll.u32 s6, $0x1;
	s3 =	sadd.s32 s4, s19  }
0x9c: {  	s7 =	simm.s32 $0x0;
	s20 =	sshll.u32 s5, $0x1;
	s5 =	sadd.s32 s21, s3  }
0x9d: {  	[timem:s7], [sflag:s22] =	dma.local [hbm:s5], s20  }
0x9e: {  	_ =	swait.ge [sflag:s22], s20  }
0x9f: {  	s4 =	ssub.s32 $0x0, s20;
	[sflag:s22] =	ssyncset.done $0x0  }
0xa0: {  	[sflag:s22] =	ssyncadd.s32 s4;
	_ =	sdelay $0x1  }
0xa1: {  	s23 =	simm.s32 $0x1B8B  }
0xa2: {  	_ =	swait.ge [sflag:s23], $0x1  }
0xa3: {  	[sflag:s23] =	ssyncset.done $0x0  }
0xa4: {  	s25 =	simm.s32 $0x1B8E;
	s24 =	sld [smem:$0x3FFE];
	[sflag:s23] =	ssyncadd.s32 $0xFFFFFFFF  }
0xa5: {  	s26 =	simm.s32 $execute0_lowered;
	[smem:$0x3FD2] =	sst s25  }
0xa6: {  	s5 =	sshll.u32 s26, $0x1;
	_ =	strace $0x80000046;
	[dreg:$0x1] =	wrdreg $0xFFFFFFFF  }
0xa7: {  	s28 =	simm.s32 $_size_execute0_lowered;
	s3 =	sadd.s32 s3, s5;
	[dreg:$0x0] =	wrdreg $0x0  }
0xa8: {  	s5 =	sshll.u32 s28, $0x1;
	[dreg:$0x2] =	wrdreg s3  }
0xa9: {  	[dreg:$0x3] =	wrdreg s5  }
0xaa: {  	[dreg:$0x4] =	wrdreg $0xC0  }
0xab: {  	_ =	task [dreg:s7], $0x5FFFF  }
0xac: {  	[dreg:$0x1] =	wrdreg $0xFFFFFFFF  }
0xad: {  	[dreg:$0x0] =	wrdreg $0x60  }
0xae: {  	[dreg:$0x2] =	wrdreg s2  }
0xaf: {  	[dreg:$0x3] =	wrdreg s24  }
0xb0: {  	[dreg:$0x4] =	wrdreg $0x9  }
0xb1: {  	_ =	task.clear_ibuf [dreg:s7], $0x5FFFF;
	_ =	strace $0x90000046  }
0xb2: {  	s29 =	simm.s32 $0x9;
	_ =	strace $0x80000048  }
0xb3: {  	_ =	swait.ge [sflag:s29], $0x1  }
0xb4: {  	[sflag:s29] =	ssyncadd.s32 $0xFFFFFFFF  }
0xb5: {  	_ =	strace $0x90000048  }
0xb6: {  	_ =	sfence  }
0xb7: {  	s30 =	sld [smem:$0x0];
	_ =	sdelay $0x2  }
0xb8: {  	s31 =	sshll.u32 s1, $0xD;
	s1 =	sshrl.u32 s1, $0x2  }
0xb9: {  	s3 =	sand.u32 $0x4000, s31;
	s1 =	sadd.s32 s1, s30  }
0xba: {  	s0 =	sor.u32 s3, s0;
	s1 =	sshll.u32 s1, $0x11  }
0xbb: {  	s0 =	sor.u32 s1, s0  }
0xbc: {  	s0 =	sadd.s32 $0x8F2B, s0  }
0xbd: {  	[sflag:s0] =	ssyncadd.remote.s32 $0x1  }
0xbe: {  	_ =	sfence.sel $0xFFFF  }
0xbf: {  	[dreg:$0x0] =	wrdreg $0xFFFFFFFF;
	(pc) =	sbr.abs _section_cstart, $3  }
0xc0: {  	[dreg:$0x1] =	wrdreg $0xFFFFFFFF  }
0xc1: {  	_ =	task.clear_ibuf [dreg:s7], $0x2FFFF;
	_ =	strace $0x9FFFFFFF  }
0xc2: {  	(tm) =	ssettm $0x7FFFFFFF  }
0xc3: {  	_ =	shalt  }
tec
execute0_lowered:
.L_overlay_start_1:
0x0: {  	(tag) =	ssettag $0x1  }
0x1: {  	s2 =	rddreg [dreg:$0x0]  }
0x2: {  	s1 =	srdreg.scid;
	s5 =	rddreg [dreg:$0x1]  }
0x3: {  	s3 =	simm.s32 $0x0;
	s4 =	sand.u32 $0x1, s1;
	s1 =	rddreg [dreg:$0x2]  }
0x4: {  	s9 =	simm.s32 $0x2400;
	[smem:$0x7FF] =	sst s3  }
0x5: {  	s10 =	simm.s32 $0x2800;
	_ =	strace $0x80000047;
	[dreg:$0x7] =	wrdreg s9  }
0x6: {  	s11 =	simm.s32 $0x2C00;
	[dreg:$0x8] =	wrdreg s10  }
0x7: {  	s12 =	simm.s32 $0x3000;
	[dreg:$0x9] =	wrdreg s11  }
0x8: {  	s13 =	simm.s32 $0x3400;
	[dreg:$0xa] =	wrdreg s12  }
0x9: {  	s14 =	simm.s32 $0x3800;
	[dreg:$0xb] =	wrdreg s13  }
0xa: {  	s15 =	simm.s32 $0x3C00;
	[dreg:$0xc] =	wrdreg s14  }
0xb: {  	s16 =	simm.s32 $0x4000;
	[dreg:$0xd] =	wrdreg s15  }
0xc: {  	s17 =	simm.s32 $0x4400;
	[dreg:$0xe] =	wrdreg s16  }
0xd: {  	s18 =	simm.s32 $0x4800;
	[dreg:$0xf] =	wrdreg s17  }
0xe: {  	s19 =	simm.s32 $0x4C00;
	[dreg:$0x10] =	wrdreg s18  }
0xf: {  	s20 =	simm.s32 $0x5000;
	[dreg:$0x11] =	wrdreg s19  }
0x10: {  	s21 =	simm.s32 $0x5400;
	[dreg:$0x12] =	wrdreg s20  }
0x11: {  	s22 =	simm.s32 $0x5800;
	[dreg:$0x13] =	wrdreg s21  }
0x12: {  	s23 =	simm.s32 $0x5C00;
	[dreg:$0x14] =	wrdreg s22  }
0x13: {  	s24 =	simm.s32 $0x6000;
	[dreg:$0x15] =	wrdreg s23  }
0x14: {  	s25 =	simm.s32 $0x6400;
	[dreg:$0x16] =	wrdreg s24  }
0x15: {  	s28 =	simm.s32 $0x6800;
	[dreg:$0x17] =	wrdreg s25  }
0x16: {  	s0 =	stileid.u32;
	s29 =	simm.s32 $0x6C00;
	[dreg:$0x18] =	wrdreg s28  }
0x17: {  	s30 =	simm.s32 $0x7000;
	s6 =	sshll.u32 s0, $0x1;
	[dreg:$0x19] =	wrdreg s29  }
0x18: {  	s31 =	simm.s32 $0x7400;
	s6 =	sor.u32 s4, s6;
	[dreg:$0x1a] =	wrdreg s30  }
0x19: {  	s4 =	ssub.s32 $0x2, s4;
	[dreg:$0x1b] =	wrdreg s31;
	s9 =	simm.s32 $0x7800  }
0x1a: {  	v62 =	vlaneseq.u32;
	s7 =	sshll.u32 s6, $0x7;
	s8 =	sshll.u32 s6, $0x4;
	s6 =	sshll.u32 s6, $0x5  }
0x1b: {  	v1 =	vmul.u32 $0x400, v62;
	s26 =	sshrl.u32 s4, $0x1;
	[dreg:$0x1c] =	wrdreg s9;
	s7 =	sadd.s32 s7, s5  }
0x1c: {  	vm0 =	vcmask $0x704;
	s5 =	sadd.s32 s8, s5;
	s8 =	simm.s32 $0x2000;
	s4 =	ssub.s32 s4, s26  }
0x1d: {  	vm1 =	vcmask $0xB08;
	[tilespmem:$0x1FFE0] =	vst v1;
	v63 =	vor.u32 $0x4000, v1;
	v0 =	vmov s6;
	s6 =	simm.s32 $0x400;
	s7 =	sadd.s32 $0x200, s7;
	[dreg:$0x6] =	wrdreg s8  }
0x1e: {  	vm2 =	vcmask $0xF0C;
	vm3 =	vcmask $0x1310;
	vm4 =	vcmask $0x1714;
	[tilespmem:$0x1FFF0] =	vst v63;
	s5 =	sadd.s32 $0x1200, s5;
	s4 =	smax.u32 s4, $0x1;
	[dreg:$0x3] =	wrdreg s7  }
0x1f: {  	vm5 =	vcmask $0x1B18;
	vm6 =	vcmask $0x1F1C;
	[tilespmem:$0x1FFC0] =	vst v0;
	v0 =	vor.u32 $0x10, v62;
	s8 =	simm.s32 $0x1;
	[dreg:$0x4] =	wrdreg s5;
	s7 =	simm.s32 $0x1C00  }
0x20: {  	vm14 =	vcmask $0x3F3C;
	vm15 =	vmmov $0xff;
	v36 =	vlaneseq.u32;
	s5 =	simm.s32 $0x2;
	[tilespmem:$0x1FFD0] =	vst v0;
	[dreg:$0x5] =	wrdreg s7;
	s7 =	simm.s32 $0x1800  }
.LBB2_1:
0x21: {  	s9 =	rddreg [dreg:$0x3]  }
0x22: {  	[tilespmem:s3], [sflag:$0x2] =	stream.linear.gather [hbm4b:s9+s3], $0x280, $0x38;
	[tilespmem:$0x7880] =	vst v63  }
0x23: {  	_ =	swait.ge [sflag:s5], $0x280  }
0x24: {  	[sflag:s5] =	ssyncset.done $0x0  }
0x25: {  	[sflag:s5] =	ssyncadd.s32 $0xFFFFFD80  }
0x26: {  	v0 =	vld [tilespmem:$0x100]  }
0x27: {  	v1 =	vld [tilespmem:$0x180];
	_ =	sdelay $0x4  }
0x28: {  	v2 =	vmul.f32 $5.120000000e+02, v0;
	v3 =	vmul.f32 $5.120000000e+02, v1;
	_ =	sdelay $0x1  }
0x29: {  	v5 =	vmul.f32 v3, v2  }
0x2a: {  	v7 =	vmin.f32 v2, $4.200000000e+01;
	v8 =	vmin.f32 v3, $4.400000000e+01  }
0x2b: {  	v9 =	vmin.f32 v2, $8.800000000e+01;
	v7 =	vmul.f32 v8, v7;
	v33 =	vadd.f32 $1.848000000e+03, v5  }
0x2c: {  	v11 =	vmin.f32 v3, $9.600000000e+01;
	v12 =	vmin.f32 v2, $1.450000000e+02;
	v13 =	vmin.f32 v3, $2.400000000e+02  }
0x2d: {  	v9 =	vmul.f32 v11, v9;
	v34 =	vadd.f32 $8.448000000e+03, v5;
	v8 =	vsub.f32 v33, v7  }
0x2e: {  	v39 =	vmin.f32 v2, $2.820000000e+02;
	v14 =	vmin.f32 v3, $1.500000000e+02;
	v12 =	vmul.f32 v13, v12  }
0x2f: {  	v35 =	vadd.f32 $3.480000000e+04, v5;
	v37 =	vsub.f32 v34, v9;
	(erf) = vrcp.f32 v8  }
0x30: {  	v2 =	vmin.f32 v2, $3.500000000e+02;
	v3 =	vmin.f32 v3, $3.300000000e+02;
	v40 =	vmul.f32 v14, v39  }
0x31: {  	v41 =	vadd.f32 $4.230000000e+04, v5;
	v38 =	vsub.f32 v35, v12;
	(erf) = vrcp.f32 v37  }
0x32: {  	v2 =	vmul.f32 v3, v2  }
0x33: {  	v43 =	vadd.f32 $1.155000000e+05, v5;
	v42 =	vsub.f32 v41, v40;
	(erf) = vrcp.f32 v38;
	_ =	sdelay $0x1  }
0x34: {  	v3 =	vsub.f32 v43, v2;
	(erf) = vrcp.f32 v42;
	_ =	sdelay $0x1  }
0x35: {  	(erf) = vrcp.f32 v3  }
0x36: {  	v44 =	vpop (erf)  }
0x37: {  	v3 =	vmul.f32 v44, v7  }
0x38: {  	v45 =	vpop (erf)  }
0x39: {  	v5 =	vmul.f32 v45, v9;
	vm7 =	vgt.f32 v3, $-1.000000000e+00  }
0x3a: {  	v46 =	vpop (erf);
	v3 =	vnsel vm7, $0xBF800000, v3  }
0x3b: {  	v7 =	vmul.f32 v46, v12;
	vm7 =	vgt.f32 v5, v3  }
0x3c: {  	v47 =	vpop (erf);
	v3 =	vsel vm7, v5, v3  }
0x3d: {  	v5 =	vmul.f32 v47, v40;
	vm8 =	vgt.f32 v7, v3  }
0x3e: {  	v48 =	vpop (erf);
	v3 =	vsel vm8, v7, v3  }
0x3f: {  	v4 =	vimm.s32 $0x0;
	v2 =	vmul.f32 v48, v2;
	vm9 =	vgt.f32 v5, v3  }
0x40: {  	v49 =	vsel vm7, $0x1, v4;
	v3 =	vsel vm9, v5, v3  }
0x41: {  	v50 =	vsel vm8, $0x2, v49;
	vm7 =	vgt.f32 v2, v3  }
0x42: {  	v51 =	vsel vm9, $0x3, v50;
	vm8 =	vmneg vm7  }
0x43: {  	v20 =	vnsel vm8, $0x4, v51  }
0x44: {  	v6 =	vimm.f32 $2.625000000e+00;
	vm10 =	veq.s32 v20, $0x1  }
0x45: {  	vm11 =	veq.s32 v20, $0x2;
	v52 =	vsel vm10, $0x40B00000, v6  }
0x46: {  	vm9 =	vmand vm9, vm8;
	v2 =	vsel vm11, $0x41110000, v52  }
0x47: {  	v2 =	vsel vm9, $0x418D0000, v2  }
0x48: {  	v2 =	vnsel vm8, $0x41AF0000, v2  }
0x49: {  	(erf) = vrcp.f32 v2;
	_ =	sdelay $0x7  }
0x4a: {  	v0 =	vmul.f32 $3.200000000e+01, v0  }
0x4b: {  	v2 =	vpop (erf)  }
0x4c: {  	v0 =	vmul.f32 v2, v0;
	_ =	sdelay $0x1  }
0x4d: {  	v16 =	vadd.f32 $1.000000020e-16, v0;
	_ =	sdelay $0x1  }
0x4e: {  	v0 =	vand.u32 $0x7FFFFF, v16  }
0x4f: {  	v0 =	vor.u32 $0x3F800000, v0  }
0x50: {  	v53 =	vmul.f32 $5.000000000e-01, v0  }
0x51: {  	v10 =	vimm.f32 $2.750000000e+00;
	vm7 =	vgt.f32 v0, $1.414213540e+00  }
0x52: {  	v54 =	vsel vm10, $0x40C00000, v10;
	v19 =	vsel vm7, v53, v0  }
0x53: {  	v55 =	vsel vm11, $0x41700000, v54;
	v2 =	vadd.f32 $1.000000000e+00, v19  }
0x54: {  	v0 =	vsel vm9, $0x41160000, v55  }
0x55: {  	v0 =	vnsel vm8, $0x41A50000, v0;
	(erf) = vrcp.f32 v2  }
0x56: {  	(erf) = vrcp.f32 v0;
	_ =	sdelay $0x5  }
0x57: {  	v57 =	vld [tilespmem:$0x80]  }
0x58: {  	v56 =	vld [tilespmem:$0x0]  }
0x59: {  	v1 =	vmul.f32 $3.200000000e+01, v1;
	v2 =	vld [tilespmem:$0x190];
	v30 =	vpop (erf)  }
0x5a: {  	v0 =	vld [tilespmem:$0x110];
	v58 =	vpop (erf)  }
0x5b: {  	v1 =	vmul.f32 v58, v1  }
0x5c: {  	v15 =	vmul.f32 $3.200000000e+01, v57  }
0x5d: {  	v14 =	vmul.f32 $3.200000000e+01, v56;
	v13 =	vadd.f32 $1.000000020e-16, v1  }
0x5e: {  	v62 =	vtrunc.f32 v15;
	v60 =	vmul.f32 $5.120000000e+02, v2  }
0x5f: {  	v3 =	vtrunc.f32 v14;
	v59 =	vmul.f32 $5.120000000e+02, v0;
	v61 =	vand.u32 $0x7FFFFF, v13  }
0x60: {  	v3 =	vcvt.f32.s32 v3;
	v17 =	vmin.f32 v60, $4.400000000e+01;
	v7 =	vor.u32 $0x3F800000, v61  }
0x61: {  	v31 =	vmin.f32 v60, $9.600000000e+01;
	v63 =	vmul.f32 v60, v59;
	v26 =	vmul.f32 $5.000000000e-01, v7  }
0x62: {  	v24 =	vmin.f32 v60, $2.400000000e+02;
	v27 =	vmin.f32 v59, $4.200000000e+01;
	vm8 =	vgt.f32 v7, $1.414213540e+00  }
0x63: {  	v12 =	vmul.f32 v17, v27;
	v28 =	vadd.f32 $1.848000000e+03, v63;
	v22 =	vsel vm8, v26, v7  }
0x64: {  	v29 =	vmin.f32 v59, $8.800000000e+01;
	v21 =	vmin.f32 v59, $1.450000000e+02;
	v18 =	vadd.f32 $1.000000000e+00, v22  }
0x65: {  	v32 =	vadd.f32 $8.448000000e+03, v63;
	v17 =	vsub.f32 v28, v12;
	v7 =	vmul.f32 v31, v29  }
0x66: {  	v21 =	vmul.f32 v24, v21;
	(erf) = vrcp.f32 v18  }
0x67: {  	v33 =	vadd.f32 $3.480000000e+04, v63;
	v11 =	vsub.f32 v32, v7;
	(erf) = vrcp.f32 v17  }
0x68: {  	v8 =	vcvt.f32.s32 v62  }
0x69: {  	vm9 =	vgt.s32 v3, $0x0;
	v34 =	vsub.f32 v33, v21;
	(erf) = vrcp.f32 v11  }
0x6a: {  	v44 =	vshll.u32 v20, $0xA;
	vm10 =	vgt.s32 v8, $0x0;
	v3 =	vnsel vm9, $0x0, v3  }
0x6b: {  	v8 =	vnsel vm10, $0x0, v8;
	v25 =	vmin.u32 v3, $0x1F;
	(erf) = vrcp.f32 v34  }
0x6c: {  	v38 =	vmin.f32 v60, $1.500000000e+02;
	v5 =	vmin.f32 v60, $3.300000000e+02;
	v35 =	vmin.f32 v59, $2.820000000e+02  }
0x6d: {  	v27 =	vmul.f32 v38, v35;
	v24 =	vmin.u32 v8, $0x1F;
	v39 =	vadd.f32 $4.230000000e+04, v63  }
0x6e: {  	v41 =	vadd.f32 $1.155000000e+05, v63;
	v43 =	vshll.u32 v24, $0x5;
	v1 =	vmin.f32 v59, $3.500000000e+02  }
0x6f: {  	v45 =	vand.u32 $0x380, v43;
	v3 =	vand.u32 $0x60, v43;
	v1 =	vmul.f32 v5, v1;
	v26 =	vpop (erf)  }
0x70: {  	v46 =	vor.u32 v45, v44;
	v3 =	vor.u32 v3, v25;
	v11 =	vsub.f32 v39, v27;
	v28 =	vpop (erf)  }
0x71: {  	v3 =	vor.u32 v3, v46;
	v5 =	vsub.f32 v41, v1;
	v47 =	vmul.f32 v28, v12  }
0x72: {  	(erf) = vrcp.f32 v11;
	v49 =	vpop (erf)  }
0x73: {  	v42 =	vld [tilespmem:$0x90];
	(erf) = vrcp.f32 v5;
	v5 =	vmul.f32 v49, v7;
	vm9 =	vgt.f32 v47, $-1.000000000e+00  }
0x74: {  	v40 =	vld [tilespmem:$0x10];
	v54 =	vpop (erf);
	v53 =	vnsel vm9, $0xBF800000, v47  }
0x75: {  	v51 =	vld [tilespmem:$0x200];
	v9 =	vmul.f32 v54, v21;
	vm10 =	vgt.f32 v5, v53  }
0x76: {  	v37 =	vimm.s32 $0x0;
	v55 =	vld [tilespmem:$0x210];
	[tilespmem:v3+s6+$0x0] =	vst.idx.msk $0x1, v36;
	v5 =	vsel vm10, v5, v53  }
0x77: {  	[tilespmem:v3+s6+$0x0] =	vst.idx.msk vm0, v36;
	v62 =	vsel vm10, $0x1, v37;
	vm11 =	vgt.f32 v9, v5  }
0x78: {  	[tilespmem:v3+s6+$0x0] =	vst.idx.msk vm1, v36;
	v5 =	vsel vm11, v9, v5;
	v63 =	vsel vm11, $0x2, v62;
	vm11 =	vcmask $0x2320  }
0x79: {  	[tilespmem:v3+s6+$0x0] =	vst.idx.msk vm2, v36  }
0x7a: {  	[tilespmem:v3+s6+$0x0] =	vst.idx.msk vm3, v36  }
0x7b: {  	[tilespmem:v3+s6+$0x0] =	vst.idx.msk vm4, v36  }
0x7c: {  	[tilespmem:v3+s6+$0x0] =	vst.idx.msk vm5, v36  }
0x7d: {  	[tilespmem:v3+s6+$0x0] =	vst.idx.msk vm6, v36  }
0x7e: {  	[tilespmem:v3+s6+$0x0] =	vst.idx.msk vm11, v36;
	vm11 =	vcmask $0x2724;
	_ =	sdelay $0x3  }
0x7f: {  	v60 =	vld [tilespmem:$0x1FFC0];
	v18 =	vmul.f32 $3.200000000e+01, v40  }
0x80: {  	v48 =	vmul.f32 $3.200000000e+01, v42  }
0x81: {  	v50 =	vtrunc.f32 v18;
	[tilespmem:v3+s6+$0x0] =	vst.idx.msk vm11, v36;
	vm11 =	vcmask $0x2B28  }
0x82: {  	v56 =	vtrunc.f32 v48;
	v52 =	vcvt.f32.s32 v50  }
0x83: {  	v17 =	vcvt.f32.s32 v56  }
0x84: {  	v61 =	vor.u32 v60, v24;
	v57 =	vpop (erf);
	vm9 =	vgt.s32 v52, $0x0  }
0x85: {  	v8 =	vmul.f32 v57, v27;
	v7 =	vnsel vm9, $0x0, v52;
	vm9 =	vgt.s32 v17, $0x0  }
0x86: {  	v21 =	vmin.u32 v7, $0x1F;
	v58 =	vnsel vm9, $0x0, v17;
	v7 =	vshll.u32 v61, $0x5;
	v59 =	vpop (erf)  }
0x87: {  	vm9 =	vgt.f32 v8, v5;
	v1 =	vmul.f32 v59, v1;
	[tilespmem:v3+s6+$0x0] =	vst.idx.msk vm11, v36;
	vm11 =	vcmask $0x2F2C  }
0x88: {  	v11 =	vor.u32 v25, v7;
	v5 =	vsel vm9, v8, v5  }
0x89: {  	vm10 =	vgt.f32 v1, v5;
	v1 =	vshll.u32 v11, $0x4  }
0x8a: {  	(v2sf) =	vpush v1, $0x0  }
0x8b: {  	(v2sf) =	vpush v1, $0x1;
	_ =	sdelay $0x1  }
0x8c: {  	[tilespmem:v3+s6+$0x0] =	vst.idx.msk vm11, v36;
	vm11 =	vcmask $0x3330  }
0x8d: {  	(v2sf) =	vpush v1, $0x2;
	_ =	sdelay $0x2  }
0x8e: {  	(v2sf) =	vpush v1, $0x3;
	_ =	sdelay $0x1  }
0x8f: {  	[tilespmem:v3+s6+$0x0] =	vst.idx.msk vm11, v36;
	vm11 =	vcmask $0x3734;
	_ =	sdelay $0x2  }
0x90: {  	v17 =	vmin.u32 v58, $0x1F  }
0x91: {  	v23 =	vshll.u32 v17, $0x5  }
0x92: {  	v28 =	vand.u32 $0x380, v23;
	v12 =	vsel vm9, $0x3, v63;
	vm10 =	vmneg vm10  }
0x93: {  	v35 =	vnsel vm10, $0x4, v12;
	s23 =	spop (v2sf);
	(v2sf) =	vpush v1, $0x4;
	[tilespmem:v3+s6+$0x0] =	vst.idx.msk vm11, v36;
	vm11 =	vcmask $0x3B38  }
0x94: {  	v5 =	vand.u32 $0x60, v23;
	v27 =	vshll.u32 v35, $0xA;
	s24 =	spop (v2sf);
	(v2sf) =	vpush v1, $0x5  }
0x95: {  	v5 =	vor.u32 v5, v21;
	v7 =	vor.u32 v28, v27  }
0x96: {  	v33 =	vld [tilespmem:$0x1FFD0];
	v5 =	vor.u32 v5, v7  }
0x97: {  	s25 =	spop (v2sf);
	(v2sf) =	vpush v1, $0x6;
	_ =	sdelay $0x1  }
0x98: {  	[tilespmem:v3+s6+$0x0] =	vst.idx.msk vm11, v36  }
0x99: {  	s28 =	spop (v2sf);
	(v2sf) =	vpush v1, $0x7;
	[tilespmem:v3+s6+$0x0] =	vst.idx.msk vm14, v36  }
0x9a: {  	[tilespmem:v5+s6+$0x0] =	vst.idx.msk $0x1, v33  }
0x9b: {  	[tilespmem:v5+s6+$0x0] =	vst.idx.msk vm0, v33  }
0x9c: {  	[tilespmem:v5+s6+$0x0] =	vst.idx.msk vm1, v33  }
0x9d: {  	[tilespmem:v5+s6+$0x0] =	vst.idx.msk vm2, v33  }
0x9e: {  	[tilespmem:v5+s6+$0x0] =	vst.idx.msk vm3, v33  }
0x9f: {  	[tilespmem:v5+s6+$0x0] =	vst.idx.msk vm4, v33  }
0xa0: {  	[tilespmem:v5+s6+$0x0] =	vst.idx.msk vm5, v33  }
0xa1: {  	s9 =	sand.u32 $0xFFFFF80, s23;
	s30 =	spop (v2sf);
	(v2sf) =	vpush v1, $0x8;
	[tilespmem:v5+s6+$0x0] =	vst.idx.msk vm6, v33  }
0xa2: {  	s9 =	sadd.s32 s2, s9;
	s11 =	spop (v2sf);
	(v2sf) =	vpush v1, $0x9;
	v3 =	vld.idx.msk [tilespmem:v3+s6+$0x0], $0xffff  }
0xa3: {  	v29 =	vld.idx.msk [tilespmem:v5+s6+$0x0], $0xffff;
	[tilespmem:s7], [sflag:$0x1] =	stream.linear.gather [hbm4b:s9+s3], $0x400, $0x38  }
0xa4: {  	s9 =	sand.u32 $0xFFFFF80, s24  }
0xa5: {  	s10 =	rddreg [dreg:$0x5];
	s13 =	spop (v2sf);
	(v2sf) =	vpush v1, $0xA;
	s9 =	sadd.s32 s2, s9  }
0xa6: {  	[tilespmem:s10], [sflag:$0x1] =	stream.linear.gather [hbm4b:s9+s3], $0x400, $0x38;
	[tilespmem:$0x7880] =	vst v63  }
0xa7: {  	s9 =	sand.u32 $0xFFFFF80, s25  }
0xa8: {  	s26 =	rddreg [dreg:$0x6];
	s15 =	spop (v2sf);
	(v2sf) =	vpush v1, $0xB;
	s9 =	sadd.s32 s2, s9  }
0xa9: {  	[tilespmem:s26], [sflag:$0x1] =	stream.linear.gather [hbm4b:s9+s3], $0x400, $0x38;
	[tilespmem:$0x7880] =	vst v63  }
0xaa: {  	s9 =	sand.u32 $0xFFFFF80, s28  }
0xab: {  	s29 =	rddreg [dreg:$0x7];
	s9 =	sadd.s32 s2, s9  }
0xac: {  	[tilespmem:s29], [sflag:$0x1] =	stream.linear.gather [hbm4b:s9+s3], $0x400, $0x38;
	[tilespmem:$0x7880] =	vst v63  }
0xad: {  	s9 =	sand.u32 $0xFFFFF80, s30  }
0xae: {  	s31 =	rddreg [dreg:$0x8];
	s9 =	sadd.s32 s2, s9  }
0xaf: {  	[tilespmem:s31], [sflag:$0x1] =	stream.linear.gather [hbm4b:s9+s3], $0x400, $0x38;
	[tilespmem:$0x7880] =	vst v63  }
0xb0: {  	vm13 =	veq.s32 v35, $0x1;
	s17 =	spop (v2sf);
	(v2sf) =	vpush v1, $0xC;
	s9 =	sand.u32 $0xFFFFF80, s11  }
0xb1: {  	s12 =	rddreg [dreg:$0x9];
	v31 =	vsel vm13, $0x40B00000, v6;
	vm11 =	veq.s32 v35, $0x2;
	s19 =	spop (v2sf);
	(v2sf) =	vpush v1, $0xD;
	[tilespmem:$0x1FFB0] =	vst v3;
	s9 =	sadd.s32 s2, s9  }
0xb2: {  	vm12 =	vmand vm9, vm10;
	v3 =	vsel vm11, $0x41110000, v31;
	[tilespmem:s12], [sflag:$0x1] =	stream.linear.gather [hbm4b:s9+s3], $0x400, $0x38;
	[tilespmem:$0x7880] =	vst v63  }
0xb3: {  	v3 =	vsel vm12, $0x418D0000, v3;
	s9 =	sand.u32 $0xFFFFF80, s13  }
0xb4: {  	s14 =	rddreg [dreg:$0xa];
	s21 =	spop (v2sf);
	(v2sf) =	vpush v1, $0xE;
	v3 =	vnsel vm10, $0x41AF0000, v3;
	s9 =	sadd.s32 s2, s9  }
0xb5: {  	(erf) = vrcp.f32 v3;
	[tilespmem:s14], [sflag:$0x1] =	stream.linear.gather [hbm4b:s9+s3], $0x400, $0x38;
	[tilespmem:$0x7880] =	vst v63  }
0xb6: {  	s9 =	sand.u32 $0xFFFFF80, s15  }
0xb7: {  	s16 =	rddreg [dreg:$0xb];
	s23 =	spop (v2sf);
	(v2sf) =	vpush v1, $0xF;
	s9 =	sadd.s32 s2, s9  }
0xb8: {  	[tilespmem:s16], [sflag:$0x1] =	stream.linear.gather [hbm4b:s9+s3], $0x400, $0x38;
	[tilespmem:$0x7880] =	vst v63  }
0xb9: {  	s9 =	sand.u32 $0xFFFFF80, s17  }
0xba: {  	s18 =	rddreg [dreg:$0xc];
	s9 =	sadd.s32 s2, s9  }
0xbb: {  	v32 =	vor.u32 v60, v17;
	[tilespmem:s18], [sflag:$0x1] =	stream.linear.gather [hbm4b:s9+s3], $0x400, $0x38;
	[tilespmem:$0x7880] =	vst v63  }
0xbc: {  	v34 =	vshll.u32 v32, $0x5;
	s9 =	sand.u32 $0xFFFFF80, s19  }
0xbd: {  	s20 =	rddreg [dreg:$0xd];
	v0 =	vmul.f32 $3.200000000e+01, v0;
	v1 =	vor.u32 v21, v34;
	s9 =	sadd.s32 s2, s9  }
0xbe: {  	v1 =	vshll.u32 v1, $0x4;
	v38 =	vpop (erf);
	[tilespmem:s20], [sflag:$0x1] =	stream.linear.gather [hbm4b:s9+s3], $0x400, $0x38;
	[tilespmem:$0x7880] =	vst v63  }
0xbf: {  	s25 =	spop (v2sf);
	(v2sf) =	vpush v1, $0x0;
	s9 =	sand.u32 $0xFFFFF80, s21;
	v0 =	vmul.f32 v38, v0  }
0xc0: {  	s22 =	rddreg [dreg:$0xe];
	s28 =	spop (v2sf);
	(v2sf) =	vpush v1, $0x1;
	s9 =	sadd.s32 s2, s9  }
0xc1: {  	[tilespmem:s22], [sflag:$0x1] =	stream.linear.gather [hbm4b:s9+s3], $0x400, $0x38;
	v12 =	vadd.f32 $1.000000020e-16, v0;
	[tilespmem:$0x7880] =	vst v63  }
0xc2: {  	s9 =	sand.u32 $0xFFFFF80, s23  }
0xc3: {  	s24 =	rddreg [dreg:$0xf];
	s30 =	spop (v2sf);
	(v2sf) =	vpush v1, $0x2;
	s9 =	sadd.s32 s2, s9;
	v0 =	vand.u32 $0x7FFFFF, v12  }
0xc4: {  	[tilespmem:s24], [sflag:$0x1] =	stream.linear.gather [hbm4b:s9+s3], $0x400, $0x38;
	v0 =	vor.u32 $0x3F800000, v0;
	[tilespmem:$0x7880] =	vst v63  }
0xc5: {  	s9 =	sand.u32 $0xFFFFF80, s25;
	v39 =	vmul.f32 $5.000000000e-01, v0  }
0xc6: {  	s26 =	rddreg [dreg:$0x10];
	s11 =	spop (v2sf);
	(v2sf) =	vpush v1, $0x3;
	s9 =	sadd.s32 s2, s9;
	vm9 =	vgt.f32 v0, $1.414213540e+00  }
0xc7: {  	v40 =	vsel vm13, $0x40C00000, v10;
	[tilespmem:s26], [sflag:$0x1] =	stream.linear.gather [hbm4b:s9+s3], $0x400, $0x38;
	v52 =	vsel vm9, v39, v0;
	[tilespmem:$0x7880] =	vst v63  }
0xc8: {  	v41 =	vsel vm11, $0x41700000, v40;
	s9 =	sand.u32 $0xFFFFF80, s28;
	v3 =	vadd.f32 $1.000000000e+00, v52  }
0xc9: {  	s29 =	rddreg [dreg:$0x11];
	s9 =	sadd.s32 s2, s9;
	v0 =	vsel vm12, $0x41160000, v41  }
0xca: {  	[tilespmem:s29], [sflag:$0x1] =	stream.linear.gather [hbm4b:s9+s3], $0x400, $0x38;
	v0 =	vnsel vm10, $0x41A50000, v0;
	(erf) = vrcp.f32 v3;
	[tilespmem:$0x7880] =	vst v63  }
0xcb: {  	s9 =	sand.u32 $0xFFFFF80, s30;
	(erf) = vrcp.f32 v0  }
0xcc: {  	s31 =	rddreg [dreg:$0x12];
	s9 =	sadd.s32 s2, s9  }
0xcd: {  	[tilespmem:s31], [sflag:$0x1] =	stream.linear.gather [hbm4b:s9+s3], $0x400, $0x38;
	[tilespmem:$0x7880] =	vst v63  }
0xce: {  	s9 =	sand.u32 $0xFFFFF80, s11;
	s13 =	spop (v2sf);
	(v2sf) =	vpush v1, $0x4  }
0xcf: {  	s12 =	rddreg [dreg:$0x13];
	s9 =	sadd.s32 s2, s9;
	s15 =	spop (v2sf)  }
0xd0: {  	(v2sf) =	vpush v1, $0x5;
	[tilespmem:s12], [sflag:$0x1] =	stream.linear.gather [hbm4b:s9+s3], $0x400, $0x38;
	[tilespmem:$0x7880] =	vst v63  }
0xd1: {  	s9 =	sand.u32 $0xFFFFF80, s13  }
0xd2: {  	[tilespmem:$0x1FF60] =	vst v55;
	s14 =	rddreg [dreg:$0x14];
	s17 =	spop (v2sf);
	s9 =	sadd.s32 s2, s9  }
0xd3: {  	v42 =	vmul.f32 $3.200000000e+01, v2;
	(v2sf) =	vpush v1, $0x6;
	[tilespmem:s14], [sflag:$0x1] =	stream.linear.gather [hbm4b:s9+s3], $0x400, $0x38;
	v55 =	vpop (erf);
	[tilespmem:$0x7880] =	vst v63  }
0xd4: {  	s9 =	sand.u32 $0xFFFFF80, s15;
	v43 =	vpop (erf)  }
0xd5: {  	s16 =	rddreg [dreg:$0x15];
	s19 =	spop (v2sf);
	s9 =	sadd.s32 s2, s9;
	v0 =	vmul.f32 v43, v42  }
0xd6: {  	(v2sf) =	vpush v1, $0x7;
	[tilespmem:s16], [sflag:$0x1] =	stream.linear.gather [hbm4b:s9+s3], $0x400, $0x38;
	[tilespmem:$0x7880] =	vst v63  }
0xd7: {  	s9 =	sand.u32 $0xFFFFF80, s17;
	v11 =	vadd.f32 $1.000000020e-16, v0  }
0xd8: {  	s18 =	rddreg [dreg:$0x16];
	s9 =	sadd.s32 s2, s9  }
0xd9: {  	[tilespmem:s18], [sflag:$0x1] =	stream.linear.gather [hbm4b:s9+s3], $0x400, $0x38;
	v0 =	vand.u32 $0x7FFFFF, v11;
	[tilespmem:$0x7880] =	vst v63  }
0xda: {  	s9 =	sand.u32 $0xFFFFF80, s19;
	v0 =	vor.u32 $0x3F800000, v0  }
0xdb: {  	s20 =	rddreg [dreg:$0x17];
	s9 =	sadd.s32 s2, s9;
	v44 =	vmul.f32 $5.000000000e-01, v0  }
0xdc: {  	[tilespmem:s20], [sflag:$0x1] =	stream.linear.gather [hbm4b:s9+s3], $0x400, $0x38;
	vm10 =	vgt.f32 v0, $1.414213540e+00;
	[tilespmem:$0x7880] =	vst v63  }
0xdd: {  	s21 =	spop (v2sf);
	v53 =	vsel vm10, v44, v0  }
0xde: {  	s9 =	sand.u32 $0xFFFFF80, s21;
	v0 =	vadd.f32 $1.000000000e+00, v53  }
0xdf: {  	s22 =	rddreg [dreg:$0x18];
	s23 =	spop (v2sf);
	s9 =	sadd.s32 s2, s9  }
0xe0: {  	[tilespmem:s22], [sflag:$0x1] =	stream.linear.gather [hbm4b:s9+s3], $0x400, $0x38;
	(erf) = vrcp.f32 v0;
	[tilespmem:$0x7880] =	vst v63  }
0xe1: {  	s9 =	sand.u32 $0xFFFFF80, s23  }
0xe2: {  	s24 =	rddreg [dreg:$0x19];
	s25 =	spop (v2sf);
	s9 =	sadd.s32 s2, s9  }
0xe3: {  	[tilespmem:s24], [sflag:$0x1] =	stream.linear.gather [hbm4b:s9+s3], $0x400, $0x38;
	[tilespmem:$0x7880] =	vst v63  }
0xe4: {  	s9 =	sand.u32 $0xFFFFF80, s25  }
0xe5: {  	[tilespmem:$0x1FF20] =	vst v48;
	s26 =	rddreg [dreg:$0x1a];
	s28 =	spop (v2sf);
	s9 =	sadd.s32 s2, s9  }
0xe6: {  	[tilespmem:s26], [sflag:$0x1] =	stream.linear.gather [hbm4b:s9+s3], $0x400, $0x38;
	[tilespmem:$0x7880] =	vst v63  }
0xe7: {  	[tilespmem:$0x1FF40] =	vst v51;
	s9 =	sand.u32 $0xFFFFF80, s28  }
0xe8: {  	[tilespmem:$0x1FFA0] =	vst v29;
	s29 =	rddreg [dreg:$0x1b];
	s9 =	sadd.s32 s2, s9  }
0xe9: {  	[tilespmem:s29], [sflag:$0x1] =	stream.linear.gather [hbm4b:s9+s3], $0x400, $0x38;
	v54 =	vpop (erf);
	[tilespmem:$0x7880] =	vst v63  }
0xea: {  	_ =	swait.ge [sflag:s8], $0x400  }
0xeb: {  	[sflag:s8] =	ssyncset.done $0x0  }
0xec: {  	[sflag:s8] =	ssyncadd.s32 $0xFFFFFC00  }
0xed: {  	_ =	swait.ge [sflag:s8], $0x400  }
0xee: {  	[sflag:s8] =	ssyncset.done $0x0  }
0xef: {  	[sflag:s8] =	ssyncadd.s32 $0xFFFFFC00  }
0xf0: {  	_ =	swait.ge [sflag:s8], $0x400  }
0xf1: {  	[sflag:s8] =	ssyncset.done $0x0  }
0xf2: {  	[sflag:s8] =	ssyncadd.s32 $0xFFFFFC00  }
0xf3: {  	_ =	swait.ge [sflag:s8], $0x400  }
0xf4: {  	[sflag:s8] =	ssyncset.done $0x0  }
0xf5: {  	[sflag:s8] =	ssyncadd.s32 $0xFFFFFC00  }
0xf6: {  	_ =	swait.ge [sflag:s8], $0x400  }
0xf7: {  	[sflag:s8] =	ssyncset.done $0x0  }
0xf8: {  	[sflag:s8] =	ssyncadd.s32 $0xFFFFFC00  }
0xf9: {  	_ =	swait.ge [sflag:s8], $0x400  }
0xfa: {  	[sflag:s8] =	ssyncset.done $0x0  }
0xfb: {  	[sflag:s8] =	ssyncadd.s32 $0xFFFFFC00  }
0xfc: {  	_ =	swait.ge [sflag:s8], $0x400  }
0xfd: {  	[sflag:s8] =	ssyncset.done $0x0  }
0xfe: {  	[sflag:s8] =	ssyncadd.s32 $0xFFFFFC00  }
0xff: {  	_ =	swait.ge [sflag:s8], $0x400  }
0x100: {  	[sflag:s8] =	ssyncset.done $0x0  }
0x101: {  	[sflag:s8] =	ssyncadd.s32 $0xFFFFFC00  }
0x102: {  	_ =	swait.ge [sflag:s8], $0x400  }
0x103: {  	[sflag:s8] =	ssyncset.done $0x0  }
0x104: {  	[sflag:s8] =	ssyncadd.s32 $0xFFFFFC00  }
0x105: {  	_ =	swait.ge [sflag:s8], $0x400  }
0x106: {  	[sflag:s8] =	ssyncset.done $0x0  }
0x107: {  	[sflag:s8] =	ssyncadd.s32 $0xFFFFFC00  }
0x108: {  	_ =	swait.ge [sflag:s8], $0x400  }
0x109: {  	[sflag:s8] =	ssyncset.done $0x0  }
0x10a: {  	[sflag:s8] =	ssyncadd.s32 $0xFFFFFC00  }
0x10b: {  	_ =	swait.ge [sflag:s8], $0x400  }
0x10c: {  	[sflag:s8] =	ssyncset.done $0x0  }
0x10d: {  	[sflag:s8] =	ssyncadd.s32 $0xFFFFFC00  }
0x10e: {  	_ =	swait.ge [sflag:s8], $0x400  }
0x10f: {  	[sflag:s8] =	ssyncset.done $0x0  }
0x110: {  	[sflag:s8] =	ssyncadd.s32 $0xFFFFFC00  }
0x111: {  	_ =	swait.ge [sflag:s8], $0x400  }
0x112: {  	[sflag:s8] =	ssyncset.done $0x0  }
0x113: {  	[sflag:s8] =	ssyncadd.s32 $0xFFFFFC00  }
0x114: {  	_ =	swait.ge [sflag:s8], $0x400  }
0x115: {  	[sflag:s8] =	ssyncset.done $0x0  }
0x116: {  	[sflag:s8] =	ssyncadd.s32 $0xFFFFFC00  }
0x117: {  	_ =	swait.ge [sflag:s8], $0x400  }
0x118: {  	[sflag:s8] =	ssyncset.done $0x0  }
0x119: {  	[sflag:s8] =	ssyncadd.s32 $0xFFFFFC00  }
0x11a: {  	_ =	swait.ge [sflag:s8], $0x400  }
0x11b: {  	[sflag:s8] =	ssyncset.done $0x0  }
0x11c: {  	[sflag:s8] =	ssyncadd.s32 $0xFFFFFC00  }
0x11d: {  	_ =	swait.ge [sflag:s8], $0x400  }
0x11e: {  	[sflag:s8] =	ssyncset.done $0x0  }
0x11f: {  	[sflag:s8] =	ssyncadd.s32 $0xFFFFFC00  }
0x120: {  	_ =	swait.ge [sflag:s8], $0x400  }
0x121: {  	[sflag:s8] =	ssyncset.done $0x0  }
0x122: {  	[sflag:s8] =	ssyncadd.s32 $0xFFFFFC00  }
0x123: {  	_ =	swait.ge [sflag:s8], $0x400  }
0x124: {  	[sflag:s8] =	ssyncset.done $0x0  }
0x125: {  	[sflag:s8] =	ssyncadd.s32 $0xFFFFFC00  }
0x126: {  	_ =	swait.ge [sflag:s8], $0x400  }
0x127: {  	[sflag:s8] =	ssyncset.done $0x0  }
0x128: {  	[sflag:s8] =	ssyncadd.s32 $0xFFFFFC00  }
0x129: {  	_ =	swait.ge [sflag:s8], $0x400  }
0x12a: {  	[sflag:s8] =	ssyncset.done $0x0  }
0x12b: {  	[sflag:s8] =	ssyncadd.s32 $0xFFFFFC00  }
0x12c: {  	_ =	swait.ge [sflag:s8], $0x400  }
0x12d: {  	v47 =	vld [tilespmem:$0x1FFE0];
	_ =	sdelay $0x2  }
0x12e: {  	v45 =	vshll.u32 v25, $0x7  }
0x12f: {  	v46 =	vmul.u32 $0x19, v20;
	v0 =	vand.u32 $0x380, v45  }
0x130: {  	v0 =	vor.u32 v47, v0  }
0x131: {  	[sflag:s8] =	ssyncset.done $0x0;
	v2 =	vor.u32 v0, v46  }
0x132: {  	[sflag:s8] =	ssyncadd.s32 $0xFFFFFC00  }
0x133: {  	_ =	swait.ge [sflag:s8], $0x400  }
0x134: {  	[sflag:s8] =	ssyncset.done $0x0  }
0x135: {  	[sflag:s8] =	ssyncadd.s32 $0xFFFFFC00  }
0x136: {  	v2 =	vld.idx.msk [tilespmem:v2+s7+$0x0], $0xffff;
	_ =	sdelay $0x4  }
0x137: {  	v2 =	vsub.f32 $0.0e+00, v2;
	_ =	sdelay $0x1  }
0x138: {  	v31 =	vadd.s32 v0, v46;
	v48 =	vmul.f32 $1.442695020e+00, v2  }
0x139: {  	v1 =	vadd.s32 $0x1, v31  }
0x13a: {  	(erf) = vpow2.f32 v48;
	_ =	sdelay $0x3  }
0x13b: {  	v49 =	vld.idx.msk [tilespmem:v1+s7+$0x0], $0xffff  }
0x13c: {  	v50 =	vadd.s32 $0x4, v31  }
0x13d: {  	v51 =	vadd.s32 $0x5, v31  }
0x13e: {  	v56 =	vadd.s32 $0x6, v31  }
0x13f: {  	v57 =	vadd.s32 $0x7, v31  }
0x140: {  	v58 =	vadd.s32 $0x8, v31;
	v0 =	vsub.f32 $0.0e+00, v49;
	v60 =	vpop (erf)  }
0x141: {  	v59 =	vadd.s32 $0x9, v31;
	v1 =	vld.idx.msk [tilespmem:v50+s7+$0x0], $0xffff;
	v9 =	vadd.f32 $1.000000000e+00, v60  }
0x142: {  	v61 =	vadd.s32 $0xA, v31;
	v51 =	vld.idx.msk [tilespmem:v51+s7+$0x0], $0xffff;
	v0 =	vmul.f32 $1.442695020e+00, v0  }
0x143: {  	v62 =	vadd.s32 $0xB, v31;
	v50 =	vld.idx.msk [tilespmem:v56+s7+$0x0], $0xffff;
	(erf) = vrcp.f32 v9  }
0x144: {  	v63 =	vadd.s32 $0xC, v31;
	v49 =	vld.idx.msk [tilespmem:v57+s7+$0x0], $0xffff;
	(erf) = vpow2.f32 v0  }
0x145: {  	v20 =	vadd.s32 $0xD, v31;
	v48 =	vld.idx.msk [tilespmem:v58+s7+$0x0], $0xffff  }
0x146: {  	v23 =	vadd.s32 $0xE, v31;
	v47 =	vld.idx.msk [tilespmem:v59+s7+$0x0], $0xffff  }
0x147: {  	v27 =	vadd.s32 $0xF, v31;
	v46 =	vld.idx.msk [tilespmem:v61+s7+$0x0], $0xffff  }
0x148: {  	v28 =	vadd.s32 $0x10, v31;
	v45 =	vld.idx.msk [tilespmem:v62+s7+$0x0], $0xffff;
	v29 =	vmax.f32 v51, v50  }
0x149: {  	v32 =	vadd.s32 $0x11, v31;
	v44 =	vld.idx.msk [tilespmem:v63+s7+$0x0], $0xffff;
	v8 =	vmax.f32 v29, v49  }
0x14a: {  	v34 =	vadd.s32 $0x12, v31;
	v43 =	vld.idx.msk [tilespmem:v20+s7+$0x0], $0xffff;
	v8 =	vmax.f32 v8, v48  }
0x14b: {  	v42 =	vld.idx.msk [tilespmem:v23+s7+$0x0], $0xffff;
	v56 =	vadd.s32 $0x13, v31;
	v8 =	vmax.f32 v8, v47  }
0x14c: {  	v41 =	vld.idx.msk [tilespmem:v27+s7+$0x0], $0xffff;
	v57 =	vadd.s32 $0x14, v31;
	v8 =	vmax.f32 v8, v46;
	v59 =	vpop (erf)  }
0x14d: {  	v40 =	vld.idx.msk [tilespmem:v28+s7+$0x0], $0xffff;
	v1 =	vsub.f32 $0.0e+00, v1;
	v58 =	vadd.s32 $0x15, v31;
	v8 =	vmax.f32 v8, v45;
	v61 =	vpop (erf)  }
0x14e: {  	v39 =	vld.idx.msk [tilespmem:v32+s7+$0x0], $0xffff;
	v8 =	vmax.f32 v8, v44;
	v60 =	vadd.s32 $0x16, v31;
	v9 =	vadd.f32 $1.000000000e+00, v61  }
0x14f: {  	v38 =	vld.idx.msk [tilespmem:v34+s7+$0x0], $0xffff;
	v62 =	vadd.s32 $0x17, v31;
	v1 =	vmul.f32 $1.442695020e+00, v1;
	v8 =	vmax.f32 v8, v43  }
0x150: {  	v63 =	vadd.s32 $0x18, v31;
	v20 =	vld.idx.msk [tilespmem:v56+s7+$0x0], $0xffff;
	v8 =	vmax.f32 v8, v42;
	(erf) = vrcp.f32 v9  }
0x151: {  	v34 =	vld.idx.msk [tilespmem:v57+s7+$0x0], $0xffff;
	v4 =	vmax.f32 v8, v41;
	(erf) = vpow2.f32 v1  }
0x152: {  	v23 =	vld.idx.msk [tilespmem:v58+s7+$0x0], $0xffff;
	v6 =	vmax.f32 v4, v40  }
0x153: {  	v32 =	vld.idx.msk [tilespmem:v60+s7+$0x0], $0xffff;
	v1 =	vmax.f32 v6, v39  }
0x154: {  	v29 =	vld.idx.msk [tilespmem:v62+s7+$0x0], $0xffff;
	v1 =	vmax.f32 v1, v38  }
0x155: {  	v4 =	vld.idx.msk [tilespmem:v63+s7+$0x0], $0xffff;
	v7 =	vmax.f32 v1, v20  }
0x156: {  	v0 =	vmax.f32 v7, v34  }
0x157: {  	v0 =	vmax.f32 v0, v23  }
0x158: {  	v0 =	vmax.f32 v0, v32  }
0x159: {  	v0 =	vmax.f32 v0, v29;
	v56 =	vpop (erf)  }
0x15a: {  	v27 =	vmax.f32 v0, v4;
	v8 =	vpop (erf)  }
0x15b: {  	v9 =	vsub.f32 v51, v27;
	v0 =	vadd.f32 $1.000000000e+00, v8;
	_ =	sdelay $0x1  }
0x15c: {  	v10 =	vsub.f32 v50, v27;
	v1 =	vmul.f32 $1.442695020e+00, v9;
	(erf) = vrcp.f32 v0;
	_ =	sdelay $0x1  }
0x15d: {  	v57 =	vsub.f32 v49, v27;
	v28 =	vmul.f32 $1.442695020e+00, v10;
	(erf) = vpow2.f32 v1;
	_ =	sdelay $0x1  }
0x15e: {  	[tilespmem:$0x1FF30] =	vst v59;
	v59 =	vsub.f32 v48, v27;
	v58 =	vmul.f32 $1.442695020e+00, v57;
	(erf) = vpow2.f32 v28  }
0x15f: {  	v61 =	vsub.f32 v47, v27  }
0x160: {  	v60 =	vmul.f32 $1.442695020e+00, v59;
	(erf) = vpow2.f32 v58  }
0x161: {  	v63 =	vsub.f32 v46, v27;
	v62 =	vmul.f32 $1.442695020e+00, v61  }
0x162: {  	(erf) = vpow2.f32 v60  }
0x163: {  	v6 =	vmul.f32 $1.442695020e+00, v63;
	v5 =	vpop (erf);
	(erf) = vpow2.f32 v62  }
0x164: {  	v8 =	vsub.f32 v45, v27  }
0x165: {  	v10 =	vsub.f32 v44, v27;
	v7 =	vpop (erf);
	(erf) = vpow2.f32 v6  }
0x166: {  	v2 =	vmul.f32 $1.442695020e+00, v8;
	v1 =	vadd.f32 $0.0e+00, v7  }
0x167: {  	v57 =	vmul.f32 $1.442695020e+00, v10;
	v9 =	vpop (erf)  }
0x168: {  	v58 =	vsub.f32 v43, v27;
	(erf) = vpow2.f32 v2;
	v0 =	vadd.f32 v1, v9  }
0x169: {  	v61 =	vsub.f32 v42, v27;
	v28 =	vpop (erf)  }
0x16a: {  	v60 =	vmul.f32 $1.442695020e+00, v58;
	(erf) = vpow2.f32 v57;
	v0 =	vadd.f32 v0, v28  }
0x16b: {  	v63 =	vmul.f32 $1.442695020e+00, v61;
	v59 =	vpop (erf)  }
0x16c: {  	v6 =	vsub.f32 v41, v27;
	v0 =	vadd.f32 v0, v59;
	v62 =	vpop (erf);
	(erf) = vpow2.f32 v60  }
0x16d: {  	v9 =	vsub.f32 v40, v27  }
0x16e: {  	v8 =	vmul.f32 $1.442695020e+00, v6;
	v0 =	vadd.f32 v0, v62;
	v7 =	vpop (erf);
	(erf) = vpow2.f32 v63  }
0x16f: {  	v10 =	vmul.f32 $1.442695020e+00, v9;
	v28 =	vsub.f32 v39, v27  }
0x170: {  	(erf) = vpow2.f32 v8;
	v0 =	vadd.f32 v0, v7  }
0x171: {  	v58 =	vmul.f32 $1.442695020e+00, v28;
	v57 =	vpop (erf);
	(erf) = vpow2.f32 v10  }
0x172: {  	v60 =	vsub.f32 v38, v27;
	v0 =	vadd.f32 v0, v57  }
0x173: {  	v59 =	vpop (erf);
	(erf) = vpow2.f32 v58  }
0x174: {  	v63 =	vsub.f32 v20, v27;
	v62 =	vmul.f32 $1.442695020e+00, v60;
	v0 =	vadd.f32 v0, v59  }
0x175: {  	v8 =	vsub.f32 v34, v27;
	v61 =	vpop (erf)  }
0x176: {  	v7 =	vmul.f32 $1.442695020e+00, v63;
	(erf) = vpow2.f32 v62;
	v0 =	vadd.f32 v0, v61  }
0x177: {  	v28 =	vsub.f32 v23, v27;
	v6 =	vpop (erf)  }
0x178: {  	v10 =	vmul.f32 $1.442695020e+00, v8;
	(erf) = vpow2.f32 v7;
	v0 =	vadd.f32 v0, v6  }
0x179: {  	v58 =	vmul.f32 $1.442695020e+00, v28;
	v9 =	vpop (erf)  }
0x17a: {  	v59 =	vsub.f32 v32, v27;
	v57 =	vpop (erf);
	(erf) = vpow2.f32 v10;
	v0 =	vadd.f32 v0, v9  }
0x17b: {  	v62 =	vsub.f32 v29, v27  }
0x17c: {  	v61 =	vmul.f32 $1.442695020e+00, v59;
	v60 =	vpop (erf);
	(erf) = vpow2.f32 v58;
	v0 =	vadd.f32 v0, v57  }
0x17d: {  	v63 =	vmul.f32 $1.442695020e+00, v62  }
0x17e: {  	v6 =	vsub.f32 v4, v27;
	(erf) = vpow2.f32 v61;
	v0 =	vadd.f32 v0, v60  }
0x17f: {  	v7 =	vpop (erf)  }
0x180: {  	v8 =	vmul.f32 $1.442695020e+00, v6;
	(erf) = vpow2.f32 v63;
	v0 =	vadd.f32 v0, v7  }
0x181: {  	v9 =	vpop (erf)  }
0x182: {  	v58 =	vld [tilespmem:$0x1FFF0];
	(erf) = vpow2.f32 v8;
	v0 =	vadd.f32 v0, v9  }
0x183: {  	v10 =	vadd.f32 $-1.000000000e+00, v19;
	v19 =	vpop (erf)  }
0x184: {  	v0 =	vadd.f32 v0, v19  }
0x185: {  	v1 =	vmul.f32 v30, v10;
	v30 =	vshll.u32 v21, $0x7;
	v28 =	vpop (erf)  }
0x186: {  	[tilespmem:$0x1FF80] =	vst v5;
	v5 =	vmul.u32 $0x19, v35;
	v35 =	vand.u32 $0x380, v30;
	v0 =	vadd.f32 v0, v28  }
0x187: {  	v2 =	vor.u32 v58, v35;
	v57 =	vpop (erf)  }
0x188: {  	v59 =	vor.u32 v2, v5;
	v0 =	vadd.f32 v0, v57  }
0x189: {  	v7 =	vmul.f32 v1, v1;
	v60 =	vpop (erf)  }
0x18a: {  	v0 =	vadd.f32 v0, v60  }
0x18b: {  	v61 =	vmul.f32 $1.111111120e-01, v7;
	v62 =	vpop (erf)  }
0x18c: {  	v28 =	vadd.f32 v0, v62  }
0x18d: {  	v9 =	vadd.f32 $1.428571490e-01, v61;
	v63 =	vld.idx.msk [tilespmem:v59+s7+$0x0], $0xffff  }
0x18e: {  	v17 =	vcvt.s32.f32 v17;
	v8 =	vand.u32 $0x7FFFFF, v28  }
0x18f: {  	v30 =	vmul.f32 v9, v7;
	v57 =	vadd.f32 $-1.000000000e+00, v22;
	v8 =	vor.u32 $0x3F800000, v8  }
0x190: {  	v58 =	vsel vm7, $0x1, v37;
	v19 =	vadd.s32 v2, v5;
	v35 =	vmul.f32 $5.000000000e-01, v8  }
0x191: {  	v3 =	vadd.f32 $2.000000030e-01, v30;
	v22 =	vmul.f32 v26, v57;
	vm11 =	vgt.f32 v8, $1.414213540e+00  }
0x192: {  	v5 =	vadd.s32 $0x1, v19;
	v0 =	vsub.f32 $0.0e+00, v63;
	v35 =	vsel vm11, v35, v8  }
0x193: {  	v3 =	vmul.f32 v3, v7;
	v2 =	vmul.f32 v22, v22;
	v8 =	vadd.f32 $1.000000000e+00, v35  }
0x194: {  	v37 =	vsel vm8, $0x1, v37;
	v59 =	vshrl.u32 v16, $0x17;
	v0 =	vmul.f32 $1.442695020e+00, v0  }
0x195: {  	v3 =	vadd.f32 $3.333333430e-01, v3;
	v61 =	vmul.f32 $1.111111120e-01, v2;
	(erf) = vrcp.f32 v8  }
0x196: {  	v1 =	vadd.f32 v1, v1;
	v60 =	vand.u32 $0xFF, v59;
	(erf) = vpow2.f32 v0  }
0x197: {  	v5 =	vld.idx.msk [tilespmem:v5+s7+$0x0], $0xffff;
	v59 =	vadd.s32 $0x4, v19;
	v3 =	vmul.f32 v3, v7;
	v7 =	vadd.f32 $1.428571490e-01, v61  }
0x198: {  	v26 =	vadd.f32 $-1.000000000e+00, v52;
	v62 =	vcvt.s32.f32 v25;
	v63 =	vcvt.s32.f32 v24  }
0x199: {  	v10 =	vadd.f32 v22, v22;
	v3 =	vadd.f32 $1.000000000e+00, v3;
	v30 =	vmul.f32 v7, v2  }
0x19a: {  	v22 =	vadd.s32 $0x8, v19;
	v9 =	vsub.f32 v15, v63;
	v7 =	vmul.f32 v55, v26  }
0x19b: {  	v63 =	vadd.s32 $0x7, v19;
	v1 =	vmul.f32 v3, v1;
	v3 =	vadd.f32 $2.000000030e-01, v30  }
0x19c: {  	v5 =	vsub.f32 $0.0e+00, v5;
	v16 =	vld.idx.msk [tilespmem:v59+s7+$0x0], $0xffff;
	v59 =	vcvt.s32.f32 v21;
	v15 =	vmul.f32 v7, v7  }
0x19d: {  	v21 =	vadd.s32 $0xF, v19;
	v0 =	vadd.s32 v58, v60;
	v3 =	vmul.f32 v3, v2  }
0x19e: {  	v5 =	vmul.f32 $1.442695020e+00, v5;
	v58 =	vmul.f32 $1.111111120e-01, v15;
	v0 =	vadd.s32 $0xFFFFFF81, v0;
	v52 =	vpop (erf)  }
0x19f: {  	v8 =	vsub.f32 v14, v62;
	v0 =	vcvt.s32.f32 v0;
	v3 =	vadd.f32 $3.333333430e-01, v3;
	v57 =	vpop (erf)  }
0x1a0: {  	v55 =	vshrl.u32 v13, $0x17;
	v14 =	vadd.f32 $1.428571490e-01, v58;
	v13 =	vadd.f32 $1.000000000e+00, v57  }
0x1a1: {  	v60 =	vadd.s32 $0x5, v19;
	v0 =	vmul.f32 $6.931471820e-01, v0;
	v2 =	vmul.f32 v3, v2  }
0x1a2: {  	v61 =	vadd.s32 $0x6, v19;
	v62 =	vmul.f32 v14, v15;
	(erf) = vrcp.f32 v13  }
0x1a3: {  	v1 =	vadd.f32 v1, v0;
	v0 =	vand.u32 $0xFF, v55;
	(erf) = vpow2.f32 v5  }
0x1a4: {  	v12 =	vshrl.u32 v12, $0x17;
	v63 =	vld.idx.msk [tilespmem:v63+s7+$0x0], $0xffff;
	v0 =	vadd.s32 v37, v0;
	v37 =	vadd.s32 $0x9, v19  }
0x1a5: {  	v2 =	vadd.f32 $1.000000000e+00, v2;
	v30 =	vadd.f32 $2.000000030e-01, v62;
	v62 =	vld.idx.msk [tilespmem:v22+s7+$0x0], $0xffff;
	v22 =	vadd.s32 $0xD, v19  }
0x1a6: {  	v58 =	vadd.f32 $-1.000000000e+00, v53;
	v53 =	vadd.s32 $0xB, v19;
	v3 =	vld.idx.msk [tilespmem:v60+s7+$0x0], $0xffff;
	v57 =	vadd.s32 $0xA, v19  }
0x1a7: {  	v0 =	vadd.s32 $0xFFFFFF81, v0;
	v14 =	vmul.f32 v2, v10;
	v24 =	vmul.f32 v30, v15;
	v2 =	vld.idx.msk [tilespmem:v61+s7+$0x0], $0xffff  }
0x1a8: {  	v10 =	vmul.f32 v54, v58;
	[tilespmem:$0x1FF50] =	vst v52;
	v0 =	vcvt.s32.f32 v0;
	v52 =	vld.idx.msk [tilespmem:v21+s7+$0x0], $0xffff;
	v5 =	vadd.s32 $0xC, v19  }
0x1a9: {  	v25 =	vadd.s32 $0x10, v19;
	v24 =	vadd.f32 $3.333333430e-01, v24;
	v60 =	vld.idx.msk [tilespmem:v37+s7+$0x0], $0xffff;
	v37 =	vadd.s32 $0xE, v19  }
0x1aa: {  	[tilespmem:$0x1FF70] =	vst v4;
	v9 =	vsub.f32 v56, v9;
	v4 =	vmul.f32 v10, v10;
	v0 =	vmul.f32 $6.931471820e-01, v0;
	v54 =	vld.idx.msk [tilespmem:v22+s7+$0x0], $0xffff  }
0x1ab: {  	v30 =	vsub.f32 v18, v59;
	v21 =	vadd.s32 $0x14, v19;
	v15 =	vmul.f32 v24, v15;
	v59 =	vld.idx.msk [tilespmem:v57+s7+$0x0], $0xffff;
	v13 =	vpop (erf)  }
0x1ac: {  	v14 =	vadd.f32 v14, v0;
	v61 =	vmax.f32 v3, v2;
	v0 =	vmul.f32 $1.111111120e-01, v4;
	v57 =	vld.idx.msk [tilespmem:v53+s7+$0x0], $0xffff;
	v55 =	vpop (erf)  }
0x1ad: {  	v26 =	vmax.f32 v61, v63;
	v24 =	vadd.f32 $1.000000000e+00, v55;
	v55 =	vld.idx.msk [tilespmem:v5+s7+$0x0], $0xffff;
	v5 =	vadd.s32 $0x11, v19  }
0x1ae: {  	v22 =	vadd.s32 $0x12, v19;
	v6 =	vmax.f32 v26, v62;
	v53 =	vld.idx.msk [tilespmem:v37+s7+$0x0], $0xffff;
	v37 =	vadd.f32 $1.428571490e-01, v0  }
0x1af: {  	v12 =	vand.u32 $0xFF, v12;
	v58 =	vadd.s32 $0x13, v19;
	[tilespmem:$0x1FF90] =	vst v30;
	v30 =	vmax.f32 v6, v60  }
0x1b0: {  	v9 =	vmul.f32 v9, v9;
	v21 =	vld.idx.msk [tilespmem:v21+s7+$0x0], $0xffff;
	v0 =	vmul.f32 v37, v4;
	v18 =	vmax.f32 v30, v59  }
0x1b1: {  	v16 =	vsub.f32 $0.0e+00, v16;
	v61 =	vadd.s32 $0x15, v19;
	v26 =	vld.idx.msk [tilespmem:v25+s7+$0x0], $0xffff;
	v18 =	vmax.f32 v18, v57  }
0x1b2: {  	v6 =	vadd.s32 $0x16, v19;
	v0 =	vadd.f32 $2.000000030e-01, v0;
	v25 =	vld.idx.msk [tilespmem:v5+s7+$0x0], $0xffff;
	v37 =	vmax.f32 v18, v55  }
0x1b3: {  	(erf) = vrcp.f32 v24;
	v24 =	vld.idx.msk [tilespmem:v22+s7+$0x0], $0xffff;
	v5 =	vmax.f32 v37, v54;
	v37 =	vadd.s32 $0x17, v19  }
0x1b4: {  	v16 =	vmul.f32 $1.442695020e+00, v16;
	v30 =	vadd.s32 $0x18, v19;
	v22 =	vld.idx.msk [tilespmem:v58+s7+$0x0], $0xffff;
	v5 =	vmax.f32 v5, v53  }
0x1b5: {  	v7 =	vadd.f32 v7, v7;
	v0 =	vmul.f32 v0, v4;
	v58 =	vld [tilespmem:$0x1FF20];
	v5 =	vmax.f32 v5, v52  }
0x1b6: {  	v10 =	vadd.f32 v10, v10;
	(erf) = vpow2.f32 v16;
	v18 =	vld.idx.msk [tilespmem:v61+s7+$0x0], $0xffff;
	v5 =	vmax.f32 v5, v26  }
0x1b7: {  	v16 =	vld.idx.msk [tilespmem:v6+s7+$0x0], $0xffff;
	v6 =	vadd.f32 $3.333333430e-01, v0;
	v0 =	vimm.s32 $0x0;
	v5 =	vmax.f32 v5, v25  }
0x1b8: {  	v61 =	vadd.f32 $1.000000000e+00, v15;
	v15 =	vld.idx.msk [tilespmem:v37+s7+$0x0], $0xffff;
	v5 =	vmax.f32 v5, v24;
	v37 =	vsel vm9, $0x1, v0  }
0x1b9: {  	v4 =	vmul.f32 v6, v4;
	v37 =	vadd.s32 v37, v12;
	v12 =	vld.idx.msk [tilespmem:v30+s7+$0x0], $0xffff;
	v5 =	vmax.f32 v5, v22  }
0x1ba: {  	v58 =	vsub.f32 v58, v17;
	v30 =	vmul.f32 v61, v7;
	v5 =	vmax.f32 v5, v21  }
0x1bb: {  	v17 =	vadd.s32 $0xFFFFFF81, v37;
	v37 =	vshrl.u32 v11, $0x17;
	v5 =	vmax.f32 v5, v18  }
0x1bc: {  	v7 =	vand.u32 $0xFF, v37;
	v6 =	vcvt.s32.f32 v17;
	v5 =	vmax.f32 v5, v16  }
0x1bd: {  	v4 =	vadd.f32 $1.000000000e+00, v4;
	v61 =	vsel vm10, $0x1, v0;
	v5 =	vmax.f32 v5, v15  }
0x1be: {  	v11 =	vadd.s32 v61, v7;
	v6 =	vmul.f32 $6.931471820e-01, v6;
	v17 =	vmax.f32 v5, v12  }
0x1bf: {  	v4 =	vmul.f32 v4, v10;
	v0 =	vadd.s32 $0xFFFFFF81, v11;
	v7 =	vpop (erf);
	v61 =	vsub.f32 v3, v17  }
0x1c0: {  	v5 =	vcvt.s32.f32 v0;
	v37 =	vpop (erf);
	v6 =	vadd.f32 v30, v6;
	v30 =	vld [tilespmem:$0x1FF30];
	v3 =	vadd.f32 $0.0e+00, v3  }
0x1c1: {  	v56 =	vld [tilespmem:$0x1FF40];
	v7 =	vsub.f32 v7, v58;
	v10 =	vadd.f32 $1.000000000e+00, v37;
	v37 =	vadd.s32 $0x2, v31  }
0x1c2: {  	v0 =	vmul.f32 $6.931471820e-01, v5;
	v11 =	vmul.f32 $1.442695020e+00, v61;
	v61 =	vsub.f32 v2, v17  }
0x1c3: {  	v5 =	vsub.f32 v63, v17;
	v7 =	vmul.f32 v7, v7;
	(erf) = vrcp.f32 v10  }
0x1c4: {  	v4 =	vadd.f32 v4, v0;
	(erf) = vpow2.f32 v11;
	v61 =	vmul.f32 $1.442695020e+00, v61  }
0x1c5: {  	v5 =	vmul.f32 $1.442695020e+00, v5;
	v8 =	vsub.f32 v30, v8;
	v30 =	vsub.f32 v62, v17  }
0x1c6: {  	(erf) = vpow2.f32 v61;
	v61 =	vtrunc.f32 v56;
	v0 =	vld.idx.msk [tilespmem:v37+s7+$0x0], $0xffff;
	v37 =	vadd.f32 $0.0e+00, v51  }
0x1c7: {  	v51 =	vsub.f32 v60, v17;
	v56 =	vcvt.f32.s32 v61;
	v8 =	vmul.f32 v8, v8  }
0x1c8: {  	v31 =	vadd.s32 $0x3, v31;
	(erf) = vpow2.f32 v5;
	v5 =	vmul.f32 $1.442695020e+00, v30  }
0x1c9: {  	v61 =	vmul.f32 $1.442695020e+00, v51;
	vm7 =	vlt.s32 v56, $0x1;
	v8 =	vadd.f32 v9, v8  }
0x1ca: {  	v9 =	vnsel vm7, $0x0, v37;
	vm7 =	veq.s32 v56, $0x1;
	v37 =	vsub.f32 v59, v17  }
0x1cb: {  	(erf) = vpow2.f32 v5;
	v1 =	vsub.f32 v0, v1;
	v50 =	vnsel vm7, $0x0, v50  }
0x1cc: {  	vm7 =	veq.s32 v56, $0x2;
	v11 =	vpop (erf);
	(erf) = vpow2.f32 v61;
	v30 =	vmul.f32 $1.442695020e+00, v37  }
0x1cd: {  	v61 =	vsub.f32 v57, v17;
	v9 =	vadd.f32 v50, v9;
	v10 =	vnsel vm7, $0x0, v49;
	v51 =	vpop (erf)  }
0x1ce: {  	vm7 =	veq.s32 v56, $0x3;
	v50 =	vsub.f32 v54, v17;
	v5 =	vadd.f32 $0.0e+00, v51  }
0x1cf: {  	v1 =	vmul.f32 v1, v1;
	v37 =	vmul.f32 $1.442695020e+00, v61;
	v61 =	vsub.f32 v55, v17;
	v0 =	vpop (erf)  }
0x1d0: {  	(erf) = vpow2.f32 v30;
	v9 =	vadd.f32 v10, v9;
	v5 =	vadd.f32 v5, v0  }
0x1d1: {  	v0 =	vnsel vm7, $0x0, v48;
	(erf) = vpow2.f32 v37;
	v48 =	vmul.f32 $1.442695020e+00, v61  }
0x1d2: {  	vm7 =	veq.s32 v56, $0x4;
	v61 =	vmul.f32 $1.442695020e+00, v50;
	v9 =	vadd.f32 v0, v9  }
0x1d3: {  	v49 =	vpop (erf);
	v47 =	vnsel vm7, $0x0, v47;
	vm7 =	veq.s32 v56, $0x5;
	v0 =	vsub.f32 v53, v17  }
0x1d4: {  	v5 =	vadd.f32 v5, v49;
	(erf) = vpow2.f32 v48;
	v46 =	vnsel vm7, $0x0, v46  }
0x1d5: {  	v51 =	vpop (erf);
	v49 =	vsub.f32 v52, v17;
	vm7 =	veq.s32 v56, $0x6;
	v9 =	vadd.f32 v47, v9  }
0x1d6: {  	v48 =	vmul.f32 $1.442695020e+00, v0;
	v45 =	vnsel vm7, $0x0, v45;
	v5 =	vadd.f32 v5, v51  }
0x1d7: {  	v51 =	vmul.f32 $1.442695020e+00, v49;
	v49 =	vsub.f32 v25, v17;
	v47 =	vpop (erf);
	(erf) = vpow2.f32 v61  }
0x1d8: {  	vm7 =	veq.s32 v56, $0x7;
	v9 =	vadd.f32 v46, v9;
	v61 =	vsub.f32 v26, v17  }
0x1d9: {  	v44 =	vnsel vm7, $0x0, v44;
	v5 =	vadd.f32 v5, v47;
	v50 =	vpop (erf);
	(erf) = vpow2.f32 v48  }
0x1da: {  	vm7 =	veq.s32 v56, $0x8;
	v48 =	vmul.f32 $1.442695020e+00, v61;
	v9 =	vadd.f32 v45, v9  }
0x1db: {  	v61 =	vsub.f32 v24, v17;
	v5 =	vadd.f32 v5, v50;
	v0 =	vpop (erf);
	(erf) = vpow2.f32 v51  }
0x1dc: {  	v45 =	vsub.f32 v22, v17;
	v51 =	vmul.f32 $1.442695020e+00, v49;
	v9 =	vadd.f32 v44, v9  }
0x1dd: {  	v49 =	vsub.f32 v21, v17;
	v5 =	vadd.f32 v5, v0;
	v50 =	vpop (erf);
	(erf) = vpow2.f32 v48  }
0x1de: {  	v0 =	vnsel vm7, $0x0, v43;
	v43 =	vmul.f32 $1.442695020e+00, v61;
	vm7 =	veq.s32 v56, $0x9  }
0x1df: {  	v61 =	vsub.f32 v18, v17;
	v5 =	vadd.f32 v5, v50;
	(erf) = vpow2.f32 v51  }
0x1e0: {  	v9 =	vadd.f32 v0, v9;
	v46 =	vnsel vm7, $0x0, v42;
	v44 =	vpop (erf);
	(erf) = vpow2.f32 v43  }
0x1e1: {  	v48 =	vmul.f32 $1.442695020e+00, v45;
	vm7 =	veq.s32 v56, $0xA;
	v5 =	vadd.f32 v5, v44  }
0x1e2: {  	v51 =	vmul.f32 $1.442695020e+00, v49;
	v41 =	vnsel vm7, $0x0, v41;
	vm7 =	veq.s32 v56, $0xB;
	v47 =	vpop (erf)  }
0x1e3: {  	v9 =	vadd.f32 v46, v9;
	(erf) = vpow2.f32 v48;
	v5 =	vadd.f32 v5, v47  }
0x1e4: {  	v45 =	vsub.f32 v16, v17;
	v40 =	vnsel vm7, $0x0, v40;
	v44 =	vmul.f32 $1.442695020e+00, v61;
	v50 =	vpop (erf)  }
0x1e5: {  	v9 =	vadd.f32 v41, v9;
	(erf) = vpow2.f32 v51;
	v5 =	vadd.f32 v5, v50  }
0x1e6: {  	vm7 =	veq.s32 v56, $0xC;
	v48 =	vsub.f32 v15, v17;
	v47 =	vmul.f32 $1.442695020e+00, v45;
	v0 =	vpop (erf)  }
0x1e7: {  	v61 =	vld.idx.msk [tilespmem:v31+s7+$0x0], $0xffff;
	v9 =	vadd.f32 v40, v9;
	(erf) = vpow2.f32 v44;
	v5 =	vadd.f32 v5, v0  }
0x1e8: {  	v40 =	vnsel vm7, $0x0, v39;
	vm7 =	veq.s32 v56, $0xD;
	v51 =	vsub.f32 v12, v17;
	v46 =	vpop (erf)  }
0x1e9: {  	v50 =	vmul.f32 $1.442695020e+00, v48;
	v5 =	vadd.f32 v5, v46;
	v49 =	vpop (erf);
	(erf) = vpow2.f32 v47  }
0x1ea: {  	v1 =	vadd.f32 v8, v1;
	v41 =	vmul.f32 $1.442695020e+00, v51;
	v44 =	vnsel vm7, $0x0, v38  }
0x1eb: {  	vm7 =	veq.s32 v56, $0xE;
	(erf) = vpow2.f32 v50;
	v5 =	vadd.f32 v5, v49  }
0x1ec: {  	v42 =	vadd.f32 v40, v9;
	v10 =	vsub.f32 v61, v14;
	v47 =	vnsel vm7, $0x0, v20;
	v43 =	vpop (erf)  }
0x1ed: {  	vm7 =	veq.s32 v56, $0xF;
	v50 =	vld [tilespmem:$0x1FF60];
	(erf) = vpow2.f32 v41;
	v5 =	vadd.f32 v5, v43  }
0x1ee: {  	v8 =	vadd.f32 v44, v42;
	v10 =	vmul.f32 v10, v10;
	v51 =	vnsel vm7, $0x0, v34;
	v34 =	vld [tilespmem:$0x1FF90];
	v45 =	vpop (erf)  }
0x1ef: {  	v42 =	vshrl.u32 v28, $0x17;
	v46 =	vadd.f32 $-1.000000000e+00, v35;
	v49 =	vld [tilespmem:$0x1FF50];
	v5 =	vadd.f32 v5, v45  }
0x1f0: {  	v0 =	vadd.f32 v47, v8;
	vm7 =	veq.s32 v56, $0x10;
	v1 =	vadd.f32 v1, v10;
	v48 =	vpop (erf)  }
0x1f1: {  	v35 =	vnsel vm7, $0x0, v23;
	vm7 =	veq.s32 v56, $0x11;
	v5 =	vadd.f32 v5, v48  }
0x1f2: {  	v23 =	vand.u32 $0xFF, v42;
	v31 =	vadd.f32 v51, v0;
	v39 =	vnsel vm7, $0x0, v32;
	v61 =	vpop (erf)  }
0x1f3: {  	v1 =	vmul.f32 $5.000000000e+00, v1;
	v9 =	vtrunc.f32 v50;
	v5 =	vadd.f32 v5, v61  }
0x1f4: {  	v13 =	vsub.f32 v13, v34;
	v8 =	vmul.f32 v49, v46;
	v0 =	vcvt.f32.s32 v9;
	v37 =	vpop (erf)  }
0x1f5: {  	v9 =	vadd.f32 v35, v31;
	v35 =	vimm.s32 $0x0;
	v5 =	vadd.f32 v5, v37  }
0x1f6: {  	v47 =	vsel vm11, $0x1, v35;
	v13 =	vmul.f32 v13, v13;
	v14 =	vmul.f32 v8, v8;
	v41 =	vpop (erf)  }
0x1f7: {  	v9 =	vadd.f32 v39, v9;
	vm7 =	vlt.s32 v0, $0x1;
	v5 =	vadd.f32 v5, v41  }
0x1f8: {  	v3 =	vnsel vm7, $0x0, v3;
	vm7 =	veq.s32 v0, $0x1;
	v38 =	vmul.f32 $1.111111120e-01, v14  }
0x1f9: {  	v2 =	vnsel vm7, $0x0, v2;
	vm7 =	veq.s32 v0, $0x2;
	v43 =	vand.u32 $0x7FFFFF, v5  }
0x1fa: {  	v2 =	vadd.f32 v2, v3;
	v40 =	vadd.f32 $1.428571490e-01, v38;
	v3 =	vor.u32 $0x3F800000, v43  }
0x1fb: {  	v44 =	vnsel vm7, $0x0, v63;
	vm7 =	veq.s32 v0, $0x3;
	v45 =	vmul.f32 $5.000000000e-01, v3  }
0x1fc: {  	v46 =	vnsel vm7, $0x0, v62;
	v30 =	vmul.f32 v40, v14;
	vm7 =	vgt.f32 v3, $1.414213540e+00  }
0x1fd: {  	vm8 =	veq.s32 v0, $0x4;
	v8 =	vadd.f32 v8, v8;
	v3 =	vsel vm7, v45, v3  }
0x1fe: {  	v23 =	vadd.s32 v47, v23;
	v30 =	vadd.f32 $2.000000030e-01, v30;
	v49 =	vadd.f32 $1.000000000e+00, v3  }
0x1ff: {  	v48 =	vnsel vm8, $0x0, v60;
	vm8 =	veq.s32 v56, $0x12;
	v2 =	vadd.f32 v44, v2  }
0x200: {  	v51 =	vld [tilespmem:$0x1FF70];
	v23 =	vadd.s32 $0xFFFFFF81, v23;
	v30 =	vmul.f32 v30, v14;
	(erf) = vrcp.f32 v49  }
0x201: {  	v7 =	vadd.f32 v7, v13;
	v29 =	vnsel vm8, $0x0, v29;
	v2 =	vadd.f32 v46, v2  }
0x202: {  	vm8 =	veq.s32 v0, $0x5;
	v23 =	vcvt.s32.f32 v23;
	v30 =	vadd.f32 $3.333333430e-01, v30  }
0x203: {  	v50 =	vnsel vm8, $0x0, v59;
	vm8 =	vgt.s32 v56, $0x12;
	v2 =	vadd.f32 v48, v2  }
0x204: {  	v9 =	vadd.f32 v29, v9;
	v59 =	vadd.s32 $0x2, v19;
	v30 =	vmul.f32 v30, v14  }
0x205: {  	v56 =	vnsel vm8, $0x0, v51;
	vm8 =	veq.s32 v0, $0x6;
	v2 =	vadd.f32 v50, v2  }
0x206: {  	v19 =	vadd.s32 $0x3, v19;
	v57 =	vnsel vm8, $0x0, v57;
	v30 =	vadd.f32 $1.000000000e+00, v30  }
0x207: {  	v23 =	vmul.f32 $6.931471820e-01, v23;
	vm8 =	veq.s32 v0, $0x7;
	v2 =	vadd.f32 v57, v2  }
0x208: {  	v61 =	vld [tilespmem:$0x1FF80];
	v60 =	vnsel vm8, $0x0, v55;
	v3 =	vadd.f32 $-1.000000000e+00, v3;
	v8 =	vmul.f32 v30, v8  }
0x209: {  	v9 =	vadd.f32 v56, v9;
	vm8 =	veq.s32 v0, $0x8;
	v2 =	vadd.f32 v60, v2;
	v14 =	vpop (erf)  }
0x20a: {  	v63 =	vnsel vm8, $0x0, v54;
	v8 =	vadd.f32 v8, v23;
	v3 =	vmul.f32 v14, v3  }
0x20b: {  	v56 =	vadd.f32 $-1.000000000e+00, v11;
	vm8 =	veq.s32 v0, $0x9;
	v2 =	vadd.f32 v63, v2  }
0x20c: {  	v32 =	vnsel vm8, $0x0, v53;
	v8 =	vadd.f32 v8, v27;
	v27 =	vmul.f32 v3, v3  }
0x20d: {  	v62 =	vadd.f32 $-1.000000000e+00, v61;
	vm8 =	veq.s32 v0, $0xA;
	v2 =	vadd.f32 v32, v2  }
0x20e: {  	v47 =	vmul.f32 $5.000000000e-01, v61;
	v37 =	vnsel vm8, $0x0, v52;
	v40 =	vmul.f32 $1.111111120e-01, v27  }
0x20f: {  	v5 =	vshrl.u32 v5, $0x17;
	vm8 =	veq.s32 v0, $0xB;
	v2 =	vadd.f32 v37, v2  }
0x210: {  	v58 =	vmul.f32 v56, v56;
	v10 =	vld.idx.msk [tilespmem:v59+s7+$0x0], $0xffff;
	v39 =	vnsel vm8, $0x0, v26;
	v42 =	vadd.f32 $1.428571490e-01, v40  }
0x211: {  	v38 =	vld.idx.msk [tilespmem:v19+s7+$0x0], $0xffff;
	v5 =	vand.u32 $0xFF, v5;
	vm8 =	veq.s32 v0, $0xC;
	v2 =	vadd.f32 v39, v2  }
0x212: {  	v41 =	vnsel vm8, $0x0, v25;
	vm8 =	veq.s32 v0, $0xD;
	v44 =	vmul.f32 v42, v27  }
0x213: {  	v50 =	vsel vm7, $0x1, v35;
	vm7 =	veq.s32 v0, $0x11;
	v2 =	vadd.f32 v41, v2  }
0x214: {  	v43 =	vnsel vm8, $0x0, v24;
	vm8 =	veq.s32 v0, $0xE;
	v46 =	vadd.f32 $2.000000030e-01, v44  }
0x215: {  	v5 =	vadd.s32 v50, v5;
	v6 =	vsub.f32 v10, v6;
	v2 =	vadd.f32 v43, v2  }
0x216: {  	v4 =	vsub.f32 v38, v4;
	v45 =	vnsel vm8, $0x0, v22;
	v10 =	vmul.f32 v46, v27  }
0x217: {  	vm8 =	veq.s32 v0, $0xF;
	v6 =	vmul.f32 v6, v6;
	v2 =	vadd.f32 v45, v2  }
0x218: {  	v48 =	vnsel vm8, $0x0, v21;
	vm8 =	veq.s32 v0, $0x10;
	v10 =	vadd.f32 $3.333333430e-01, v10  }
0x219: {  	v4 =	vmul.f32 v4, v4;
	v6 =	vadd.f32 v7, v6;
	v2 =	vadd.f32 v48, v2  }
0x21a: {  	v52 =	vnsel vm7, $0x0, v16;
	v49 =	vnsel vm8, $0x0, v18;
	v51 =	vmul.f32 v10, v27  }
0x21b: {  	v5 =	vadd.s32 $0xFFFFFF81, v5;
	v4 =	vadd.f32 v6, v4;
	v2 =	vadd.f32 v49, v2  }
0x21c: {  	v5 =	vcvt.s32.f32 v5;
	v3 =	vadd.f32 v3, v3;
	v6 =	vadd.f32 $1.000000000e+00, v51  }
0x21d: {  	v59 =	vmul.f32 $5.000000000e-01, v11;
	vm7 =	veq.s32 v0, $0x12;
	v2 =	vadd.f32 v52, v2  }
0x21e: {  	v53 =	vnsel vm7, $0x0, v15;
	v55 =	vmul.f32 $6.931471820e-01, v5;
	v54 =	vmul.f32 v6, v3  }
0x21f: {  	vm7 =	vgt.s32 v0, $0x12;
	v23 =	vmul.f32 v62, v62;
	v2 =	vadd.f32 v53, v2  }
0x220: {  	v57 =	vnsel vm7, $0x0, v12;
	v4 =	vmul.f32 $5.000000000e+00, v4;
	v0 =	vadd.f32 v54, v55  }
0x221: {  	v7 =	vmul.f32 v47, v61;
	v62 =	vld [tilespmem:$0x1FFA0];
	v1 =	vadd.f32 v1, v23;
	v2 =	vadd.f32 v57, v2  }
0x222: {  	v60 =	vmul.f32 v59, v11;
	v63 =	vld [tilespmem:$0x1FFB0];
	v3 =	vadd.f32 v4, v58;
	v0 =	vadd.f32 v0, v17  }
0x223: {  	v1 =	vsub.f32 v1, v7;
	v61 =	vsub.f32 v8, v9  }
0x224: {  	v3 =	vsub.f32 v3, v60;
	v0 =	vsub.f32 v0, v2;
	_ =	sdelay $0x1  }
0x225: {  	vm7 =	veq.s32 v62, v33;
	v1 =	vadd.f32 v61, v1;
	v0 =	vadd.f32 v0, v3  }
0x226: {  	vm8 =	veq.s32 v63, v36;
	vm7 =	vmand vm7, vm15  }
0x227: {  	v1 =	vnsel vm8, $0x0, v1;
	v0 =	vnsel vm7, $0x0, v0  }
0x228: {  	v0 =	vadd.f32 v0, v1;
	_ =	sdelay $0x1  }
0x229: {  	v0 =	vmul.f32 $3.125000000e-02, v0  }
0x22a: {  	p0 =	sne.s32 s4, $0x1;
	s30 =	rddreg [dreg:$0x4]  }
.Ltmp0:
0x22b: {  	s31 =	rddreg [dreg:$0x1c];
	[tilespmem:$0x7800] =	vst v0;
	(pc) =	sbr.rel @p0 .LBB2_1-.Ltmp0, $4  }
0x22c: {  	[hbm4b:s30+s3] =	stream.linear.scatter [tilespmem:s31], [sflag:$0x2], $0x80, $0x38;
	[tilespmem:$0x7880] =	vst v63  }
0x22d: {  	_ =	swait.ge [sflag:s5], $0x80  }
0x22e: {  	[sflag:s5] =	ssyncset.done $0x0  }
0x22f: {  	s4 =	sadd.s32 $0xFFFFFFFF, s4;
	[sflag:s5] =	ssyncadd.s32 $0xFFFFFF80  }
0x230: {  	_ =	sfence.sel $0x180000  }
0x231: {  	[bflag:$0x0] =	sbarrier.arrive $0xFFFF  }
0x232: {  	p0 =	sne.s32 s0, $0x0;
	_ =	strace $0x90000047  }
0x233: {  	s0 =	sadd.s32 @!p0 $0x100000, s1;
	[bflag:$0x2] =	sbarrier.arrive $0xFFFF  }
0x234: {  	[sflag:s0] =	ssyncadd.tile.s32 @!p0 $0x1;
	_ =	shalt  }
.Lfunc_end2:
_tile_overlayer_lowered:
.L_overlay_start_2:
0x235: {  	(tag) =	ssettag $0x2  }
0x236: {  	s0 =	rddreg [dreg:$0x0];
	s2 =	stileid.u32  }
0x237: {  	s1 =	rddreg [dreg:$0x1];
	p0 =	sne.s32 s2, $0x0  }
0x238: {  	s3 =	rddreg [dreg:$0x2];
	[bflag:$0x3] =	sbarrier.arrive $0xFFFF;
	s2 =	simm.s32 @!p0 $0x1C02  }
0x239: {  	[timem:s3], [sflag:s2] =	dma.local @!p0 [hbm:s0], s1  }
0x23a: {  	s0 =	simm.s32 @!p0 $0x2  }
0x23b: {  	_ =	swait.ge @!p0 [sflag:s0], s1  }
0x23c: {  	s1 =	ssub.s32 @!p0 $0x0, s1;
	[sflag:s0] =	ssyncset.done @!p0 $0x0  }
0x23d: {  	[sflag:s0] =	ssyncadd.s32 @!p0 s1  }
0x23e: {  	[bflag:$0x3] =	sbarrier.arrive $0xFFFF  }
0x23f: {  	_ =	shalt  }

</sc_bundles>
